<compile_context>
chip_gen: v7x
topology: tpu7x:2x2x1
jax: 0.10.2.dev20260603
libtpu: 0.0.44.dev20260713+nightly
codegen_flags: <defaults>
</compile_context>

<pallas_src>
import jax
import jax.numpy as jnp
from jax import lax
from jax.experimental import pallas as pl
from jax.experimental.pallas import tpu as pltpu
from jax.experimental.pallas import tpu_sc as plsc

N = 10000
ND = 10016
D = 128
DH = 64
E = 320000
NC = 2
NS = 16
L = 16
K = 80
EPT = E // NS
NBLK = 5
BCH = EPT // K // NBLK
RPT = N // NS
RD = 640
RBF = 125
MB = 2000


def _mm_body(x_ref, w_ref, o_ref):
    o_ref[...] = jnp.dot(x_ref[0], w_ref[0],
                         preferred_element_type=jnp.float32)[None]


def _premultiply(xs, Ws):
    return pl.pallas_call(
        _mm_body,
        grid=(2, N // MB),
        in_specs=[
            pl.BlockSpec((1, MB, D), lambda i, j: (i, j, 0)),
            pl.BlockSpec((1, D, D), lambda i, j: (i, 0, 0)),
        ],
        out_specs=pl.BlockSpec((1, MB, D), lambda i, j: (i, j, 0)),
        out_shape=jax.ShapeDtypeStruct((2, N, D), jnp.float32),
    )(xs, Ws)


def _sc_body(table_hbm, src_hbm, dst_hbm, bias_hbm, zacc_hbm,
             out_hbm,
             sidx_blk, didx_blk, fbuf, obuf, dsum, ones_v, bbuf,
             acc, deg, gsem):
    c = lax.axis_index("c")
    t = lax.axis_index("s")
    r0 = t * RPT
    s0 = lax.rem(r0, 8)
    a0 = pl.multiple_of(r0 - s0, 8)

    ones16 = jnp.ones((L,), jnp.float32)
    zeros16 = jnp.zeros((L,), jnp.float32)
    coff = jnp.full((L,), c * 2 * N, jnp.int32)

    def _fill(ref, n, vec):
        def body(i, _):
            ref[pl.ds(i * L, L)] = vec
            return 0
        lax.fori_loop(0, n // L, body, 0)

    _fill(ones_v, K, ones16)

    for rel in range(2):
        pltpu.sync_copy(zacc_hbm, acc.at[pl.ds(r0, RPT)])
        _fill(dsum, RD, zeros16)
        pltpu.sync_copy(dsum, deg.at[pl.ds(a0, RD)])

        plsc.subcore_barrier()

        rb = rel * (E // K) + t * (EPT // K)

        def _block(b, _):
            pltpu.sync_copy(src_hbm.at[pl.ds(rb + b * BCH, BCH)], sidx_blk)
            pltpu.sync_copy(dst_hbm.at[pl.ds(rb + b * BCH, BCH)], didx_blk)

            def _shift(r, _):
                for u in range(K // L):
                    sl = pl.ds(u * L, L)
                    sidx_blk[r, sl] = sidx_blk[r, sl] + coff
                return 0
            lax.fori_loop(0, BCH, _shift, 0)

            def _chunk(j, _):
                pltpu.async_copy(table_hbm.at[sidx_blk.at[j]], fbuf,
                                 gsem).wait()
                pltpu.sync_copy(fbuf, acc.at[didx_blk.at[j]], add=True)
                pltpu.sync_copy(ones_v, deg.at[didx_blk.at[j]], add=True)
                return 0
            lax.fori_loop(0, BCH, _chunk, 0)
            return 0
        lax.fori_loop(0, NBLK, _block, 0)

        plsc.subcore_barrier()

        pltpu.sync_copy(deg.at[pl.ds(a0, RD)], dsum)
        pltpu.sync_copy(bias_hbm.at[pl.ds(rel * D + c * DH, DH)], bbuf)

        for q in range(RPT // RBF):
            pltpu.sync_copy(acc.at[pl.ds(r0 + q * RBF, RBF)], obuf)

            def _finish(r, _):
                ridx = jnp.full((L,), s0 + q * RBF, jnp.int32) + \
                    jnp.full((L,), r, jnp.int32)
                dvec = plsc.load_gather(dsum, [ridx])
                inv = 1.0 / jnp.maximum(dvec, 1.0)
                for f in range(DH // L):
                    sl = pl.ds(f * L, L)
                    obuf[r, sl] = obuf[r, sl] * inv + bbuf[sl]
                return 0
            lax.fori_loop(0, RBF, _finish, 0)

            pltpu.sync_copy(obuf,
                            out_hbm.at[rel, c, pl.ds(r0 + q * RBF, RBF)])

        plsc.subcore_barrier()


def _sc_conv(table, src, dst, bias, zacc):
    mesh = plsc.VectorSubcoreMesh(core_axis_name="c", subcore_axis_name="s",
                                  num_cores=NC, num_subcores=NS)
    return pl.kernel(
        _sc_body,
        out_type=jax.ShapeDtypeStruct((2, NC, N, DH), jnp.float32),
        mesh=mesh,
        compiler_params=pltpu.CompilerParams(use_tc_tiling_on_sc=False,
                                             needs_layout_passes=False),
        scratch_types=[
            pltpu.VMEM((BCH, K), jnp.int32),
            pltpu.VMEM((BCH, K), jnp.int32),
            pltpu.VMEM((K, DH), jnp.float32),
            pltpu.VMEM((RBF, DH), jnp.float32),
            pltpu.VMEM((RD,), jnp.float32),
            pltpu.VMEM((K,), jnp.float32),
            pltpu.VMEM((DH,), jnp.float32),
            pltpu.VMEM_SHARED((N, DH), jnp.float32),
            pltpu.VMEM_SHARED((ND,), jnp.float32),
            pltpu.SemaphoreType.DMA,
        ],
    )(table, src, dst, bias, zacc)


def kernel(x_user, x_item, edge_index_rates, edge_index_rev,
           W_rates, b_rates, W_rev, b_rev):
    xs = jnp.stack([x_item, x_user])
    Ws = jnp.stack([W_rev, W_rates])
    y = _premultiply(xs, Ws).reshape(NC * N, D)

    table = jnp.concatenate([y[:, :DH], y[:, DH:]], axis=0)

    src = jnp.concatenate([
        edge_index_rev[0].astype(jnp.int32),
        edge_index_rates[0].astype(jnp.int32) + N,
    ]).reshape(2 * E // K, K)
    dst = jnp.concatenate([
        edge_index_rev[1].astype(jnp.int32),
        edge_index_rates[1].astype(jnp.int32),
    ]).reshape(2 * E // K, K)
    bias = jnp.concatenate([b_rev, b_rates])
    zacc = jnp.zeros((RPT, DH), jnp.float32)

    out = _sc_conv(table, src, dst, bias, zacc)
    return jnp.concatenate([out[:, 0], out[:, 1]], axis=-1)

# --- scband reference (transcript-rebuilt; emitter-appended) ---
"""Pipeline reference for scband-hetero-graph-conv-37211596652681 (READ-ONLY COPY).

The authoritative reference and input builder live on the scoring server;
editing this copy changes nothing except your own understanding.
"""

import jax, jax.numpy as jnp
import numpy as np

N_USER = 10000
N_ITEM = 10000
E = 320000
D = 128


def _graph_conv(x_src, edge_index, n_dst, W, b):
    # Bipartite mean-aggregation GraphConv: h_dst = mean_{e:(s->d)} x_src[s] @ W + b
    src = edge_index[0]
    dst = edge_index[1]
    msgs = jnp.take(x_src, src, axis=0)                                   # gather [E, D]
    agg = jax.ops.segment_sum(msgs, dst, num_segments=n_dst)              # scatter-add [n_dst, D]
    deg = jax.ops.segment_sum(jnp.ones((msgs.shape[0],), x_src.dtype), dst, num_segments=n_dst)
    agg = agg / jnp.clip(deg, 1.0)[:, None]
    return agg @ W + b


def setup_inputs(seed: int = 0) -> dict:
    key = jax.random.key(seed)
    ks = jax.random.split(key, 8)
    x_user = jax.random.normal(ks[0], (N_USER, D), dtype=jnp.float32)
    x_item = jax.random.normal(ks[1], (N_ITEM, D), dtype=jnp.float32)
    edge_index_rates = jax.random.randint(ks[2], (2, E), 0, N_USER, dtype=jnp.int64)  # user -> item
    edge_index_rev = jax.random.randint(ks[3], (2, E), 0, N_ITEM, dtype=jnp.int64)    # item -> user
    W_rates = jax.random.normal(ks[4], (D, D), dtype=jnp.float32) * (1.0 / np.sqrt(D))
    b_rates = jnp.zeros((D,), dtype=jnp.float32)
    W_rev = jax.random.normal(ks[5], (D, D), dtype=jnp.float32) * (1.0 / np.sqrt(D))
    b_rev = jnp.zeros((D,), dtype=jnp.float32)
    return {
        "x_user": x_user,
        "x_item": x_item,
        "edge_index_rates": edge_index_rates,
        "edge_index_rev": edge_index_rev,
        "W_rates": W_rates,
        "b_rates": b_rates,
        "W_rev": W_rev,
        "b_rev": b_rev,
    }


def reference(x_user, x_item, edge_index_rates, edge_index_rev, W_rates, b_rates, W_rev, b_rev):
    # HeteroGraphConv over relations:
    #   ('user','rates','item')     -> writes to 'item'
    #   ('item','rev_rates','user') -> writes to 'user'
    # Each dst type receives exactly one relation, so counts[dty] == 1 and the
    # final division by counts is a no-op (kept faithful: divide by 1.0).
    out_item = _graph_conv(x_user, edge_index_rates, N_ITEM, W_rates, b_rates)
    out_user = _graph_conv(x_item, edge_index_rev, N_USER, W_rev, b_rev)
    out_item = out_item / 1.0
    out_user = out_user / 1.0
    # Stack per-dst-type outputs (both [10000, 128]) into one array [2, 10000, 128]
    return jnp.stack([out_user, out_item], axis=0)

if __name__ == "__main__":
    import jax
    _d = setup_inputs()
    print(jax.jit(kernel)(*tuple(_d.values())))

</pallas_src>

<mosaic_0001>
#map = affine_map<(d0, d1) -> (0, 0)>
#map1 = affine_map<(d0, d1) -> (0)>
#map2 = affine_map<(d0, d1) -> (0, 0, 0, 0)>
module attributes {stable_mosaic.version = 14 : i64} {
  func.func @_sc_body(%arg0: i32, %arg1: i32, %arg2: memref<40000x64xf32, #tpu.memory_space<hbm>>, %arg3: memref<8000x80xi32, #tpu.memory_space<hbm>>, %arg4: memref<8000x80xi32, #tpu.memory_space<hbm>>, %arg5: memref<256xf32, #tpu.memory_space<hbm>>, %arg6: memref<625x64xf32, #tpu.memory_space<hbm>>, %arg7: memref<2x2x10000x64xf32, #tpu.memory_space<hbm>>, %arg8: memref<50x80xi32, #tpu.memory_space<vmem>>, %arg9: memref<50x80xi32, #tpu.memory_space<vmem>>, %arg10: memref<80x64xf32, #tpu.memory_space<vmem>>, %arg11: memref<125x64xf32, #tpu.memory_space<vmem>>, %arg12: memref<640xf32, #tpu.memory_space<vmem>>, %arg13: memref<80xf32, #tpu.memory_space<vmem>>, %arg14: memref<64xf32, #tpu.memory_space<vmem>>, %arg15: memref<10000x64xf32, #tpu.memory_space<vmem_shared>>, %arg16: memref<10016xf32, #tpu.memory_space<vmem_shared>>, %arg17: memref<!tpu.dma_semaphore, #tpu.memory_space<semaphore_mem>>) attributes {dimension_semantics = [#tpu.dimension_semantics<core_parallel>, #tpu.dimension_semantics<subcore_parallel>], iteration_bounds = array<i64: 2, 16>, scalar_prefetch = 0 : i64, scratch_operands = 10 : i64, tpu.core_type = #tpu.core_type<sc_vector_subcore>, window_params = [{transform_indices = #map}, {transform_indices = #map}, {transform_indices = #map}, {transform_indices = #map1}, {transform_indices = #map}, {transform_indices = #map2}]} {
    %mul3A = arith.constant 625 : i32
    %mul3A_0 = arith.muli %arg1, %mul3A : i32
    %rem3A = arith.constant 8 : i32
    %rem3A_1 = arith.remsi %mul3A_0, %rem3A : i32
    %sub3A = arith.subi %mul3A_0, %rem3A_1 : i32
    %multiple_of3A = tpu.assume_multiple %sub3A, 8 : i32
    %broadcast_in_dim3A = arith.constant 1.000000e+00 : f32
    %broadcast_in_dim3A_2 = vector.broadcast %broadcast_in_dim3A : f32 to vector<16xf32>
    %broadcast_in_dim3A_3 = arith.constant 0.000000e+00 : f32
    %broadcast_in_dim3A_4 = vector.broadcast %broadcast_in_dim3A_3 : f32 to vector<16xf32>
    %mul3A_5 = arith.constant 2 : i32
    %mul3A_6 = arith.muli %arg0, %mul3A_5 : i32
    %mul3A_7 = arith.constant 10000 : i32
    %mul3A_8 = arith.muli %mul3A_6, %mul3A_7 : i32
    %broadcast_in_dim3A_9 = vector.broadcast %mul3A_8 : i32 to vector<16xi32>
    %scan3A = arith.constant 0 : i32
    %scan3A_10 = arith.constant 0 : i32
    %scan3A_11 = arith.constant 5 : i32
    %scan3A_12 = arith.addi %scan3A_10, %scan3A_11 : i32
    %scan3A_13 = arith.constant 1 : i32
    %scan3A_14 = scf.for %scan3A_183 = %scan3A_10 to %scan3A_12 step %scan3A_13 iter_args(%scan3A_184 = %scan3A) -> (i32)  : i32 {
      %mul3A_185 = arith.constant 16 : i32
      %mul3A_186 = arith.muli %scan3A_183, %mul3A_185 : i32
      %swap3A = arith.index_cast %mul3A_186 : i32 to index
      %swap3A_187 = tpu.vector_load %arg13[%swap3A] {strides = array<i32>} : memref<80xf32, #tpu.memory_space<vmem>>, vector<16xf32>,
      tpu.vector_store %arg13[%swap3A], %broadcast_in_dim3A_2 {strides = array<i32>} : memref<80xf32, #tpu.memory_space<vmem>>, vector<16xf32>,
      %scan3A_188 = arith.constant 0 : i32
      scf.yield %scan3A_188 : i32
    }
    %scan3A_15 = arith.constant 5 : i32
    "tpu.region"() ({
      %run_scoped3A_183 = tpu.sem_alloc : memref<!tpu.dma_semaphore, #tpu.memory_space<semaphore_mem>>
      %dma_start3A = arith.constant 0 : i32
      %dma_start3A_184 = tpu.memref_slice %arg15[%mul3A_0, %dma_start3A] : memref<10000x64xf32, #tpu.memory_space<vmem_shared>> -> memref<625x64xf32, #tpu.memory_space<vmem_shared>>
      tpu.enqueue_dma source(%arg6 : memref<625x64xf32, #tpu.memory_space<hbm>>) target(%dma_start3A_184 : memref<625x64xf32, #tpu.memory_space<vmem_shared>>) target_semaphore(%run_scoped3A_183 : memref<!tpu.dma_semaphore, #tpu.memory_space<semaphore_mem>>)
      %dma_wait3A = arith.constant 0 : i32
      %dma_wait3A_185 = tpu.memref_slice %arg15[%mul3A_0, %dma_wait3A] : memref<10000x64xf32, #tpu.memory_space<vmem_shared>> -> memref<625x64xf32, #tpu.memory_space<vmem_shared>>
      tpu.wait_dma2 semaphore(%run_scoped3A_183 : memref<!tpu.dma_semaphore, #tpu.memory_space<semaphore_mem>>) src(%arg6 : memref<625x64xf32, #tpu.memory_space<hbm>>) dst(%dma_wait3A_185 : memref<625x64xf32, #tpu.memory_space<vmem_shared>>)
      tpu.yield
    }) : () -> ()
    %scan3A_16 = arith.constant 0 : i32
    %scan3A_17 = arith.constant 0 : i32
    %scan3A_18 = arith.constant 40 : i32
    %scan3A_19 = arith.addi %scan3A_17, %scan3A_18 : i32
    %scan3A_20 = arith.constant 1 : i32
    %scan3A_21 = scf.for %scan3A_183 = %scan3A_17 to %scan3A_19 step %scan3A_20 iter_args(%scan3A_184 = %scan3A_16) -> (i32)  : i32 {
      %mul3A_185 = arith.constant 16 : i32
      %mul3A_186 = arith.muli %scan3A_183, %mul3A_185 : i32
      %swap3A = arith.index_cast %mul3A_186 : i32 to index
      %swap3A_187 = tpu.vector_load %arg12[%swap3A] {strides = array<i32>} : memref<640xf32, #tpu.memory_space<vmem>>, vector<16xf32>,
      tpu.vector_store %arg12[%swap3A], %broadcast_in_dim3A_4 {strides = array<i32>} : memref<640xf32, #tpu.memory_space<vmem>>, vector<16xf32>,
      %scan3A_188 = arith.constant 0 : i32
      scf.yield %scan3A_188 : i32
    }
    %scan3A_22 = arith.constant 40 : i32
    "tpu.region"() ({
      %run_scoped3A_183 = tpu.sem_alloc : memref<!tpu.dma_semaphore, #tpu.memory_space<semaphore_mem>>
      %dma_start3A = tpu.memref_slice %arg16[%multiple_of3A] : memref<10016xf32, #tpu.memory_space<vmem_shared>> -> memref<640xf32, #tpu.memory_space<vmem_shared>>
      %dma_start3A_184 = tpu.memref_slice %arg16[%multiple_of3A] : memref<10016xf32, #tpu.memory_space<vmem_shared>> -> memref<640xf32, #tpu.memory_space<vmem_shared>>
      tpu.enqueue_dma source(%arg12 : memref<640xf32, #tpu.memory_space<vmem>>) target(%dma_start3A_184 : memref<640xf32, #tpu.memory_space<vmem_shared>>) target_semaphore(%run_scoped3A_183 : memref<!tpu.dma_semaphore, #tpu.memory_space<semaphore_mem>>)
      %dma_wait3A = tpu.memref_slice %arg16[%multiple_of3A] : memref<10016xf32, #tpu.memory_space<vmem_shared>> -> memref<640xf32, #tpu.memory_space<vmem_shared>>
      %dma_wait3A_185 = tpu.memref_slice %arg16[%multiple_of3A] : memref<10016xf32, #tpu.memory_space<vmem_shared>> -> memref<640xf32, #tpu.memory_space<vmem_shared>>
      tpu.wait_dma2 semaphore(%run_scoped3A_183 : memref<!tpu.dma_semaphore, #tpu.memory_space<semaphore_mem>>) src(%arg12 : memref<640xf32, #tpu.memory_space<vmem>>) dst(%dma_wait3A_185 : memref<640xf32, #tpu.memory_space<vmem_shared>>)
      tpu.yield
    }) : () -> ()
    %barrier3A = arith.constant 0 : index
    tpu.barrier barrier_id(%barrier3A)
    %mul3A_23 = arith.constant 250 : i32
    %mul3A_24 = arith.muli %arg1, %mul3A_23 : i32
    %add3A = arith.constant 0 : i32
    %add3A_25 = arith.addi %add3A, %mul3A_24 : i32
    %scan3A_26 = arith.constant 0 : i32
    %scan3A_27 = arith.constant 0 : i32
    %scan3A_28 = arith.constant 5 : i32
    %scan3A_29 = arith.addi %scan3A_27, %scan3A_28 : i32
    %scan3A_30 = arith.constant 1 : i32
    %scan3A_31 = scf.for %scan3A_183 = %scan3A_27 to %scan3A_29 step %scan3A_30 iter_args(%scan3A_184 = %scan3A_26) -> (i32)  : i32 {
      %mul3A_185 = arith.constant 50 : i32
      %mul3A_186 = arith.muli %scan3A_183, %mul3A_185 : i32
      %add3A_187 = arith.addi %add3A_25, %mul3A_186 : i32
      "tpu.region"() ({
        %run_scoped3A_206 = tpu.sem_alloc : memref<!tpu.dma_semaphore, #tpu.memory_space<semaphore_mem>>
        %dma_start3A = arith.constant 0 : i32
        %dma_start3A_207 = tpu.memref_slice %arg3[%add3A_187, %dma_start3A] : memref<8000x80xi32, #tpu.memory_space<hbm>> -> memref<50x80xi32, #tpu.memory_space<hbm>>
        %dma_start3A_208 = arith.constant 0 : i32
        %dma_start3A_209 = tpu.memref_slice %arg3[%add3A_187, %dma_start3A_208] : memref<8000x80xi32, #tpu.memory_space<hbm>> -> memref<50x80xi32, #tpu.memory_space<hbm>>
        tpu.enqueue_dma source(%dma_start3A_209 : memref<50x80xi32, #tpu.memory_space<hbm>>) target(%arg8 : memref<50x80xi32, #tpu.memory_space<vmem>>) target_semaphore(%run_scoped3A_206 : memref<!tpu.dma_semaphore, #tpu.memory_space<semaphore_mem>>)
        %dma_wait3A = arith.constant 0 : i32
        %dma_wait3A_210 = tpu.memref_slice %arg3[%add3A_187, %dma_wait3A] : memref<8000x80xi32, #tpu.memory_space<hbm>> -> memref<50x80xi32, #tpu.memory_space<hbm>>
        %dma_wait3A_211 = arith.constant 0 : i32
        %dma_wait3A_212 = tpu.memref_slice %arg3[%add3A_187, %dma_wait3A_211] : memref<8000x80xi32, #tpu.memory_space<hbm>> -> memref<50x80xi32, #tpu.memory_space<hbm>>
        tpu.wait_dma2 semaphore(%run_scoped3A_206 : memref<!tpu.dma_semaphore, #tpu.memory_space<semaphore_mem>>) src(%dma_wait3A_212 : memref<50x80xi32, #tpu.memory_space<hbm>>) dst(%arg8 : memref<50x80xi32, #tpu.memory_space<vmem>>)
        tpu.yield
      }) : () -> ()
      %mul3A_188 = arith.constant 50 : i32
      %mul3A_189 = arith.muli %scan3A_183, %mul3A_188 : i32
      %add3A_190 = arith.addi %add3A_25, %mul3A_189 : i32
      "tpu.region"() ({
        %run_scoped3A_206 = tpu.sem_alloc : memref<!tpu.dma_semaphore, #tpu.memory_space<semaphore_mem>>
        %dma_start3A = arith.constant 0 : i32
        %dma_start3A_207 = tpu.memref_slice %arg4[%add3A_190, %dma_start3A] : memref<8000x80xi32, #tpu.memory_space<hbm>> -> memref<50x80xi32, #tpu.memory_space<hbm>>
        %dma_start3A_208 = arith.constant 0 : i32
        %dma_start3A_209 = tpu.memref_slice %arg4[%add3A_190, %dma_start3A_208] : memref<8000x80xi32, #tpu.memory_space<hbm>> -> memref<50x80xi32, #tpu.memory_space<hbm>>
        tpu.enqueue_dma source(%dma_start3A_209 : memref<50x80xi32, #tpu.memory_space<hbm>>) target(%arg9 : memref<50x80xi32, #tpu.memory_space<vmem>>) target_semaphore(%run_scoped3A_206 : memref<!tpu.dma_semaphore, #tpu.memory_space<semaphore_mem>>)
        %dma_wait3A = arith.constant 0 : i32
        %dma_wait3A_210 = tpu.memref_slice %arg4[%add3A_190, %dma_wait3A] : memref<8000x80xi32, #tpu.memory_space<hbm>> -> memref<50x80xi32, #tpu.memory_space<hbm>>
        %dma_wait3A_211 = arith.constant 0 : i32
        %dma_wait3A_212 = tpu.memref_slice %arg4[%add3A_190, %dma_wait3A_211] : memref<8000x80xi32, #tpu.memory_space<hbm>> -> memref<50x80xi32, #tpu.memory_space<hbm>>
        tpu.wait_dma2 semaphore(%run_scoped3A_206 : memref<!tpu.dma_semaphore, #tpu.memory_space<semaphore_mem>>) src(%dma_wait3A_212 : memref<50x80xi32, #tpu.memory_space<hbm>>) dst(%arg9 : memref<50x80xi32, #tpu.memory_space<vmem>>)
        tpu.yield
      }) : () -> ()
      %scan3A_191 = arith.constant 0 : i32
      %scan3A_192 = arith.constant 0 : i32
      %scan3A_193 = arith.constant 50 : i32
      %scan3A_194 = arith.addi %scan3A_192, %scan3A_193 : i32
      %scan3A_195 = arith.constant 1 : i32
      %scan3A_196 = scf.for %scan3A_206 = %scan3A_192 to %scan3A_194 step %scan3A_195 iter_args(%scan3A_207 = %scan3A_191) -> (i32)  : i32 {
        %get3A = arith.index_cast %scan3A_206 : i32 to index
        %get3A_208 = arith.constant 0 : index
        %get3A_209 = tpu.vector_load %arg8[%get3A, %get3A_208] {strides = array<i32>} : memref<50x80xi32, #tpu.memory_space<vmem>>, vector<16xi32>,
        %add3A_210 = arith.addi %get3A_209, %broadcast_in_dim3A_9 : vector<16xi32>
        %swap3A = arith.index_cast %scan3A_206 : i32 to index
        %swap3A_211 = arith.constant 0 : index
        %swap3A_212 = tpu.vector_load %arg8[%swap3A, %swap3A_211] {strides = array<i32>} : memref<50x80xi32, #tpu.memory_space<vmem>>, vector<16xi32>,
        tpu.vector_store %arg8[%swap3A, %swap3A_211], %add3A_210 {strides = array<i32>} : memref<50x80xi32, #tpu.memory_space<vmem>>, vector<16xi32>,
        %get3A_213 = arith.index_cast %scan3A_206 : i32 to index
        %get3A_214 = arith.constant 16 : index
        %get3A_215 = tpu.vector_load %arg8[%get3A_213, %get3A_214] {strides = array<i32>} : memref<50x80xi32, #tpu.memory_space<vmem>>, vector<16xi32>,
        %add3A_216 = arith.addi %get3A_215, %broadcast_in_dim3A_9 : vector<16xi32>
        %swap3A_217 = arith.index_cast %scan3A_206 : i32 to index
        %swap3A_218 = arith.constant 16 : index
        %swap3A_219 = tpu.vector_load %arg8[%swap3A_217, %swap3A_218] {strides = array<i32>} : memref<50x80xi32, #tpu.memory_space<vmem>>, vector<16xi32>,
        tpu.vector_store %arg8[%swap3A_217, %swap3A_218], %add3A_216 {strides = array<i32>} : memref<50x80xi32, #tpu.memory_space<vmem>>, vector<16xi32>,
        %get3A_220 = arith.index_cast %scan3A_206 : i32 to index
        %get3A_221 = arith.constant 32 : index
        %get3A_222 = tpu.vector_load %arg8[%get3A_220, %get3A_221] {strides = array<i32>} : memref<50x80xi32, #tpu.memory_space<vmem>>, vector<16xi32>,
        %add3A_223 = arith.addi %get3A_222, %broadcast_in_dim3A_9 : vector<16xi32>
        %swap3A_224 = arith.index_cast %scan3A_206 : i32 to index
        %swap3A_225 = arith.constant 32 : index
        %swap3A_226 = tpu.vector_load %arg8[%swap3A_224, %swap3A_225] {strides = array<i32>} : memref<50x80xi32, #tpu.memory_space<vmem>>, vector<16xi32>,
        tpu.vector_store %arg8[%swap3A_224, %swap3A_225], %add3A_223 {strides = array<i32>} : memref<50x80xi32, #tpu.memory_space<vmem>>, vector<16xi32>,
        %get3A_227 = arith.index_cast %scan3A_206 : i32 to index
        %get3A_228 = arith.constant 48 : index
        %get3A_229 = tpu.vector_load %arg8[%get3A_227, %get3A_228] {strides = array<i32>} : memref<50x80xi32, #tpu.memory_space<vmem>>, vector<16xi32>,
        %add3A_230 = arith.addi %get3A_229, %broadcast_in_dim3A_9 : vector<16xi32>
        %swap3A_231 = arith.index_cast %scan3A_206 : i32 to index
        %swap3A_232 = arith.constant 48 : index
        %swap3A_233 = tpu.vector_load %arg8[%swap3A_231, %swap3A_232] {strides = array<i32>} : memref<50x80xi32, #tpu.memory_space<vmem>>, vector<16xi32>,
        tpu.vector_store %arg8[%swap3A_231, %swap3A_232], %add3A_230 {strides = array<i32>} : memref<50x80xi32, #tpu.memory_space<vmem>>, vector<16xi32>,
        %get3A_234 = arith.index_cast %scan3A_206 : i32 to index
        %get3A_235 = arith.constant 64 : index
        %get3A_236 = tpu.vector_load %arg8[%get3A_234, %get3A_235] {strides = array<i32>} : memref<50x80xi32, #tpu.memory_space<vmem>>, vector<16xi32>,
        %add3A_237 = arith.addi %get3A_236, %broadcast_in_dim3A_9 : vector<16xi32>
        %swap3A_238 = arith.index_cast %scan3A_206 : i32 to index
        %swap3A_239 = arith.constant 64 : index
        %swap3A_240 = tpu.vector_load %arg8[%swap3A_238, %swap3A_239] {strides = array<i32>} : memref<50x80xi32, #tpu.memory_space<vmem>>, vector<16xi32>,
        tpu.vector_store %arg8[%swap3A_238, %swap3A_239], %add3A_237 {strides = array<i32>} : memref<50x80xi32, #tpu.memory_space<vmem>>, vector<16xi32>,
        %scan3A_241 = arith.constant 0 : i32
        scf.yield %scan3A_241 : i32
      }
      %scan3A_197 = arith.constant 50 : i32
      %scan3A_198 = arith.constant 0 : i32
      %scan3A_199 = arith.constant 0 : i32
      %scan3A_200 = arith.constant 50 : i32
      %scan3A_201 = arith.addi %scan3A_199, %scan3A_200 : i32
      %scan3A_202 = arith.constant 1 : i32
      %scan3A_203 = scf.for %scan3A_206 = %scan3A_199 to %scan3A_201 step %scan3A_202 iter_args(%scan3A_207 = %scan3A_198) -> (i32)  : i32 {
        %dma_start3A = arith.constant 0 : i32
        %dma_start3A_208 = tpu.memref_slice %arg8[%scan3A_206, %dma_start3A] : memref<50x80xi32, #tpu.memory_space<vmem>> -> memref<1x80xi32, #tpu.memory_space<vmem>>
        %dma_start3A_209 = tpu.memref_squeeze %dma_start3A_208 : memref<1x80xi32, #tpu.memory_space<vmem>> -> memref<80xi32, #tpu.memory_space<vmem>>
        %dma_start3A_210 = arith.constant 0 : i32
        %dma_start3A_211 = arith.constant 0 : i32
        %dma_start3A_212 = tpu.memref_slice %arg2[%dma_start3A_210, %dma_start3A_211] : memref<40000x64xf32, #tpu.memory_space<hbm>> -> memref<40000x64xf32, #tpu.memory_space<hbm>>
        tpu.enqueue_indirect_dma source(%dma_start3A_212 : memref<40000x64xf32, #tpu.memory_space<hbm>>) target(%arg10 : memref<80x64xf32, #tpu.memory_space<vmem>>) offsets(%dma_start3A_209 : memref<80xi32, #tpu.memory_space<vmem>>) semaphore(%arg17 : memref<!tpu.dma_semaphore, #tpu.memory_space<semaphore_mem>>)
        %dma_wait3A = arith.constant 0 : i32
        %dma_wait3A_213 = tpu.memref_slice %arg8[%scan3A_206, %dma_wait3A] : memref<50x80xi32, #tpu.memory_space<vmem>> -> memref<1x80xi32, #tpu.memory_space<vmem>>
        %dma_wait3A_214 = tpu.memref_squeeze %dma_wait3A_213 : memref<1x80xi32, #tpu.memory_space<vmem>> -> memref<80xi32, #tpu.memory_space<vmem>>
        %dma_wait3A_215 = arith.constant 0 : i32
        %dma_wait3A_216 = arith.constant 0 : i32
        %dma_wait3A_217 = tpu.memref_slice %arg2[%dma_wait3A_215, %dma_wait3A_216] : memref<40000x64xf32, #tpu.memory_space<hbm>> -> memref<40000x64xf32, #tpu.memory_space<hbm>>
        tpu.wait_indirect_dma semaphore(%arg17 : memref<!tpu.dma_semaphore, #tpu.memory_space<semaphore_mem>>) src(%dma_wait3A_217 : memref<40000x64xf32, #tpu.memory_space<hbm>>) dst(%arg10 : memref<80x64xf32, #tpu.memory_space<vmem>>)
        "tpu.region"() ({
          %run_scoped3A_219 = tpu.sem_alloc : memref<!tpu.dma_semaphore, #tpu.memory_space<semaphore_mem>>
          %dma_start3A_220 = arith.constant 0 : i32
          %dma_start3A_221 = tpu.memref_slice %arg9[%scan3A_206, %dma_start3A_220] : memref<50x80xi32, #tpu.memory_space<vmem>> -> memref<1x80xi32, #tpu.memory_space<vmem>>
          %dma_start3A_222 = tpu.memref_squeeze %dma_start3A_221 : memref<1x80xi32, #tpu.memory_space<vmem>> -> memref<80xi32, #tpu.memory_space<vmem>>
          %dma_start3A_223 = arith.constant 0 : i32
          %dma_start3A_224 = arith.constant 0 : i32
          %dma_start3A_225 = tpu.memref_slice %arg15[%dma_start3A_223, %dma_start3A_224] : memref<10000x64xf32, #tpu.memory_space<vmem_shared>> -> memref<10000x64xf32, #tpu.memory_space<vmem_shared>>
          tpu.enqueue_indirect_dma source(%arg10 : memref<80x64xf32, #tpu.memory_space<vmem>>) target(%dma_start3A_225 : memref<10000x64xf32, #tpu.memory_space<vmem_shared>>) offsets(%dma_start3A_222 : memref<80xi32, #tpu.memory_space<vmem>>) semaphore(%run_scoped3A_219 : memref<!tpu.dma_semaphore, #tpu.memory_space<semaphore_mem>>) {add = true}
          %dma_wait3A_226 = arith.constant 0 : i32
          %dma_wait3A_227 = tpu.memref_slice %arg9[%scan3A_206, %dma_wait3A_226] : memref<50x80xi32, #tpu.memory_space<vmem>> -> memref<1x80xi32, #tpu.memory_space<vmem>>
          %dma_wait3A_228 = tpu.memref_squeeze %dma_wait3A_227 : memref<1x80xi32, #tpu.memory_space<vmem>> -> memref<80xi32, #tpu.memory_space<vmem>>
          %dma_wait3A_229 = arith.constant 0 : i32
          %dma_wait3A_230 = arith.constant 0 : i32
          %dma_wait3A_231 = tpu.memref_slice %arg15[%dma_wait3A_229, %dma_wait3A_230] : memref<10000x64xf32, #tpu.memory_space<vmem_shared>> -> memref<10000x64xf32, #tpu.memory_space<vmem_shared>>
          tpu.wait_indirect_dma semaphore(%run_scoped3A_219 : memref<!tpu.dma_semaphore, #tpu.memory_space<semaphore_mem>>) src(%arg10 : memref<80x64xf32, #tpu.memory_space<vmem>>) dst(%dma_wait3A_231 : memref<10000x64xf32, #tpu.memory_space<vmem_shared>>)
          tpu.yield
        }) : () -> ()
        "tpu.region"() ({
          %run_scoped3A_219 = tpu.sem_alloc : memref<!tpu.dma_semaphore, #tpu.memory_space<semaphore_mem>>
          %dma_start3A_220 = arith.constant 0 : i32
          %dma_start3A_221 = tpu.memref_slice %arg9[%scan3A_206, %dma_start3A_220] : memref<50x80xi32, #tpu.memory_space<vmem>> -> memref<1x80xi32, #tpu.memory_space<vmem>>
          %dma_start3A_222 = tpu.memref_squeeze %dma_start3A_221 : memref<1x80xi32, #tpu.memory_space<vmem>> -> memref<80xi32, #tpu.memory_space<vmem>>
          %dma_start3A_223 = arith.constant 0 : i32
          %dma_start3A_224 = tpu.memref_slice %arg16[%dma_start3A_223] : memref<10016xf32, #tpu.memory_space<vmem_shared>> -> memref<10016xf32, #tpu.memory_space<vmem_shared>>
          tpu.enqueue_indirect_dma source(%arg13 : memref<80xf32, #tpu.memory_space<vmem>>) target(%dma_start3A_224 : memref<10016xf32, #tpu.memory_space<vmem_shared>>) offsets(%dma_start3A_222 : memref<80xi32, #tpu.memory_space<vmem>>) semaphore(%run_scoped3A_219 : memref<!tpu.dma_semaphore, #tpu.memory_space<semaphore_mem>>) {add = true}
          %dma_wait3A_225 = arith.constant 0 : i32
          %dma_wait3A_226 = tpu.memref_slice %arg9[%scan3A_206, %dma_wait3A_225] : memref<50x80xi32, #tpu.memory_space<vmem>> -> memref<1x80xi32, #tpu.memory_space<vmem>>
          %dma_wait3A_227 = tpu.memref_squeeze %dma_wait3A_226 : memref<1x80xi32, #tpu.memory_space<vmem>> -> memref<80xi32, #tpu.memory_space<vmem>>
          %dma_wait3A_228 = arith.constant 0 : i32
          %dma_wait3A_229 = tpu.memref_slice %arg16[%dma_wait3A_228] : memref<10016xf32, #tpu.memory_space<vmem_shared>> -> memref<10016xf32, #tpu.memory_space<vmem_shared>>
          tpu.wait_indirect_dma semaphore(%run_scoped3A_219 : memref<!tpu.dma_semaphore, #tpu.memory_space<semaphore_mem>>) src(%arg13 : memref<80xf32, #tpu.memory_space<vmem>>) dst(%dma_wait3A_229 : memref<10016xf32, #tpu.memory_space<vmem_shared>>)
          tpu.yield
        }) : () -> ()
        %scan3A_218 = arith.constant 0 : i32
        scf.yield %scan3A_218 : i32
      }
      %scan3A_204 = arith.constant 50 : i32
      %scan3A_205 = arith.constant 0 : i32
      scf.yield %scan3A_205 : i32
    }
    %scan3A_32 = arith.constant 5 : i32
    %barrier3A_33 = arith.constant 0 : index
    tpu.barrier barrier_id(%barrier3A_33)
    "tpu.region"() ({
      %run_scoped3A_183 = tpu.sem_alloc : memref<!tpu.dma_semaphore, #tpu.memory_space<semaphore_mem>>
      %dma_start3A = tpu.memref_slice %arg16[%multiple_of3A] : memref<10016xf32, #tpu.memory_space<vmem_shared>> -> memref<640xf32, #tpu.memory_space<vmem_shared>>
      %dma_start3A_184 = tpu.memref_slice %arg16[%multiple_of3A] : memref<10016xf32, #tpu.memory_space<vmem_shared>> -> memref<640xf32, #tpu.memory_space<vmem_shared>>
      tpu.enqueue_dma source(%dma_start3A_184 : memref<640xf32, #tpu.memory_space<vmem_shared>>) target(%arg12 : memref<640xf32, #tpu.memory_space<vmem>>) target_semaphore(%run_scoped3A_183 : memref<!tpu.dma_semaphore, #tpu.memory_space<semaphore_mem>>)
      %dma_wait3A = tpu.memref_slice %arg16[%multiple_of3A] : memref<10016xf32, #tpu.memory_space<vmem_shared>> -> memref<640xf32, #tpu.memory_space<vmem_shared>>
      %dma_wait3A_185 = tpu.memref_slice %arg16[%multiple_of3A] : memref<10016xf32, #tpu.memory_space<vmem_shared>> -> memref<640xf32, #tpu.memory_space<vmem_shared>>
      tpu.wait_dma2 semaphore(%run_scoped3A_183 : memref<!tpu.dma_semaphore, #tpu.memory_space<semaphore_mem>>) src(%dma_wait3A_185 : memref<640xf32, #tpu.memory_space<vmem_shared>>) dst(%arg12 : memref<640xf32, #tpu.memory_space<vmem>>)
      tpu.yield
    }) : () -> ()
    %mul3A_34 = arith.constant 64 : i32
    %mul3A_35 = arith.muli %arg0, %mul3A_34 : i32
    %add3A_36 = arith.constant 0 : i32
    %add3A_37 = arith.addi %add3A_36, %mul3A_35 : i32
    "tpu.region"() ({
      %run_scoped3A_183 = tpu.sem_alloc : memref<!tpu.dma_semaphore, #tpu.memory_space<semaphore_mem>>
      %dma_start3A = tpu.memref_slice %arg5[%add3A_37] : memref<256xf32, #tpu.memory_space<hbm>> -> memref<64xf32, #tpu.memory_space<hbm>>
      %dma_start3A_184 = tpu.memref_slice %arg5[%add3A_37] : memref<256xf32, #tpu.memory_space<hbm>> -> memref<64xf32, #tpu.memory_space<hbm>>
      tpu.enqueue_dma source(%dma_start3A_184 : memref<64xf32, #tpu.memory_space<hbm>>) target(%arg14 : memref<64xf32, #tpu.memory_space<vmem>>) target_semaphore(%run_scoped3A_183 : memref<!tpu.dma_semaphore, #tpu.memory_space<semaphore_mem>>)
      %dma_wait3A = tpu.memref_slice %arg5[%add3A_37] : memref<256xf32, #tpu.memory_space<hbm>> -> memref<64xf32, #tpu.memory_space<hbm>>
      %dma_wait3A_185 = tpu.memref_slice %arg5[%add3A_37] : memref<256xf32, #tpu.memory_space<hbm>> -> memref<64xf32, #tpu.memory_space<hbm>>
      tpu.wait_dma2 semaphore(%run_scoped3A_183 : memref<!tpu.dma_semaphore, #tpu.memory_space<semaphore_mem>>) src(%dma_wait3A_185 : memref<64xf32, #tpu.memory_space<hbm>>) dst(%arg14 : memref<64xf32, #tpu.memory_space<vmem>>)
      tpu.yield
    }) : () -> ()
    %add3A_38 = arith.constant 0 : i32
    %add3A_39 = arith.addi %mul3A_0, %add3A_38 : i32
    "tpu.region"() ({
      %run_scoped3A_183 = tpu.sem_alloc : memref<!tpu.dma_semaphore, #tpu.memory_space<semaphore_mem>>
      %dma_start3A = arith.constant 0 : i32
      %dma_start3A_184 = tpu.memref_slice %arg15[%add3A_39, %dma_start3A] : memref<10000x64xf32, #tpu.memory_space<vmem_shared>> -> memref<125x64xf32, #tpu.memory_space<vmem_shared>>
      %dma_start3A_185 = arith.constant 0 : i32
      %dma_start3A_186 = tpu.memref_slice %arg15[%add3A_39, %dma_start3A_185] : memref<10000x64xf32, #tpu.memory_space<vmem_shared>> -> memref<125x64xf32, #tpu.memory_space<vmem_shared>>
      tpu.enqueue_dma source(%dma_start3A_186 : memref<125x64xf32, #tpu.memory_space<vmem_shared>>) target(%arg11 : memref<125x64xf32, #tpu.memory_space<vmem>>) target_semaphore(%run_scoped3A_183 : memref<!tpu.dma_semaphore, #tpu.memory_space<semaphore_mem>>)
      %dma_wait3A = arith.constant 0 : i32
      %dma_wait3A_187 = tpu.memref_slice %arg15[%add3A_39, %dma_wait3A] : memref<10000x64xf32, #tpu.memory_space<vmem_shared>> -> memref<125x64xf32, #tpu.memory_space<vmem_shared>>
      %dma_wait3A_188 = arith.constant 0 : i32
      %dma_wait3A_189 = tpu.memref_slice %arg15[%add3A_39, %dma_wait3A_188] : memref<10000x64xf32, #tpu.memory_space<vmem_shared>> -> memref<125x64xf32, #tpu.memory_space<vmem_shared>>
      tpu.wait_dma2 semaphore(%run_scoped3A_183 : memref<!tpu.dma_semaphore, #tpu.memory_space<semaphore_mem>>) src(%dma_wait3A_189 : memref<125x64xf32, #tpu.memory_space<vmem_shared>>) dst(%arg11 : memref<125x64xf32, #tpu.memory_space<vmem>>)
      tpu.yield
    }) : () -> ()
    %scan3A_40 = arith.constant 0 : i32
    %scan3A_41 = arith.constant 0 : i32
    %scan3A_42 = arith.constant 125 : i32
    %scan3A_43 = arith.addi %scan3A_41, %scan3A_42 : i32
    %scan3A_44 = arith.constant 1 : i32
    %scan3A_45 = scf.for %scan3A_183 = %scan3A_41 to %scan3A_43 step %scan3A_44 iter_args(%scan3A_184 = %scan3A_40) -> (i32)  : i32 {
      %add3A_185 = arith.constant 0 : i32
      %add3A_186 = arith.addi %rem3A_1, %add3A_185 : i32
      %broadcast_in_dim3A_187 = vector.broadcast %add3A_186 : i32 to vector<16xi32>
      %broadcast_in_dim3A_188 = vector.broadcast %scan3A_183 : i32 to vector<16xi32>
      %add3A_189 = arith.addi %broadcast_in_dim3A_187, %broadcast_in_dim3A_188 : vector<16xi32>
      %gather3A = tpu.vector_load_idx %arg12[%add3A_189] : memref<640xf32, #tpu.memory_space<vmem>>[vector<16xi32>], vector<16xf32>,
      %max3A = arith.constant 1.000000e+00 : f32
      %max3A_190 = vector.broadcast %max3A : f32 to vector<16xf32>
      %max3A_191 = arith.maximumf %gather3A, %max3A_190 : vector<16xf32>
      %div3A = arith.constant 1.000000e+00 : f32
      %div3A_192 = vector.broadcast %div3A : f32 to vector<16xf32>
      %div3A_193 = arith.divf %div3A_192, %max3A_191 : vector<16xf32>
      %get3A = arith.index_cast %scan3A_183 : i32 to index
      %get3A_194 = arith.constant 0 : index
      %get3A_195 = tpu.vector_load %arg11[%get3A, %get3A_194] {strides = array<i32>} : memref<125x64xf32, #tpu.memory_space<vmem>>, vector<16xf32>,
      %mul3A_196 = arith.mulf %get3A_195, %div3A_193 : vector<16xf32>
      %get3A_197 = arith.constant 0 : index
      %get3A_198 = tpu.vector_load %arg14[%get3A_197] {strides = array<i32>} : memref<64xf32, #tpu.memory_space<vmem>>, vector<16xf32>,
      %add3A_199 = arith.addf %mul3A_196, %get3A_198 : vector<16xf32>
      %swap3A = arith.index_cast %scan3A_183 : i32 to index
      %swap3A_200 = arith.constant 0 : index
      %swap3A_201 = tpu.vector_load %arg11[%swap3A, %swap3A_200] {strides = array<i32>} : memref<125x64xf32, #tpu.memory_space<vmem>>, vector<16xf32>,
      tpu.vector_store %arg11[%swap3A, %swap3A_200], %add3A_199 {strides = array<i32>} : memref<125x64xf32, #tpu.memory_space<vmem>>, vector<16xf32>,
      %get3A_202 = arith.index_cast %scan3A_183 : i32 to index
      %get3A_203 = arith.constant 16 : index
      %get3A_204 = tpu.vector_load %arg11[%get3A_202, %get3A_203] {strides = array<i32>} : memref<125x64xf32, #tpu.memory_space<vmem>>, vector<16xf32>,
      %mul3A_205 = arith.mulf %get3A_204, %div3A_193 : vector<16xf32>
      %get3A_206 = arith.constant 16 : index
      %get3A_207 = tpu.vector_load %arg14[%get3A_206] {strides = array<i32>} : memref<64xf32, #tpu.memory_space<vmem>>, vector<16xf32>,
      %add3A_208 = arith.addf %mul3A_205, %get3A_207 : vector<16xf32>
      %swap3A_209 = arith.index_cast %scan3A_183 : i32 to index
      %swap3A_210 = arith.constant 16 : index
      %swap3A_211 = tpu.vector_load %arg11[%swap3A_209, %swap3A_210] {strides = array<i32>} : memref<125x64xf32, #tpu.memory_space<vmem>>, vector<16xf32>,
      tpu.vector_store %arg11[%swap3A_209, %swap3A_210], %add3A_208 {strides = array<i32>} : memref<125x64xf32, #tpu.memory_space<vmem>>, vector<16xf32>,
      %get3A_212 = arith.index_cast %scan3A_183 : i32 to index
      %get3A_213 = arith.constant 32 : index
      %get3A_214 = tpu.vector_load %arg11[%get3A_212, %get3A_213] {strides = array<i32>} : memref<125x64xf32, #tpu.memory_space<vmem>>, vector<16xf32>,
      %mul3A_215 = arith.mulf %get3A_214, %div3A_193 : vector<16xf32>
      %get3A_216 = arith.constant 32 : index
      %get3A_217 = tpu.vector_load %arg14[%get3A_216] {strides = array<i32>} : memref<64xf32, #tpu.memory_space<vmem>>, vector<16xf32>,
      %add3A_218 = arith.addf %mul3A_215, %get3A_217 : vector<16xf32>
      %swap3A_219 = arith.index_cast %scan3A_183 : i32 to index
      %swap3A_220 = arith.constant 32 : index
      %swap3A_221 = tpu.vector_load %arg11[%swap3A_219, %swap3A_220] {strides = array<i32>} : memref<125x64xf32, #tpu.memory_space<vmem>>, vector<16xf32>,
      tpu.vector_store %arg11[%swap3A_219, %swap3A_220], %add3A_218 {strides = array<i32>} : memref<125x64xf32, #tpu.memory_space<vmem>>, vector<16xf32>,
      %get3A_222 = arith.index_cast %scan3A_183 : i32 to index
      %get3A_223 = arith.constant 48 : index
      %get3A_224 = tpu.vector_load %arg11[%get3A_222, %get3A_223] {strides = array<i32>} : memref<125x64xf32, #tpu.memory_space<vmem>>, vector<16xf32>,
      %mul3A_225 = arith.mulf %get3A_224, %div3A_193 : vector<16xf32>
      %get3A_226 = arith.constant 48 : index
      %get3A_227 = tpu.vector_load %arg14[%get3A_226] {strides = array<i32>} : memref<64xf32, #tpu.memory_space<vmem>>, vector<16xf32>,
      %add3A_228 = arith.addf %mul3A_225, %get3A_227 : vector<16xf32>
      %swap3A_229 = arith.index_cast %scan3A_183 : i32 to index
      %swap3A_230 = arith.constant 48 : index
      %swap3A_231 = tpu.vector_load %arg11[%swap3A_229, %swap3A_230] {strides = array<i32>} : memref<125x64xf32, #tpu.memory_space<vmem>>, vector<16xf32>,
      tpu.vector_store %arg11[%swap3A_229, %swap3A_230], %add3A_228 {strides = array<i32>} : memref<125x64xf32, #tpu.memory_space<vmem>>, vector<16xf32>,
      %scan3A_232 = arith.constant 0 : i32
      scf.yield %scan3A_232 : i32
    }
    %scan3A_46 = arith.constant 125 : i32
    %add3A_47 = arith.constant 0 : i32
    %add3A_48 = arith.addi %mul3A_0, %add3A_47 : i32
    %run_scoped3A = arith.constant 0 : i32
    "tpu.region"() ({
      %run_scoped3A_183 = tpu.sem_alloc : memref<!tpu.dma_semaphore, #tpu.memory_space<semaphore_mem>>
      %dma_start3A = arith.constant 0 : i32
      %dma_start3A_184 = tpu.memref_slice %arg7[%run_scoped3A, %arg0, %add3A_48, %dma_start3A] : memref<2x2x10000x64xf32, #tpu.memory_space<hbm>> -> memref<1x1x125x64xf32, #tpu.memory_space<hbm>>
      %dma_start3A_185 = tpu.memref_squeeze %dma_start3A_184 : memref<1x1x125x64xf32, #tpu.memory_space<hbm>> -> memref<125x64xf32, #tpu.memory_space<hbm>>
      %dma_start3A_186 = arith.constant 0 : i32
      %dma_start3A_187 = tpu.memref_slice %arg7[%run_scoped3A, %arg0, %add3A_48, %dma_start3A_186] : memref<2x2x10000x64xf32, #tpu.memory_space<hbm>> -> memref<1x1x125x64xf32, #tpu.memory_space<hbm>>
      %dma_start3A_188 = tpu.memref_squeeze %dma_start3A_187 : memref<1x1x125x64xf32, #tpu.memory_space<hbm>> -> memref<125x64xf32, #tpu.memory_space<hbm>>
      tpu.enqueue_dma source(%arg11 : memref<125x64xf32, #tpu.memory_space<vmem>>) target(%dma_start3A_188 : memref<125x64xf32, #tpu.memory_space<hbm>>) target_semaphore(%run_scoped3A_183 : memref<!tpu.dma_semaphore, #tpu.memory_space<semaphore_mem>>)
      %dma_wait3A = arith.constant 0 : i32
      %dma_wait3A_189 = tpu.memref_slice %arg7[%run_scoped3A, %arg0, %add3A_48, %dma_wait3A] : memref<2x2x10000x64xf32, #tpu.memory_space<hbm>> -> memref<1x1x125x64xf32, #tpu.memory_space<hbm>>
      %dma_wait3A_190 = tpu.memref_squeeze %dma_wait3A_189 : memref<1x1x125x64xf32, #tpu.memory_space<hbm>> -> memref<125x64xf32, #tpu.memory_space<hbm>>
      %dma_wait3A_191 = arith.constant 0 : i32
      %dma_wait3A_192 = tpu.memref_slice %arg7[%run_scoped3A, %arg0, %add3A_48, %dma_wait3A_191] : memref<2x2x10000x64xf32, #tpu.memory_space<hbm>> -> memref<1x1x125x64xf32, #tpu.memory_space<hbm>>
      %dma_wait3A_193 = tpu.memref_squeeze %dma_wait3A_192 : memref<1x1x125x64xf32, #tpu.memory_space<hbm>> -> memref<125x64xf32, #tpu.memory_space<hbm>>
      tpu.wait_dma2 semaphore(%run_scoped3A_183 : memref<!tpu.dma_semaphore, #tpu.memory_space<semaphore_mem>>) src(%arg11 : memref<125x64xf32, #tpu.memory_space<vmem>>) dst(%dma_wait3A_193 : memref<125x64xf32, #tpu.memory_space<hbm>>)
      tpu.yield
    }) : () -> ()
    %add3A_49 = arith.constant 125 : i32
    %add3A_50 = arith.addi %mul3A_0, %add3A_49 : i32
    "tpu.region"() ({
      %run_scoped3A_183 = tpu.sem_alloc : memref<!tpu.dma_semaphore, #tpu.memory_space<semaphore_mem>>
      %dma_start3A = arith.constant 0 : i32
      %dma_start3A_184 = tpu.memref_slice %arg15[%add3A_50, %dma_start3A] : memref<10000x64xf32, #tpu.memory_space<vmem_shared>> -> memref<125x64xf32, #tpu.memory_space<vmem_shared>>
      %dma_start3A_185 = arith.constant 0 : i32
      %dma_start3A_186 = tpu.memref_slice %arg15[%add3A_50, %dma_start3A_185] : memref<10000x64xf32, #tpu.memory_space<vmem_shared>> -> memref<125x64xf32, #tpu.memory_space<vmem_shared>>
      tpu.enqueue_dma source(%dma_start3A_186 : memref<125x64xf32, #tpu.memory_space<vmem_shared>>) target(%arg11 : memref<125x64xf32, #tpu.memory_space<vmem>>) target_semaphore(%run_scoped3A_183 : memref<!tpu.dma_semaphore, #tpu.memory_space<semaphore_mem>>)
      %dma_wait3A = arith.constant 0 : i32
      %dma_wait3A_187 = tpu.memref_slice %arg15[%add3A_50, %dma_wait3A] : memref<10000x64xf32, #tpu.memory_space<vmem_shared>> -> memref<125x64xf32, #tpu.memory_space<vmem_shared>>
      %dma_wait3A_188 = arith.constant 0 : i32
      %dma_wait3A_189 = tpu.memref_slice %arg15[%add3A_50, %dma_wait3A_188] : memref<10000x64xf32, #tpu.memory_space<vmem_shared>> -> memref<125x64xf32, #tpu.memory_space<vmem_shared>>
      tpu.wait_dma2 semaphore(%run_scoped3A_183 : memref<!tpu.dma_semaphore, #tpu.memory_space<semaphore_mem>>) src(%dma_wait3A_189 : memref<125x64xf32, #tpu.memory_space<vmem_shared>>) dst(%arg11 : memref<125x64xf32, #tpu.memory_space<vmem>>)
      tpu.yield
    }) : () -> ()
    %scan3A_51 = arith.constant 0 : i32
    %scan3A_52 = arith.constant 0 : i32
    %scan3A_53 = arith.constant 125 : i32
    %scan3A_54 = arith.addi %scan3A_52, %scan3A_53 : i32
    %scan3A_55 = arith.constant 1 : i32
    %scan3A_56 = scf.for %scan3A_183 = %scan3A_52 to %scan3A_54 step %scan3A_55 iter_args(%scan3A_184 = %scan3A_51) -> (i32)  : i32 {
      %add3A_185 = arith.constant 125 : i32
      %add3A_186 = arith.addi %rem3A_1, %add3A_185 : i32
      %broadcast_in_dim3A_187 = vector.broadcast %add3A_186 : i32 to vector<16xi32>
      %broadcast_in_dim3A_188 = vector.broadcast %scan3A_183 : i32 to vector<16xi32>
      %add3A_189 = arith.addi %broadcast_in_dim3A_187, %broadcast_in_dim3A_188 : vector<16xi32>
      %gather3A = tpu.vector_load_idx %arg12[%add3A_189] : memref<640xf32, #tpu.memory_space<vmem>>[vector<16xi32>], vector<16xf32>,
      %max3A = arith.constant 1.000000e+00 : f32
      %max3A_190 = vector.broadcast %max3A : f32 to vector<16xf32>
      %max3A_191 = arith.maximumf %gather3A, %max3A_190 : vector<16xf32>
      %div3A = arith.constant 1.000000e+00 : f32
      %div3A_192 = vector.broadcast %div3A : f32 to vector<16xf32>
      %div3A_193 = arith.divf %div3A_192, %max3A_191 : vector<16xf32>
      %get3A = arith.index_cast %scan3A_183 : i32 to index
      %get3A_194 = arith.constant 0 : index
      %get3A_195 = tpu.vector_load %arg11[%get3A, %get3A_194] {strides = array<i32>} : memref<125x64xf32, #tpu.memory_space<vmem>>, vector<16xf32>,
      %mul3A_196 = arith.mulf %get3A_195, %div3A_193 : vector<16xf32>
      %get3A_197 = arith.constant 0 : index
      %get3A_198 = tpu.vector_load %arg14[%get3A_197] {strides = array<i32>} : memref<64xf32, #tpu.memory_space<vmem>>, vector<16xf32>,
      %add3A_199 = arith.addf %mul3A_196, %get3A_198 : vector<16xf32>
      %swap3A = arith.index_cast %scan3A_183 : i32 to index
      %swap3A_200 = arith.constant 0 : index
      %swap3A_201 = tpu.vector_load %arg11[%swap3A, %swap3A_200] {strides = array<i32>} : memref<125x64xf32, #tpu.memory_space<vmem>>, vector<16xf32>,
      tpu.vector_store %arg11[%swap3A, %swap3A_200], %add3A_199 {strides = array<i32>} : memref<125x64xf32, #tpu.memory_space<vmem>>, vector<16xf32>,
      %get3A_202 = arith.index_cast %scan3A_183 : i32 to index
      %get3A_203 = arith.constant 16 : index
      %get3A_204 = tpu.vector_load %arg11[%get3A_202, %get3A_203] {strides = array<i32>} : memref<125x64xf32, #tpu.memory_space<vmem>>, vector<16xf32>,
      %mul3A_205 = arith.mulf %get3A_204, %div3A_193 : vector<16xf32>
      %get3A_206 = arith.constant 16 : index
      %get3A_207 = tpu.vector_load %arg14[%get3A_206] {strides = array<i32>} : memref<64xf32, #tpu.memory_space<vmem>>, vector<16xf32>,
      %add3A_208 = arith.addf %mul3A_205, %get3A_207 : vector<16xf32>
      %swap3A_209 = arith.index_cast %scan3A_183 : i32 to index
      %swap3A_210 = arith.constant 16 : index
      %swap3A_211 = tpu.vector_load %arg11[%swap3A_209, %swap3A_210] {strides = array<i32>} : memref<125x64xf32, #tpu.memory_space<vmem>>, vector<16xf32>,
      tpu.vector_store %arg11[%swap3A_209, %swap3A_210], %add3A_208 {strides = array<i32>} : memref<125x64xf32, #tpu.memory_space<vmem>>, vector<16xf32>,
      %get3A_212 = arith.index_cast %scan3A_183 : i32 to index
      %get3A_213 = arith.constant 32 : index
      %get3A_214 = tpu.vector_load %arg11[%get3A_212, %get3A_213] {strides = array<i32>} : memref<125x64xf32, #tpu.memory_space<vmem>>, vector<16xf32>,
      %mul3A_215 = arith.mulf %get3A_214, %div3A_193 : vector<16xf32>
      %get3A_216 = arith.constant 32 : index
      %get3A_217 = tpu.vector_load %arg14[%get3A_216] {strides = array<i32>} : memref<64xf32, #tpu.memory_space<vmem>>, vector<16xf32>,
      %add3A_218 = arith.addf %mul3A_215, %get3A_217 : vector<16xf32>
      %swap3A_219 = arith.index_cast %scan3A_183 : i32 to index
      %swap3A_220 = arith.constant 32 : index
      %swap3A_221 = tpu.vector_load %arg11[%swap3A_219, %swap3A_220] {strides = array<i32>} : memref<125x64xf32, #tpu.memory_space<vmem>>, vector<16xf32>,
      tpu.vector_store %arg11[%swap3A_219, %swap3A_220], %add3A_218 {strides = array<i32>} : memref<125x64xf32, #tpu.memory_space<vmem>>, vector<16xf32>,
      %get3A_222 = arith.index_cast %scan3A_183 : i32 to index
      %get3A_223 = arith.constant 48 : index
      %get3A_224 = tpu.vector_load %arg11[%get3A_222, %get3A_223] {strides = array<i32>} : memref<125x64xf32, #tpu.memory_space<vmem>>, vector<16xf32>,
      %mul3A_225 = arith.mulf %get3A_224, %div3A_193 : vector<16xf32>
      %get3A_226 = arith.constant 48 : index
      %get3A_227 = tpu.vector_load %arg14[%get3A_226] {strides = array<i32>} : memref<64xf32, #tpu.memory_space<vmem>>, vector<16xf32>,
      %add3A_228 = arith.addf %mul3A_225, %get3A_227 : vector<16xf32>
      %swap3A_229 = arith.index_cast %scan3A_183 : i32 to index
      %swap3A_230 = arith.constant 48 : index
      %swap3A_231 = tpu.vector_load %arg11[%swap3A_229, %swap3A_230] {strides = array<i32>} : memref<125x64xf32, #tpu.memory_space<vmem>>, vector<16xf32>,
      tpu.vector_store %arg11[%swap3A_229, %swap3A_230], %add3A_228 {strides = array<i32>} : memref<125x64xf32, #tpu.memory_space<vmem>>, vector<16xf32>,
      %scan3A_232 = arith.constant 0 : i32
      scf.yield %scan3A_232 : i32
    }
    %scan3A_57 = arith.constant 125 : i32
    %add3A_58 = arith.constant 125 : i32
    %add3A_59 = arith.addi %mul3A_0, %add3A_58 : i32
    %run_scoped3A_60 = arith.constant 0 : i32
    "tpu.region"() ({
      %run_scoped3A_183 = tpu.sem_alloc : memref<!tpu.dma_semaphore, #tpu.memory_space<semaphore_mem>>
      %dma_start3A = arith.constant 0 : i32
      %dma_start3A_184 = tpu.memref_slice %arg7[%run_scoped3A_60, %arg0, %add3A_59, %dma_start3A] : memref<2x2x10000x64xf32, #tpu.memory_space<hbm>> -> memref<1x1x125x64xf32, #tpu.memory_space<hbm>>
      %dma_start3A_185 = tpu.memref_squeeze %dma_start3A_184 : memref<1x1x125x64xf32, #tpu.memory_space<hbm>> -> memref<125x64xf32, #tpu.memory_space<hbm>>
      %dma_start3A_186 = arith.constant 0 : i32
      %dma_start3A_187 = tpu.memref_slice %arg7[%run_scoped3A_60, %arg0, %add3A_59, %dma_start3A_186] : memref<2x2x10000x64xf32, #tpu.memory_space<hbm>> -> memref<1x1x125x64xf32, #tpu.memory_space<hbm>>
      %dma_start3A_188 = tpu.memref_squeeze %dma_start3A_187 : memref<1x1x125x64xf32, #tpu.memory_space<hbm>> -> memref<125x64xf32, #tpu.memory_space<hbm>>
      tpu.enqueue_dma source(%arg11 : memref<125x64xf32, #tpu.memory_space<vmem>>) target(%dma_start3A_188 : memref<125x64xf32, #tpu.memory_space<hbm>>) target_semaphore(%run_scoped3A_183 : memref<!tpu.dma_semaphore, #tpu.memory_space<semaphore_mem>>)
      %dma_wait3A = arith.constant 0 : i32
      %dma_wait3A_189 = tpu.memref_slice %arg7[%run_scoped3A_60, %arg0, %add3A_59, %dma_wait3A] : memref<2x2x10000x64xf32, #tpu.memory_space<hbm>> -> memref<1x1x125x64xf32, #tpu.memory_space<hbm>>
      %dma_wait3A_190 = tpu.memref_squeeze %dma_wait3A_189 : memref<1x1x125x64xf32, #tpu.memory_space<hbm>> -> memref<125x64xf32, #tpu.memory_space<hbm>>
      %dma_wait3A_191 = arith.constant 0 : i32
      %dma_wait3A_192 = tpu.memref_slice %arg7[%run_scoped3A_60, %arg0, %add3A_59, %dma_wait3A_191] : memref<2x2x10000x64xf32, #tpu.memory_space<hbm>> -> memref<1x1x125x64xf32, #tpu.memory_space<hbm>>
      %dma_wait3A_193 = tpu.memref_squeeze %dma_wait3A_192 : memref<1x1x125x64xf32, #tpu.memory_space<hbm>> -> memref<125x64xf32, #tpu.memory_space<hbm>>
      tpu.wait_dma2 semaphore(%run_scoped3A_183 : memref<!tpu.dma_semaphore, #tpu.memory_space<semaphore_mem>>) src(%arg11 : memref<125x64xf32, #tpu.memory_space<vmem>>) dst(%dma_wait3A_193 : memref<125x64xf32, #tpu.memory_space<hbm>>)
      tpu.yield
    }) : () -> ()
    %add3A_61 = arith.constant 250 : i32
    %add3A_62 = arith.addi %mul3A_0, %add3A_61 : i32
    "tpu.region"() ({
      %run_scoped3A_183 = tpu.sem_alloc : memref<!tpu.dma_semaphore, #tpu.memory_space<semaphore_mem>>
      %dma_start3A = arith.constant 0 : i32
      %dma_start3A_184 = tpu.memref_slice %arg15[%add3A_62, %dma_start3A] : memref<10000x64xf32, #tpu.memory_space<vmem_shared>> -> memref<125x64xf32, #tpu.memory_space<vmem_shared>>
      %dma_start3A_185 = arith.constant 0 : i32
      %dma_start3A_186 = tpu.memref_slice %arg15[%add3A_62, %dma_start3A_185] : memref<10000x64xf32, #tpu.memory_space<vmem_shared>> -> memref<125x64xf32, #tpu.memory_space<vmem_shared>>
      tpu.enqueue_dma source(%dma_start3A_186 : memref<125x64xf32, #tpu.memory_space<vmem_shared>>) target(%arg11 : memref<125x64xf32, #tpu.memory_space<vmem>>) target_semaphore(%run_scoped3A_183 : memref<!tpu.dma_semaphore, #tpu.memory_space<semaphore_mem>>)
      %dma_wait3A = arith.constant 0 : i32
      %dma_wait3A_187 = tpu.memref_slice %arg15[%add3A_62, %dma_wait3A] : memref<10000x64xf32, #tpu.memory_space<vmem_shared>> -> memref<125x64xf32, #tpu.memory_space<vmem_shared>>
      %dma_wait3A_188 = arith.constant 0 : i32
      %dma_wait3A_189 = tpu.memref_slice %arg15[%add3A_62, %dma_wait3A_188] : memref<10000x64xf32, #tpu.memory_space<vmem_shared>> -> memref<125x64xf32, #tpu.memory_space<vmem_shared>>
      tpu.wait_dma2 semaphore(%run_scoped3A_183 : memref<!tpu.dma_semaphore, #tpu.memory_space<semaphore_mem>>) src(%dma_wait3A_189 : memref<125x64xf32, #tpu.memory_space<vmem_shared>>) dst(%arg11 : memref<125x64xf32, #tpu.memory_space<vmem>>)
      tpu.yield
    }) : () -> ()
    %scan3A_63 = arith.constant 0 : i32
    %scan3A_64 = arith.constant 0 : i32
    %scan3A_65 = arith.constant 125 : i32
    %scan3A_66 = arith.addi %scan3A_64, %scan3A_65 : i32
    %scan3A_67 = arith.constant 1 : i32
    %scan3A_68 = scf.for %scan3A_183 = %scan3A_64 to %scan3A_66 step %scan3A_67 iter_args(%scan3A_184 = %scan3A_63) -> (i32)  : i32 {
      %add3A_185 = arith.constant 250 : i32
      %add3A_186 = arith.addi %rem3A_1, %add3A_185 : i32
      %broadcast_in_dim3A_187 = vector.broadcast %add3A_186 : i32 to vector<16xi32>
      %broadcast_in_dim3A_188 = vector.broadcast %scan3A_183 : i32 to vector<16xi32>
      %add3A_189 = arith.addi %broadcast_in_dim3A_187, %broadcast_in_dim3A_188 : vector<16xi32>
      %gather3A = tpu.vector_load_idx %arg12[%add3A_189] : memref<640xf32, #tpu.memory_space<vmem>>[vector<16xi32>], vector<16xf32>,
      %max3A = arith.constant 1.000000e+00 : f32
      %max3A_190 = vector.broadcast %max3A : f32 to vector<16xf32>
      %max3A_191 = arith.maximumf %gather3A, %max3A_190 : vector<16xf32>
      %div3A = arith.constant 1.000000e+00 : f32
      %div3A_192 = vector.broadcast %div3A : f32 to vector<16xf32>
      %div3A_193 = arith.divf %div3A_192, %max3A_191 : vector<16xf32>
      %get3A = arith.index_cast %scan3A_183 : i32 to index
      %get3A_194 = arith.constant 0 : index
      %get3A_195 = tpu.vector_load %arg11[%get3A, %get3A_194] {strides = array<i32>} : memref<125x64xf32, #tpu.memory_space<vmem>>, vector<16xf32>,
      %mul3A_196 = arith.mulf %get3A_195, %div3A_193 : vector<16xf32>
      %get3A_197 = arith.constant 0 : index
      %get3A_198 = tpu.vector_load %arg14[%get3A_197] {strides = array<i32>} : memref<64xf32, #tpu.memory_space<vmem>>, vector<16xf32>,
      %add3A_199 = arith.addf %mul3A_196, %get3A_198 : vector<16xf32>
      %swap3A = arith.index_cast %scan3A_183 : i32 to index
      %swap3A_200 = arith.constant 0 : index
      %swap3A_201 = tpu.vector_load %arg11[%swap3A, %swap3A_200] {strides = array<i32>} : memref<125x64xf32, #tpu.memory_space<vmem>>, vector<16xf32>,
      tpu.vector_store %arg11[%swap3A, %swap3A_200], %add3A_199 {strides = array<i32>} : memref<125x64xf32, #tpu.memory_space<vmem>>, vector<16xf32>,
      %get3A_202 = arith.index_cast %scan3A_183 : i32 to index
      %get3A_203 = arith.constant 16 : index
      %get3A_204 = tpu.vector_load %arg11[%get3A_202, %get3A_203] {strides = array<i32>} : memref<125x64xf32, #tpu.memory_space<vmem>>, vector<16xf32>,
      %mul3A_205 = arith.mulf %get3A_204, %div3A_193 : vector<16xf32>
      %get3A_206 = arith.constant 16 : index
      %get3A_207 = tpu.vector_load %arg14[%get3A_206] {strides = array<i32>} : memref<64xf32, #tpu.memory_space<vmem>>, vector<16xf32>,
      %add3A_208 = arith.addf %mul3A_205, %get3A_207 : vector<16xf32>
      %swap3A_209 = arith.index_cast %scan3A_183 : i32 to index
      %swap3A_210 = arith.constant 16 : index
      %swap3A_211 = tpu.vector_load %arg11[%swap3A_209, %swap3A_210] {strides = array<i32>} : memref<125x64xf32, #tpu.memory_space<vmem>>, vector<16xf32>,
      tpu.vector_store %arg11[%swap3A_209, %swap3A_210], %add3A_208 {strides = array<i32>} : memref<125x64xf32, #tpu.memory_space<vmem>>, vector<16xf32>,
      %get3A_212 = arith.index_cast %scan3A_183 : i32 to index
      %get3A_213 = arith.constant 32 : index
      %get3A_214 = tpu.vector_load %arg11[%get3A_212, %get3A_213] {strides = array<i32>} : memref<125x64xf32, #tpu.memory_space<vmem>>, vector<16xf32>,
      %mul3A_215 = arith.mulf %get3A_214, %div3A_193 : vector<16xf32>
      %get3A_216 = arith.constant 32 : index
      %get3A_217 = tpu.vector_load %arg14[%get3A_216] {strides = array<i32>} : memref<64xf32, #tpu.memory_space<vmem>>, vector<16xf32>,
      %add3A_218 = arith.addf %mul3A_215, %get3A_217 : vector<16xf32>
      %swap3A_219 = arith.index_cast %scan3A_183 : i32 to index
      %swap3A_220 = arith.constant 32 : index
      %swap3A_221 = tpu.vector_load %arg11[%swap3A_219, %swap3A_220] {strides = array<i32>} : memref<125x64xf32, #tpu.memory_space<vmem>>, vector<16xf32>,
      tpu.vector_store %arg11[%swap3A_219, %swap3A_220], %add3A_218 {strides = array<i32>} : memref<125x64xf32, #tpu.memory_space<vmem>>, vector<16xf32>,
      %get3A_222 = arith.index_cast %scan3A_183 : i32 to index
      %get3A_223 = arith.constant 48 : index
      %get3A_224 = tpu.vector_load %arg11[%get3A_222, %get3A_223] {strides = array<i32>} : memref<125x64xf32, #tpu.memory_space<vmem>>, vector<16xf32>,
      %mul3A_225 = arith.mulf %get3A_224, %div3A_193 : vector<16xf32>
      %get3A_226 = arith.constant 48 : index
      %get3A_227 = tpu.vector_load %arg14[%get3A_226] {strides = array<i32>} : memref<64xf32, #tpu.memory_space<vmem>>, vector<16xf32>,
      %add3A_228 = arith.addf %mul3A_225, %get3A_227 : vector<16xf32>
      %swap3A_229 = arith.index_cast %scan3A_183 : i32 to index
      %swap3A_230 = arith.constant 48 : index
      %swap3A_231 = tpu.vector_load %arg11[%swap3A_229, %swap3A_230] {strides = array<i32>} : memref<125x64xf32, #tpu.memory_space<vmem>>, vector<16xf32>,
      tpu.vector_store %arg11[%swap3A_229, %swap3A_230], %add3A_228 {strides = array<i32>} : memref<125x64xf32, #tpu.memory_space<vmem>>, vector<16xf32>,
      %scan3A_232 = arith.constant 0 : i32
      scf.yield %scan3A_232 : i32
    }
    %scan3A_69 = arith.constant 125 : i32
    %add3A_70 = arith.constant 250 : i32
    %add3A_71 = arith.addi %mul3A_0, %add3A_70 : i32
    %run_scoped3A_72 = arith.constant 0 : i32
    "tpu.region"() ({
      %run_scoped3A_183 = tpu.sem_alloc : memref<!tpu.dma_semaphore, #tpu.memory_space<semaphore_mem>>
      %dma_start3A = arith.constant 0 : i32
      %dma_start3A_184 = tpu.memref_slice %arg7[%run_scoped3A_72, %arg0, %add3A_71, %dma_start3A] : memref<2x2x10000x64xf32, #tpu.memory_space<hbm>> -> memref<1x1x125x64xf32, #tpu.memory_space<hbm>>
      %dma_start3A_185 = tpu.memref_squeeze %dma_start3A_184 : memref<1x1x125x64xf32, #tpu.memory_space<hbm>> -> memref<125x64xf32, #tpu.memory_space<hbm>>
      %dma_start3A_186 = arith.constant 0 : i32
      %dma_start3A_187 = tpu.memref_slice %arg7[%run_scoped3A_72, %arg0, %add3A_71, %dma_start3A_186] : memref<2x2x10000x64xf32, #tpu.memory_space<hbm>> -> memref<1x1x125x64xf32, #tpu.memory_space<hbm>>
      %dma_start3A_188 = tpu.memref_squeeze %dma_start3A_187 : memref<1x1x125x64xf32, #tpu.memory_space<hbm>> -> memref<125x64xf32, #tpu.memory_space<hbm>>
      tpu.enqueue_dma source(%arg11 : memref<125x64xf32, #tpu.memory_space<vmem>>) target(%dma_start3A_188 : memref<125x64xf32, #tpu.memory_space<hbm>>) target_semaphore(%run_scoped3A_183 : memref<!tpu.dma_semaphore, #tpu.memory_space<semaphore_mem>>)
      %dma_wait3A = arith.constant 0 : i32
      %dma_wait3A_189 = tpu.memref_slice %arg7[%run_scoped3A_72, %arg0, %add3A_71, %dma_wait3A] : memref<2x2x10000x64xf32, #tpu.memory_space<hbm>> -> memref<1x1x125x64xf32, #tpu.memory_space<hbm>>
      %dma_wait3A_190 = tpu.memref_squeeze %dma_wait3A_189 : memref<1x1x125x64xf32, #tpu.memory_space<hbm>> -> memref<125x64xf32, #tpu.memory_space<hbm>>
      %dma_wait3A_191 = arith.constant 0 : i32
      %dma_wait3A_192 = tpu.memref_slice %arg7[%run_scoped3A_72, %arg0, %add3A_71, %dma_wait3A_191] : memref<2x2x10000x64xf32, #tpu.memory_space<hbm>> -> memref<1x1x125x64xf32, #tpu.memory_space<hbm>>
      %dma_wait3A_193 = tpu.memref_squeeze %dma_wait3A_192 : memref<1x1x125x64xf32, #tpu.memory_space<hbm>> -> memref<125x64xf32, #tpu.memory_space<hbm>>
      tpu.wait_dma2 semaphore(%run_scoped3A_183 : memref<!tpu.dma_semaphore, #tpu.memory_space<semaphore_mem>>) src(%arg11 : memref<125x64xf32, #tpu.memory_space<vmem>>) dst(%dma_wait3A_193 : memref<125x64xf32, #tpu.memory_space<hbm>>)
      tpu.yield
    }) : () -> ()
    %add3A_73 = arith.constant 375 : i32
    %add3A_74 = arith.addi %mul3A_0, %add3A_73 : i32
    "tpu.region"() ({
      %run_scoped3A_183 = tpu.sem_alloc : memref<!tpu.dma_semaphore, #tpu.memory_space<semaphore_mem>>
      %dma_start3A = arith.constant 0 : i32
      %dma_start3A_184 = tpu.memref_slice %arg15[%add3A_74, %dma_start3A] : memref<10000x64xf32, #tpu.memory_space<vmem_shared>> -> memref<125x64xf32, #tpu.memory_space<vmem_shared>>
      %dma_start3A_185 = arith.constant 0 : i32
      %dma_start3A_186 = tpu.memref_slice %arg15[%add3A_74, %dma_start3A_185] : memref<10000x64xf32, #tpu.memory_space<vmem_shared>> -> memref<125x64xf32, #tpu.memory_space<vmem_shared>>
      tpu.enqueue_dma source(%dma_start3A_186 : memref<125x64xf32, #tpu.memory_space<vmem_shared>>) target(%arg11 : memref<125x64xf32, #tpu.memory_space<vmem>>) target_semaphore(%run_scoped3A_183 : memref<!tpu.dma_semaphore, #tpu.memory_space<semaphore_mem>>)
      %dma_wait3A = arith.constant 0 : i32
      %dma_wait3A_187 = tpu.memref_slice %arg15[%add3A_74, %dma_wait3A] : memref<10000x64xf32, #tpu.memory_space<vmem_shared>> -> memref<125x64xf32, #tpu.memory_space<vmem_shared>>
      %dma_wait3A_188 = arith.constant 0 : i32
      %dma_wait3A_189 = tpu.memref_slice %arg15[%add3A_74, %dma_wait3A_188] : memref<10000x64xf32, #tpu.memory_space<vmem_shared>> -> memref<125x64xf32, #tpu.memory_space<vmem_shared>>
      tpu.wait_dma2 semaphore(%run_scoped3A_183 : memref<!tpu.dma_semaphore, #tpu.memory_space<semaphore_mem>>) src(%dma_wait3A_189 : memref<125x64xf32, #tpu.memory_space<vmem_shared>>) dst(%arg11 : memref<125x64xf32, #tpu.memory_space<vmem>>)
      tpu.yield
    }) : () -> ()
    %scan3A_75 = arith.constant 0 : i32
    %scan3A_76 = arith.constant 0 : i32
    %scan3A_77 = arith.constant 125 : i32
    %scan3A_78 = arith.addi %scan3A_76, %scan3A_77 : i32
    %scan3A_79 = arith.constant 1 : i32
    %scan3A_80 = scf.for %scan3A_183 = %scan3A_76 to %scan3A_78 step %scan3A_79 iter_args(%scan3A_184 = %scan3A_75) -> (i32)  : i32 {
      %add3A_185 = arith.constant 375 : i32
      %add3A_186 = arith.addi %rem3A_1, %add3A_185 : i32
      %broadcast_in_dim3A_187 = vector.broadcast %add3A_186 : i32 to vector<16xi32>
      %broadcast_in_dim3A_188 = vector.broadcast %scan3A_183 : i32 to vector<16xi32>
      %add3A_189 = arith.addi %broadcast_in_dim3A_187, %broadcast_in_dim3A_188 : vector<16xi32>
      %gather3A = tpu.vector_load_idx %arg12[%add3A_189] : memref<640xf32, #tpu.memory_space<vmem>>[vector<16xi32>], vector<16xf32>,
      %max3A = arith.constant 1.000000e+00 : f32
      %max3A_190 = vector.broadcast %max3A : f32 to vector<16xf32>
      %max3A_191 = arith.maximumf %gather3A, %max3A_190 : vector<16xf32>
      %div3A = arith.constant 1.000000e+00 : f32
      %div3A_192 = vector.broadcast %div3A : f32 to vector<16xf32>
      %div3A_193 = arith.divf %div3A_192, %max3A_191 : vector<16xf32>
      %get3A = arith.index_cast %scan3A_183 : i32 to index
      %get3A_194 = arith.constant 0 : index
      %get3A_195 = tpu.vector_load %arg11[%get3A, %get3A_194] {strides = array<i32>} : memref<125x64xf32, #tpu.memory_space<vmem>>, vector<16xf32>,
      %mul3A_196 = arith.mulf %get3A_195, %div3A_193 : vector<16xf32>
      %get3A_197 = arith.constant 0 : index
      %get3A_198 = tpu.vector_load %arg14[%get3A_197] {strides = array<i32>} : memref<64xf32, #tpu.memory_space<vmem>>, vector<16xf32>,
      %add3A_199 = arith.addf %mul3A_196, %get3A_198 : vector<16xf32>
      %swap3A = arith.index_cast %scan3A_183 : i32 to index
      %swap3A_200 = arith.constant 0 : index
      %swap3A_201 = tpu.vector_load %arg11[%swap3A, %swap3A_200] {strides = array<i32>} : memref<125x64xf32, #tpu.memory_space<vmem>>, vector<16xf32>,
      tpu.vector_store %arg11[%swap3A, %swap3A_200], %add3A_199 {strides = array<i32>} : memref<125x64xf32, #tpu.memory_space<vmem>>, vector<16xf32>,
      %get3A_202 = arith.index_cast %scan3A_183 : i32 to index
      %get3A_203 = arith.constant 16 : index
      %get3A_204 = tpu.vector_load %arg11[%get3A_202, %get3A_203] {strides = array<i32>} : memref<125x64xf32, #tpu.memory_space<vmem>>, vector<16xf32>,
      %mul3A_205 = arith.mulf %get3A_204, %div3A_193 : vector<16xf32>
      %get3A_206 = arith.constant 16 : index
      %get3A_207 = tpu.vector_load %arg14[%get3A_206] {strides = array<i32>} : memref<64xf32, #tpu.memory_space<vmem>>, vector<16xf32>,
      %add3A_208 = arith.addf %mul3A_205, %get3A_207 : vector<16xf32>
      %swap3A_209 = arith.index_cast %scan3A_183 : i32 to index
      %swap3A_210 = arith.constant 16 : index
      %swap3A_211 = tpu.vector_load %arg11[%swap3A_209, %swap3A_210] {strides = array<i32>} : memref<125x64xf32, #tpu.memory_space<vmem>>, vector<16xf32>,
      tpu.vector_store %arg11[%swap3A_209, %swap3A_210], %add3A_208 {strides = array<i32>} : memref<125x64xf32, #tpu.memory_space<vmem>>, vector<16xf32>,
      %get3A_212 = arith.index_cast %scan3A_183 : i32 to index
      %get3A_213 = arith.constant 32 : index
      %get3A_214 = tpu.vector_load %arg11[%get3A_212, %get3A_213] {strides = array<i32>} : memref<125x64xf32, #tpu.memory_space<vmem>>, vector<16xf32>,
      %mul3A_215 = arith.mulf %get3A_214, %div3A_193 : vector<16xf32>
      %get3A_216 = arith.constant 32 : index
      %get3A_217 = tpu.vector_load %arg14[%get3A_216] {strides = array<i32>} : memref<64xf32, #tpu.memory_space<vmem>>, vector<16xf32>,
      %add3A_218 = arith.addf %mul3A_215, %get3A_217 : vector<16xf32>
      %swap3A_219 = arith.index_cast %scan3A_183 : i32 to index
      %swap3A_220 = arith.constant 32 : index
      %swap3A_221 = tpu.vector_load %arg11[%swap3A_219, %swap3A_220] {strides = array<i32>} : memref<125x64xf32, #tpu.memory_space<vmem>>, vector<16xf32>,
      tpu.vector_store %arg11[%swap3A_219, %swap3A_220], %add3A_218 {strides = array<i32>} : memref<125x64xf32, #tpu.memory_space<vmem>>, vector<16xf32>,
      %get3A_222 = arith.index_cast %scan3A_183 : i32 to index
      %get3A_223 = arith.constant 48 : index
      %get3A_224 = tpu.vector_load %arg11[%get3A_222, %get3A_223] {strides = array<i32>} : memref<125x64xf32, #tpu.memory_space<vmem>>, vector<16xf32>,
      %mul3A_225 = arith.mulf %get3A_224, %div3A_193 : vector<16xf32>
      %get3A_226 = arith.constant 48 : index
      %get3A_227 = tpu.vector_load %arg14[%get3A_226] {strides = array<i32>} : memref<64xf32, #tpu.memory_space<vmem>>, vector<16xf32>,
      %add3A_228 = arith.addf %mul3A_225, %get3A_227 : vector<16xf32>
      %swap3A_229 = arith.index_cast %scan3A_183 : i32 to index
      %swap3A_230 = arith.constant 48 : index
      %swap3A_231 = tpu.vector_load %arg11[%swap3A_229, %swap3A_230] {strides = array<i32>} : memref<125x64xf32, #tpu.memory_space<vmem>>, vector<16xf32>,
      tpu.vector_store %arg11[%swap3A_229, %swap3A_230], %add3A_228 {strides = array<i32>} : memref<125x64xf32, #tpu.memory_space<vmem>>, vector<16xf32>,
      %scan3A_232 = arith.constant 0 : i32
      scf.yield %scan3A_232 : i32
    }
    %scan3A_81 = arith.constant 125 : i32
    %add3A_82 = arith.constant 375 : i32
    %add3A_83 = arith.addi %mul3A_0, %add3A_82 : i32
    %run_scoped3A_84 = arith.constant 0 : i32
    "tpu.region"() ({
      %run_scoped3A_183 = tpu.sem_alloc : memref<!tpu.dma_semaphore, #tpu.memory_space<semaphore_mem>>
      %dma_start3A = arith.constant 0 : i32
      %dma_start3A_184 = tpu.memref_slice %arg7[%run_scoped3A_84, %arg0, %add3A_83, %dma_start3A] : memref<2x2x10000x64xf32, #tpu.memory_space<hbm>> -> memref<1x1x125x64xf32, #tpu.memory_space<hbm>>
      %dma_start3A_185 = tpu.memref_squeeze %dma_start3A_184 : memref<1x1x125x64xf32, #tpu.memory_space<hbm>> -> memref<125x64xf32, #tpu.memory_space<hbm>>
      %dma_start3A_186 = arith.constant 0 : i32
      %dma_start3A_187 = tpu.memref_slice %arg7[%run_scoped3A_84, %arg0, %add3A_83, %dma_start3A_186] : memref<2x2x10000x64xf32, #tpu.memory_space<hbm>> -> memref<1x1x125x64xf32, #tpu.memory_space<hbm>>
      %dma_start3A_188 = tpu.memref_squeeze %dma_start3A_187 : memref<1x1x125x64xf32, #tpu.memory_space<hbm>> -> memref<125x64xf32, #tpu.memory_space<hbm>>
      tpu.enqueue_dma source(%arg11 : memref<125x64xf32, #tpu.memory_space<vmem>>) target(%dma_start3A_188 : memref<125x64xf32, #tpu.memory_space<hbm>>) target_semaphore(%run_scoped3A_183 : memref<!tpu.dma_semaphore, #tpu.memory_space<semaphore_mem>>)
      %dma_wait3A = arith.constant 0 : i32
      %dma_wait3A_189 = tpu.memref_slice %arg7[%run_scoped3A_84, %arg0, %add3A_83, %dma_wait3A] : memref<2x2x10000x64xf32, #tpu.memory_space<hbm>> -> memref<1x1x125x64xf32, #tpu.memory_space<hbm>>
      %dma_wait3A_190 = tpu.memref_squeeze %dma_wait3A_189 : memref<1x1x125x64xf32, #tpu.memory_space<hbm>> -> memref<125x64xf32, #tpu.memory_space<hbm>>
      %dma_wait3A_191 = arith.constant 0 : i32
      %dma_wait3A_192 = tpu.memref_slice %arg7[%run_scoped3A_84, %arg0, %add3A_83, %dma_wait3A_191] : memref<2x2x10000x64xf32, #tpu.memory_space<hbm>> -> memref<1x1x125x64xf32, #tpu.memory_space<hbm>>
      %dma_wait3A_193 = tpu.memref_squeeze %dma_wait3A_192 : memref<1x1x125x64xf32, #tpu.memory_space<hbm>> -> memref<125x64xf32, #tpu.memory_space<hbm>>
      tpu.wait_dma2 semaphore(%run_scoped3A_183 : memref<!tpu.dma_semaphore, #tpu.memory_space<semaphore_mem>>) src(%arg11 : memref<125x64xf32, #tpu.memory_space<vmem>>) dst(%dma_wait3A_193 : memref<125x64xf32, #tpu.memory_space<hbm>>)
      tpu.yield
    }) : () -> ()
    %add3A_85 = arith.constant 500 : i32
    %add3A_86 = arith.addi %mul3A_0, %add3A_85 : i32
    "tpu.region"() ({
      %run_scoped3A_183 = tpu.sem_alloc : memref<!tpu.dma_semaphore, #tpu.memory_space<semaphore_mem>>
      %dma_start3A = arith.constant 0 : i32
      %dma_start3A_184 = tpu.memref_slice %arg15[%add3A_86, %dma_start3A] : memref<10000x64xf32, #tpu.memory_space<vmem_shared>> -> memref<125x64xf32, #tpu.memory_space<vmem_shared>>
      %dma_start3A_185 = arith.constant 0 : i32
      %dma_start3A_186 = tpu.memref_slice %arg15[%add3A_86, %dma_start3A_185] : memref<10000x64xf32, #tpu.memory_space<vmem_shared>> -> memref<125x64xf32, #tpu.memory_space<vmem_shared>>
      tpu.enqueue_dma source(%dma_start3A_186 : memref<125x64xf32, #tpu.memory_space<vmem_shared>>) target(%arg11 : memref<125x64xf32, #tpu.memory_space<vmem>>) target_semaphore(%run_scoped3A_183 : memref<!tpu.dma_semaphore, #tpu.memory_space<semaphore_mem>>)
      %dma_wait3A = arith.constant 0 : i32
      %dma_wait3A_187 = tpu.memref_slice %arg15[%add3A_86, %dma_wait3A] : memref<10000x64xf32, #tpu.memory_space<vmem_shared>> -> memref<125x64xf32, #tpu.memory_space<vmem_shared>>
      %dma_wait3A_188 = arith.constant 0 : i32
      %dma_wait3A_189 = tpu.memref_slice %arg15[%add3A_86, %dma_wait3A_188] : memref<10000x64xf32, #tpu.memory_space<vmem_shared>> -> memref<125x64xf32, #tpu.memory_space<vmem_shared>>
      tpu.wait_dma2 semaphore(%run_scoped3A_183 : memref<!tpu.dma_semaphore, #tpu.memory_space<semaphore_mem>>) src(%dma_wait3A_189 : memref<125x64xf32, #tpu.memory_space<vmem_shared>>) dst(%arg11 : memref<125x64xf32, #tpu.memory_space<vmem>>)
      tpu.yield
    }) : () -> ()
    %scan3A_87 = arith.constant 0 : i32
    %scan3A_88 = arith.constant 0 : i32
    %scan3A_89 = arith.constant 125 : i32
    %scan3A_90 = arith.addi %scan3A_88, %scan3A_89 : i32
    %scan3A_91 = arith.constant 1 : i32
    %scan3A_92 = scf.for %scan3A_183 = %scan3A_88 to %scan3A_90 step %scan3A_91 iter_args(%scan3A_184 = %scan3A_87) -> (i32)  : i32 {
      %add3A_185 = arith.constant 500 : i32
      %add3A_186 = arith.addi %rem3A_1, %add3A_185 : i32
      %broadcast_in_dim3A_187 = vector.broadcast %add3A_186 : i32 to vector<16xi32>
      %broadcast_in_dim3A_188 = vector.broadcast %scan3A_183 : i32 to vector<16xi32>
      %add3A_189 = arith.addi %broadcast_in_dim3A_187, %broadcast_in_dim3A_188 : vector<16xi32>
      %gather3A = tpu.vector_load_idx %arg12[%add3A_189] : memref<640xf32, #tpu.memory_space<vmem>>[vector<16xi32>], vector<16xf32>,
      %max3A = arith.constant 1.000000e+00 : f32
      %max3A_190 = vector.broadcast %max3A : f32 to vector<16xf32>
      %max3A_191 = arith.maximumf %gather3A, %max3A_190 : vector<16xf32>
      %div3A = arith.constant 1.000000e+00 : f32
      %div3A_192 = vector.broadcast %div3A : f32 to vector<16xf32>
      %div3A_193 = arith.divf %div3A_192, %max3A_191 : vector<16xf32>
      %get3A = arith.index_cast %scan3A_183 : i32 to index
      %get3A_194 = arith.constant 0 : index
      %get3A_195 = tpu.vector_load %arg11[%get3A, %get3A_194] {strides = array<i32>} : memref<125x64xf32, #tpu.memory_space<vmem>>, vector<16xf32>,
      %mul3A_196 = arith.mulf %get3A_195, %div3A_193 : vector<16xf32>
      %get3A_197 = arith.constant 0 : index
      %get3A_198 = tpu.vector_load %arg14[%get3A_197] {strides = array<i32>} : memref<64xf32, #tpu.memory_space<vmem>>, vector<16xf32>,
      %add3A_199 = arith.addf %mul3A_196, %get3A_198 : vector<16xf32>
      %swap3A = arith.index_cast %scan3A_183 : i32 to index
      %swap3A_200 = arith.constant 0 : index
      %swap3A_201 = tpu.vector_load %arg11[%swap3A, %swap3A_200] {strides = array<i32>} : memref<125x64xf32, #tpu.memory_space<vmem>>, vector<16xf32>,
      tpu.vector_store %arg11[%swap3A, %swap3A_200], %add3A_199 {strides = array<i32>} : memref<125x64xf32, #tpu.memory_space<vmem>>, vector<16xf32>,
      %get3A_202 = arith.index_cast %scan3A_183 : i32 to index
      %get3A_203 = arith.constant 16 : index
      %get3A_204 = tpu.vector_load %arg11[%get3A_202, %get3A_203] {strides = array<i32>} : memref<125x64xf32, #tpu.memory_space<vmem>>, vector<16xf32>,
      %mul3A_205 = arith.mulf %get3A_204, %div3A_193 : vector<16xf32>
      %get3A_206 = arith.constant 16 : index
      %get3A_207 = tpu.vector_load %arg14[%get3A_206] {strides = array<i32>} : memref<64xf32, #tpu.memory_space<vmem>>, vector<16xf32>,
      %add3A_208 = arith.addf %mul3A_205, %get3A_207 : vector<16xf32>
      %swap3A_209 = arith.index_cast %scan3A_183 : i32 to index
      %swap3A_210 = arith.constant 16 : index
      %swap3A_211 = tpu.vector_load %arg11[%swap3A_209, %swap3A_210] {strides = array<i32>} : memref<125x64xf32, #tpu.memory_space<vmem>>, vector<16xf32>,
      tpu.vector_store %arg11[%swap3A_209, %swap3A_210], %add3A_208 {strides = array<i32>} : memref<125x64xf32, #tpu.memory_space<vmem>>, vector<16xf32>,
      %get3A_212 = arith.index_cast %scan3A_183 : i32 to index
      %get3A_213 = arith.constant 32 : index
      %get3A_214 = tpu.vector_load %arg11[%get3A_212, %get3A_213] {strides = array<i32>} : memref<125x64xf32, #tpu.memory_space<vmem>>, vector<16xf32>,
      %mul3A_215 = arith.mulf %get3A_214, %div3A_193 : vector<16xf32>
      %get3A_216 = arith.constant 32 : index
      %get3A_217 = tpu.vector_load %arg14[%get3A_216] {strides = array<i32>} : memref<64xf32, #tpu.memory_space<vmem>>, vector<16xf32>,
      %add3A_218 = arith.addf %mul3A_215, %get3A_217 : vector<16xf32>
      %swap3A_219 = arith.index_cast %scan3A_183 : i32 to index
      %swap3A_220 = arith.constant 32 : index
      %swap3A_221 = tpu.vector_load %arg11[%swap3A_219, %swap3A_220] {strides = array<i32>} : memref<125x64xf32, #tpu.memory_space<vmem>>, vector<16xf32>,
      tpu.vector_store %arg11[%swap3A_219, %swap3A_220], %add3A_218 {strides = array<i32>} : memref<125x64xf32, #tpu.memory_space<vmem>>, vector<16xf32>,
      %get3A_222 = arith.index_cast %scan3A_183 : i32 to index
      %get3A_223 = arith.constant 48 : index
      %get3A_224 = tpu.vector_load %arg11[%get3A_222, %get3A_223] {strides = array<i32>} : memref<125x64xf32, #tpu.memory_space<vmem>>, vector<16xf32>,
      %mul3A_225 = arith.mulf %get3A_224, %div3A_193 : vector<16xf32>
      %get3A_226 = arith.constant 48 : index
      %get3A_227 = tpu.vector_load %arg14[%get3A_226] {strides = array<i32>} : memref<64xf32, #tpu.memory_space<vmem>>, vector<16xf32>,
      %add3A_228 = arith.addf %mul3A_225, %get3A_227 : vector<16xf32>
      %swap3A_229 = arith.index_cast %scan3A_183 : i32 to index
      %swap3A_230 = arith.constant 48 : index
      %swap3A_231 = tpu.vector_load %arg11[%swap3A_229, %swap3A_230] {strides = array<i32>} : memref<125x64xf32, #tpu.memory_space<vmem>>, vector<16xf32>,
      tpu.vector_store %arg11[%swap3A_229, %swap3A_230], %add3A_228 {strides = array<i32>} : memref<125x64xf32, #tpu.memory_space<vmem>>, vector<16xf32>,
      %scan3A_232 = arith.constant 0 : i32
      scf.yield %scan3A_232 : i32
    }
    %scan3A_93 = arith.constant 125 : i32
    %add3A_94 = arith.constant 500 : i32
    %add3A_95 = arith.addi %mul3A_0, %add3A_94 : i32
    %run_scoped3A_96 = arith.constant 0 : i32
    "tpu.region"() ({
      %run_scoped3A_183 = tpu.sem_alloc : memref<!tpu.dma_semaphore, #tpu.memory_space<semaphore_mem>>
      %dma_start3A = arith.constant 0 : i32
      %dma_start3A_184 = tpu.memref_slice %arg7[%run_scoped3A_96, %arg0, %add3A_95, %dma_start3A] : memref<2x2x10000x64xf32, #tpu.memory_space<hbm>> -> memref<1x1x125x64xf32, #tpu.memory_space<hbm>>
      %dma_start3A_185 = tpu.memref_squeeze %dma_start3A_184 : memref<1x1x125x64xf32, #tpu.memory_space<hbm>> -> memref<125x64xf32, #tpu.memory_space<hbm>>
      %dma_start3A_186 = arith.constant 0 : i32
      %dma_start3A_187 = tpu.memref_slice %arg7[%run_scoped3A_96, %arg0, %add3A_95, %dma_start3A_186] : memref<2x2x10000x64xf32, #tpu.memory_space<hbm>> -> memref<1x1x125x64xf32, #tpu.memory_space<hbm>>
      %dma_start3A_188 = tpu.memref_squeeze %dma_start3A_187 : memref<1x1x125x64xf32, #tpu.memory_space<hbm>> -> memref<125x64xf32, #tpu.memory_space<hbm>>
      tpu.enqueue_dma source(%arg11 : memref<125x64xf32, #tpu.memory_space<vmem>>) target(%dma_start3A_188 : memref<125x64xf32, #tpu.memory_space<hbm>>) target_semaphore(%run_scoped3A_183 : memref<!tpu.dma_semaphore, #tpu.memory_space<semaphore_mem>>)
      %dma_wait3A = arith.constant 0 : i32
      %dma_wait3A_189 = tpu.memref_slice %arg7[%run_scoped3A_96, %arg0, %add3A_95, %dma_wait3A] : memref<2x2x10000x64xf32, #tpu.memory_space<hbm>> -> memref<1x1x125x64xf32, #tpu.memory_space<hbm>>
      %dma_wait3A_190 = tpu.memref_squeeze %dma_wait3A_189 : memref<1x1x125x64xf32, #tpu.memory_space<hbm>> -> memref<125x64xf32, #tpu.memory_space<hbm>>
      %dma_wait3A_191 = arith.constant 0 : i32
      %dma_wait3A_192 = tpu.memref_slice %arg7[%run_scoped3A_96, %arg0, %add3A_95, %dma_wait3A_191] : memref<2x2x10000x64xf32, #tpu.memory_space<hbm>> -> memref<1x1x125x64xf32, #tpu.memory_space<hbm>>
      %dma_wait3A_193 = tpu.memref_squeeze %dma_wait3A_192 : memref<1x1x125x64xf32, #tpu.memory_space<hbm>> -> memref<125x64xf32, #tpu.memory_space<hbm>>
      tpu.wait_dma2 semaphore(%run_scoped3A_183 : memref<!tpu.dma_semaphore, #tpu.memory_space<semaphore_mem>>) src(%arg11 : memref<125x64xf32, #tpu.memory_space<vmem>>) dst(%dma_wait3A_193 : memref<125x64xf32, #tpu.memory_space<hbm>>)
      tpu.yield
    }) : () -> ()
    %barrier3A_97 = arith.constant 0 : index
    tpu.barrier barrier_id(%barrier3A_97)
    "tpu.region"() ({
      %run_scoped3A_183 = tpu.sem_alloc : memref<!tpu.dma_semaphore, #tpu.memory_space<semaphore_mem>>
      %dma_start3A = arith.constant 0 : i32
      %dma_start3A_184 = tpu.memref_slice %arg15[%mul3A_0, %dma_start3A] : memref<10000x64xf32, #tpu.memory_space<vmem_shared>> -> memref<625x64xf32, #tpu.memory_space<vmem_shared>>
      tpu.enqueue_dma source(%arg6 : memref<625x64xf32, #tpu.memory_space<hbm>>) target(%dma_start3A_184 : memref<625x64xf32, #tpu.memory_space<vmem_shared>>) target_semaphore(%run_scoped3A_183 : memref<!tpu.dma_semaphore, #tpu.memory_space<semaphore_mem>>)
      %dma_wait3A = arith.constant 0 : i32
      %dma_wait3A_185 = tpu.memref_slice %arg15[%mul3A_0, %dma_wait3A] : memref<10000x64xf32, #tpu.memory_space<vmem_shared>> -> memref<625x64xf32, #tpu.memory_space<vmem_shared>>
      tpu.wait_dma2 semaphore(%run_scoped3A_183 : memref<!tpu.dma_semaphore, #tpu.memory_space<semaphore_mem>>) src(%arg6 : memref<625x64xf32, #tpu.memory_space<hbm>>) dst(%dma_wait3A_185 : memref<625x64xf32, #tpu.memory_space<vmem_shared>>)
      tpu.yield
    }) : () -> ()
    %scan3A_98 = arith.constant 0 : i32
    %scan3A_99 = arith.constant 0 : i32
    %scan3A_100 = arith.constant 40 : i32
    %scan3A_101 = arith.addi %scan3A_99, %scan3A_100 : i32
    %scan3A_102 = arith.constant 1 : i32
    %scan3A_103 = scf.for %scan3A_183 = %scan3A_99 to %scan3A_101 step %scan3A_102 iter_args(%scan3A_184 = %scan3A_98) -> (i32)  : i32 {
      %mul3A_185 = arith.constant 16 : i32
      %mul3A_186 = arith.muli %scan3A_183, %mul3A_185 : i32
      %swap3A = arith.index_cast %mul3A_186 : i32 to index
      %swap3A_187 = tpu.vector_load %arg12[%swap3A] {strides = array<i32>} : memref<640xf32, #tpu.memory_space<vmem>>, vector<16xf32>,
      tpu.vector_store %arg12[%swap3A], %broadcast_in_dim3A_4 {strides = array<i32>} : memref<640xf32, #tpu.memory_space<vmem>>, vector<16xf32>,
      %scan3A_188 = arith.constant 0 : i32
      scf.yield %scan3A_188 : i32
    }
    %scan3A_104 = arith.constant 40 : i32
    "tpu.region"() ({
      %run_scoped3A_183 = tpu.sem_alloc : memref<!tpu.dma_semaphore, #tpu.memory_space<semaphore_mem>>
      %dma_start3A = tpu.memref_slice %arg16[%multiple_of3A] : memref<10016xf32, #tpu.memory_space<vmem_shared>> -> memref<640xf32, #tpu.memory_space<vmem_shared>>
      %dma_start3A_184 = tpu.memref_slice %arg16[%multiple_of3A] : memref<10016xf32, #tpu.memory_space<vmem_shared>> -> memref<640xf32, #tpu.memory_space<vmem_shared>>
      tpu.enqueue_dma source(%arg12 : memref<640xf32, #tpu.memory_space<vmem>>) target(%dma_start3A_184 : memref<640xf32, #tpu.memory_space<vmem_shared>>) target_semaphore(%run_scoped3A_183 : memref<!tpu.dma_semaphore, #tpu.memory_space<semaphore_mem>>)
      %dma_wait3A = tpu.memref_slice %arg16[%multiple_of3A] : memref<10016xf32, #tpu.memory_space<vmem_shared>> -> memref<640xf32, #tpu.memory_space<vmem_shared>>
      %dma_wait3A_185 = tpu.memref_slice %arg16[%multiple_of3A] : memref<10016xf32, #tpu.memory_space<vmem_shared>> -> memref<640xf32, #tpu.memory_space<vmem_shared>>
      tpu.wait_dma2 semaphore(%run_scoped3A_183 : memref<!tpu.dma_semaphore, #tpu.memory_space<semaphore_mem>>) src(%arg12 : memref<640xf32, #tpu.memory_space<vmem>>) dst(%dma_wait3A_185 : memref<640xf32, #tpu.memory_space<vmem_shared>>)
      tpu.yield
    }) : () -> ()
    %barrier3A_105 = arith.constant 0 : index
    tpu.barrier barrier_id(%barrier3A_105)
    %mul3A_106 = arith.constant 250 : i32
    %mul3A_107 = arith.muli %arg1, %mul3A_106 : i32
    %add3A_108 = arith.constant 4000 : i32
    %add3A_109 = arith.addi %add3A_108, %mul3A_107 : i32
    %scan3A_110 = arith.constant 0 : i32
    %scan3A_111 = arith.constant 0 : i32
    %scan3A_112 = arith.constant 5 : i32
    %scan3A_113 = arith.addi %scan3A_111, %scan3A_112 : i32
    %scan3A_114 = arith.constant 1 : i32
    %scan3A_115 = scf.for %scan3A_183 = %scan3A_111 to %scan3A_113 step %scan3A_114 iter_args(%scan3A_184 = %scan3A_110) -> (i32)  : i32 {
      %mul3A_185 = arith.constant 50 : i32
      %mul3A_186 = arith.muli %scan3A_183, %mul3A_185 : i32
      %add3A_187 = arith.addi %add3A_109, %mul3A_186 : i32
      "tpu.region"() ({
        %run_scoped3A_206 = tpu.sem_alloc : memref<!tpu.dma_semaphore, #tpu.memory_space<semaphore_mem>>
        %dma_start3A = arith.constant 0 : i32
        %dma_start3A_207 = tpu.memref_slice %arg3[%add3A_187, %dma_start3A] : memref<8000x80xi32, #tpu.memory_space<hbm>> -> memref<50x80xi32, #tpu.memory_space<hbm>>
        %dma_start3A_208 = arith.constant 0 : i32
        %dma_start3A_209 = tpu.memref_slice %arg3[%add3A_187, %dma_start3A_208] : memref<8000x80xi32, #tpu.memory_space<hbm>> -> memref<50x80xi32, #tpu.memory_space<hbm>>
        tpu.enqueue_dma source(%dma_start3A_209 : memref<50x80xi32, #tpu.memory_space<hbm>>) target(%arg8 : memref<50x80xi32, #tpu.memory_space<vmem>>) target_semaphore(%run_scoped3A_206 : memref<!tpu.dma_semaphore, #tpu.memory_space<semaphore_mem>>)
        %dma_wait3A = arith.constant 0 : i32
        %dma_wait3A_210 = tpu.memref_slice %arg3[%add3A_187, %dma_wait3A] : memref<8000x80xi32, #tpu.memory_space<hbm>> -> memref<50x80xi32, #tpu.memory_space<hbm>>
        %dma_wait3A_211 = arith.constant 0 : i32
        %dma_wait3A_212 = tpu.memref_slice %arg3[%add3A_187, %dma_wait3A_211] : memref<8000x80xi32, #tpu.memory_space<hbm>> -> memref<50x80xi32, #tpu.memory_space<hbm>>
        tpu.wait_dma2 semaphore(%run_scoped3A_206 : memref<!tpu.dma_semaphore, #tpu.memory_space<semaphore_mem>>) src(%dma_wait3A_212 : memref<50x80xi32, #tpu.memory_space<hbm>>) dst(%arg8 : memref<50x80xi32, #tpu.memory_space<vmem>>)
        tpu.yield
      }) : () -> ()
      %mul3A_188 = arith.constant 50 : i32
      %mul3A_189 = arith.muli %scan3A_183, %mul3A_188 : i32
      %add3A_190 = arith.addi %add3A_109, %mul3A_189 : i32
      "tpu.region"() ({
        %run_scoped3A_206 = tpu.sem_alloc : memref<!tpu.dma_semaphore, #tpu.memory_space<semaphore_mem>>
        %dma_start3A = arith.constant 0 : i32
        %dma_start3A_207 = tpu.memref_slice %arg4[%add3A_190, %dma_start3A] : memref<8000x80xi32, #tpu.memory_space<hbm>> -> memref<50x80xi32, #tpu.memory_space<hbm>>
        %dma_start3A_208 = arith.constant 0 : i32
        %dma_start3A_209 = tpu.memref_slice %arg4[%add3A_190, %dma_start3A_208] : memref<8000x80xi32, #tpu.memory_space<hbm>> -> memref<50x80xi32, #tpu.memory_space<hbm>>
        tpu.enqueue_dma source(%dma_start3A_209 : memref<50x80xi32, #tpu.memory_space<hbm>>) target(%arg9 : memref<50x80xi32, #tpu.memory_space<vmem>>) target_semaphore(%run_scoped3A_206 : memref<!tpu.dma_semaphore, #tpu.memory_space<semaphore_mem>>)
        %dma_wait3A = arith.constant 0 : i32
        %dma_wait3A_210 = tpu.memref_slice %arg4[%add3A_190, %dma_wait3A] : memref<8000x80xi32, #tpu.memory_space<hbm>> -> memref<50x80xi32, #tpu.memory_space<hbm>>
        %dma_wait3A_211 = arith.constant 0 : i32
        %dma_wait3A_212 = tpu.memref_slice %arg4[%add3A_190, %dma_wait3A_211] : memref<8000x80xi32, #tpu.memory_space<hbm>> -> memref<50x80xi32, #tpu.memory_space<hbm>>
        tpu.wait_dma2 semaphore(%run_scoped3A_206 : memref<!tpu.dma_semaphore, #tpu.memory_space<semaphore_mem>>) src(%dma_wait3A_212 : memref<50x80xi32, #tpu.memory_space<hbm>>) dst(%arg9 : memref<50x80xi32, #tpu.memory_space<vmem>>)
        tpu.yield
      }) : () -> ()
      %scan3A_191 = arith.constant 0 : i32
      %scan3A_192 = arith.constant 0 : i32
      %scan3A_193 = arith.constant 50 : i32
      %scan3A_194 = arith.addi %scan3A_192, %scan3A_193 : i32
      %scan3A_195 = arith.constant 1 : i32
      %scan3A_196 = scf.for %scan3A_206 = %scan3A_192 to %scan3A_194 step %scan3A_195 iter_args(%scan3A_207 = %scan3A_191) -> (i32)  : i32 {
        %get3A = arith.index_cast %scan3A_206 : i32 to index
        %get3A_208 = arith.constant 0 : index
        %get3A_209 = tpu.vector_load %arg8[%get3A, %get3A_208] {strides = array<i32>} : memref<50x80xi32, #tpu.memory_space<vmem>>, vector<16xi32>,
        %add3A_210 = arith.addi %get3A_209, %broadcast_in_dim3A_9 : vector<16xi32>
        %swap3A = arith.index_cast %scan3A_206 : i32 to index
        %swap3A_211 = arith.constant 0 : index
        %swap3A_212 = tpu.vector_load %arg8[%swap3A, %swap3A_211] {strides = array<i32>} : memref<50x80xi32, #tpu.memory_space<vmem>>, vector<16xi32>,
        tpu.vector_store %arg8[%swap3A, %swap3A_211], %add3A_210 {strides = array<i32>} : memref<50x80xi32, #tpu.memory_space<vmem>>, vector<16xi32>,
        %get3A_213 = arith.index_cast %scan3A_206 : i32 to index
        %get3A_214 = arith.constant 16 : index
        %get3A_215 = tpu.vector_load %arg8[%get3A_213, %get3A_214] {strides = array<i32>} : memref<50x80xi32, #tpu.memory_space<vmem>>, vector<16xi32>,
        %add3A_216 = arith.addi %get3A_215, %broadcast_in_dim3A_9 : vector<16xi32>
        %swap3A_217 = arith.index_cast %scan3A_206 : i32 to index
        %swap3A_218 = arith.constant 16 : index
        %swap3A_219 = tpu.vector_load %arg8[%swap3A_217, %swap3A_218] {strides = array<i32>} : memref<50x80xi32, #tpu.memory_space<vmem>>, vector<16xi32>,
        tpu.vector_store %arg8[%swap3A_217, %swap3A_218], %add3A_216 {strides = array<i32>} : memref<50x80xi32, #tpu.memory_space<vmem>>, vector<16xi32>,
        %get3A_220 = arith.index_cast %scan3A_206 : i32 to index
        %get3A_221 = arith.constant 32 : index
        %get3A_222 = tpu.vector_load %arg8[%get3A_220, %get3A_221] {strides = array<i32>} : memref<50x80xi32, #tpu.memory_space<vmem>>, vector<16xi32>,
        %add3A_223 = arith.addi %get3A_222, %broadcast_in_dim3A_9 : vector<16xi32>
        %swap3A_224 = arith.index_cast %scan3A_206 : i32 to index
        %swap3A_225 = arith.constant 32 : index
        %swap3A_226 = tpu.vector_load %arg8[%swap3A_224, %swap3A_225] {strides = array<i32>} : memref<50x80xi32, #tpu.memory_space<vmem>>, vector<16xi32>,
        tpu.vector_store %arg8[%swap3A_224, %swap3A_225], %add3A_223 {strides = array<i32>} : memref<50x80xi32, #tpu.memory_space<vmem>>, vector<16xi32>,
        %get3A_227 = arith.index_cast %scan3A_206 : i32 to index
        %get3A_228 = arith.constant 48 : index
        %get3A_229 = tpu.vector_load %arg8[%get3A_227, %get3A_228] {strides = array<i32>} : memref<50x80xi32, #tpu.memory_space<vmem>>, vector<16xi32>,
        %add3A_230 = arith.addi %get3A_229, %broadcast_in_dim3A_9 : vector<16xi32>
        %swap3A_231 = arith.index_cast %scan3A_206 : i32 to index
        %swap3A_232 = arith.constant 48 : index
        %swap3A_233 = tpu.vector_load %arg8[%swap3A_231, %swap3A_232] {strides = array<i32>} : memref<50x80xi32, #tpu.memory_space<vmem>>, vector<16xi32>,
        tpu.vector_store %arg8[%swap3A_231, %swap3A_232], %add3A_230 {strides = array<i32>} : memref<50x80xi32, #tpu.memory_space<vmem>>, vector<16xi32>,
        %get3A_234 = arith.index_cast %scan3A_206 : i32 to index
        %get3A_235 = arith.constant 64 : index
        %get3A_236 = tpu.vector_load %arg8[%get3A_234, %get3A_235] {strides = array<i32>} : memref<50x80xi32, #tpu.memory_space<vmem>>, vector<16xi32>,
        %add3A_237 = arith.addi %get3A_236, %broadcast_in_dim3A_9 : vector<16xi32>
        %swap3A_238 = arith.index_cast %scan3A_206 : i32 to index
        %swap3A_239 = arith.constant 64 : index
        %swap3A_240 = tpu.vector_load %arg8[%swap3A_238, %swap3A_239] {strides = array<i32>} : memref<50x80xi32, #tpu.memory_space<vmem>>, vector<16xi32>,
        tpu.vector_store %arg8[%swap3A_238, %swap3A_239], %add3A_237 {strides = array<i32>} : memref<50x80xi32, #tpu.memory_space<vmem>>, vector<16xi32>,
        %scan3A_241 = arith.constant 0 : i32
        scf.yield %scan3A_241 : i32
      }
      %scan3A_197 = arith.constant 50 : i32
      %scan3A_198 = arith.constant 0 : i32
      %scan3A_199 = arith.constant 0 : i32
      %scan3A_200 = arith.constant 50 : i32
      %scan3A_201 = arith.addi %scan3A_199, %scan3A_200 : i32
      %scan3A_202 = arith.constant 1 : i32
      %scan3A_203 = scf.for %scan3A_206 = %scan3A_199 to %scan3A_201 step %scan3A_202 iter_args(%scan3A_207 = %scan3A_198) -> (i32)  : i32 {
        %dma_start3A = arith.constant 0 : i32
        %dma_start3A_208 = tpu.memref_slice %arg8[%scan3A_206, %dma_start3A] : memref<50x80xi32, #tpu.memory_space<vmem>> -> memref<1x80xi32, #tpu.memory_space<vmem>>
        %dma_start3A_209 = tpu.memref_squeeze %dma_start3A_208 : memref<1x80xi32, #tpu.memory_space<vmem>> -> memref<80xi32, #tpu.memory_space<vmem>>
        %dma_start3A_210 = arith.constant 0 : i32
        %dma_start3A_211 = arith.constant 0 : i32
        %dma_start3A_212 = tpu.memref_slice %arg2[%dma_start3A_210, %dma_start3A_211] : memref<40000x64xf32, #tpu.memory_space<hbm>> -> memref<40000x64xf32, #tpu.memory_space<hbm>>
        tpu.enqueue_indirect_dma source(%dma_start3A_212 : memref<40000x64xf32, #tpu.memory_space<hbm>>) target(%arg10 : memref<80x64xf32, #tpu.memory_space<vmem>>) offsets(%dma_start3A_209 : memref<80xi32, #tpu.memory_space<vmem>>) semaphore(%arg17 : memref<!tpu.dma_semaphore, #tpu.memory_space<semaphore_mem>>)
        %dma_wait3A = arith.constant 0 : i32
        %dma_wait3A_213 = tpu.memref_slice %arg8[%scan3A_206, %dma_wait3A] : memref<50x80xi32, #tpu.memory_space<vmem>> -> memref<1x80xi32, #tpu.memory_space<vmem>>
        %dma_wait3A_214 = tpu.memref_squeeze %dma_wait3A_213 : memref<1x80xi32, #tpu.memory_space<vmem>> -> memref<80xi32, #tpu.memory_space<vmem>>
        %dma_wait3A_215 = arith.constant 0 : i32
        %dma_wait3A_216 = arith.constant 0 : i32
        %dma_wait3A_217 = tpu.memref_slice %arg2[%dma_wait3A_215, %dma_wait3A_216] : memref<40000x64xf32, #tpu.memory_space<hbm>> -> memref<40000x64xf32, #tpu.memory_space<hbm>>
        tpu.wait_indirect_dma semaphore(%arg17 : memref<!tpu.dma_semaphore, #tpu.memory_space<semaphore_mem>>) src(%dma_wait3A_217 : memref<40000x64xf32, #tpu.memory_space<hbm>>) dst(%arg10 : memref<80x64xf32, #tpu.memory_space<vmem>>)
        "tpu.region"() ({
          %run_scoped3A_219 = tpu.sem_alloc : memref<!tpu.dma_semaphore, #tpu.memory_space<semaphore_mem>>
          %dma_start3A_220 = arith.constant 0 : i32
          %dma_start3A_221 = tpu.memref_slice %arg9[%scan3A_206, %dma_start3A_220] : memref<50x80xi32, #tpu.memory_space<vmem>> -> memref<1x80xi32, #tpu.memory_space<vmem>>
          %dma_start3A_222 = tpu.memref_squeeze %dma_start3A_221 : memref<1x80xi32, #tpu.memory_space<vmem>> -> memref<80xi32, #tpu.memory_space<vmem>>
          %dma_start3A_223 = arith.constant 0 : i32
          %dma_start3A_224 = arith.constant 0 : i32
          %dma_start3A_225 = tpu.memref_slice %arg15[%dma_start3A_223, %dma_start3A_224] : memref<10000x64xf32, #tpu.memory_space<vmem_shared>> -> memref<10000x64xf32, #tpu.memory_space<vmem_shared>>
          tpu.enqueue_indirect_dma source(%arg10 : memref<80x64xf32, #tpu.memory_space<vmem>>) target(%dma_start3A_225 : memref<10000x64xf32, #tpu.memory_space<vmem_shared>>) offsets(%dma_start3A_222 : memref<80xi32, #tpu.memory_space<vmem>>) semaphore(%run_scoped3A_219 : memref<!tpu.dma_semaphore, #tpu.memory_space<semaphore_mem>>) {add = true}
          %dma_wait3A_226 = arith.constant 0 : i32
          %dma_wait3A_227 = tpu.memref_slice %arg9[%scan3A_206, %dma_wait3A_226] : memref<50x80xi32, #tpu.memory_space<vmem>> -> memref<1x80xi32, #tpu.memory_space<vmem>>
          %dma_wait3A_228 = tpu.memref_squeeze %dma_wait3A_227 : memref<1x80xi32, #tpu.memory_space<vmem>> -> memref<80xi32, #tpu.memory_space<vmem>>
          %dma_wait3A_229 = arith.constant 0 : i32
          %dma_wait3A_230 = arith.constant 0 : i32
          %dma_wait3A_231 = tpu.memref_slice %arg15[%dma_wait3A_229, %dma_wait3A_230] : memref<10000x64xf32, #tpu.memory_space<vmem_shared>> -> memref<10000x64xf32, #tpu.memory_space<vmem_shared>>
          tpu.wait_indirect_dma semaphore(%run_scoped3A_219 : memref<!tpu.dma_semaphore, #tpu.memory_space<semaphore_mem>>) src(%arg10 : memref<80x64xf32, #tpu.memory_space<vmem>>) dst(%dma_wait3A_231 : memref<10000x64xf32, #tpu.memory_space<vmem_shared>>)
          tpu.yield
        }) : () -> ()
        "tpu.region"() ({
          %run_scoped3A_219 = tpu.sem_alloc : memref<!tpu.dma_semaphore, #tpu.memory_space<semaphore_mem>>
          %dma_start3A_220 = arith.constant 0 : i32
          %dma_start3A_221 = tpu.memref_slice %arg9[%scan3A_206, %dma_start3A_220] : memref<50x80xi32, #tpu.memory_space<vmem>> -> memref<1x80xi32, #tpu.memory_space<vmem>>
          %dma_start3A_222 = tpu.memref_squeeze %dma_start3A_221 : memref<1x80xi32, #tpu.memory_space<vmem>> -> memref<80xi32, #tpu.memory_space<vmem>>
          %dma_start3A_223 = arith.constant 0 : i32
          %dma_start3A_224 = tpu.memref_slice %arg16[%dma_start3A_223] : memref<10016xf32, #tpu.memory_space<vmem_shared>> -> memref<10016xf32, #tpu.memory_space<vmem_shared>>
          tpu.enqueue_indirect_dma source(%arg13 : memref<80xf32, #tpu.memory_space<vmem>>) target(%dma_start3A_224 : memref<10016xf32, #tpu.memory_space<vmem_shared>>) offsets(%dma_start3A_222 : memref<80xi32, #tpu.memory_space<vmem>>) semaphore(%run_scoped3A_219 : memref<!tpu.dma_semaphore, #tpu.memory_space<semaphore_mem>>) {add = true}
          %dma_wait3A_225 = arith.constant 0 : i32
          %dma_wait3A_226 = tpu.memref_slice %arg9[%scan3A_206, %dma_wait3A_225] : memref<50x80xi32, #tpu.memory_space<vmem>> -> memref<1x80xi32, #tpu.memory_space<vmem>>
          %dma_wait3A_227 = tpu.memref_squeeze %dma_wait3A_226 : memref<1x80xi32, #tpu.memory_space<vmem>> -> memref<80xi32, #tpu.memory_space<vmem>>
          %dma_wait3A_228 = arith.constant 0 : i32
          %dma_wait3A_229 = tpu.memref_slice %arg16[%dma_wait3A_228] : memref<10016xf32, #tpu.memory_space<vmem_shared>> -> memref<10016xf32, #tpu.memory_space<vmem_shared>>
          tpu.wait_indirect_dma semaphore(%run_scoped3A_219 : memref<!tpu.dma_semaphore, #tpu.memory_space<semaphore_mem>>) src(%arg13 : memref<80xf32, #tpu.memory_space<vmem>>) dst(%dma_wait3A_229 : memref<10016xf32, #tpu.memory_space<vmem_shared>>)
          tpu.yield
        }) : () -> ()
        %scan3A_218 = arith.constant 0 : i32
        scf.yield %scan3A_218 : i32
      }
      %scan3A_204 = arith.constant 50 : i32
      %scan3A_205 = arith.constant 0 : i32
      scf.yield %scan3A_205 : i32
    }
    %scan3A_116 = arith.constant 5 : i32
    %barrier3A_117 = arith.constant 0 : index
    tpu.barrier barrier_id(%barrier3A_117)
    "tpu.region"() ({
      %run_scoped3A_183 = tpu.sem_alloc : memref<!tpu.dma_semaphore, #tpu.memory_space<semaphore_mem>>
      %dma_start3A = tpu.memref_slice %arg16[%multiple_of3A] : memref<10016xf32, #tpu.memory_space<vmem_shared>> -> memref<640xf32, #tpu.memory_space<vmem_shared>>
      %dma_start3A_184 = tpu.memref_slice %arg16[%multiple_of3A] : memref<10016xf32, #tpu.memory_space<vmem_shared>> -> memref<640xf32, #tpu.memory_space<vmem_shared>>
      tpu.enqueue_dma source(%dma_start3A_184 : memref<640xf32, #tpu.memory_space<vmem_shared>>) target(%arg12 : memref<640xf32, #tpu.memory_space<vmem>>) target_semaphore(%run_scoped3A_183 : memref<!tpu.dma_semaphore, #tpu.memory_space<semaphore_mem>>)
      %dma_wait3A = tpu.memref_slice %arg16[%multiple_of3A] : memref<10016xf32, #tpu.memory_space<vmem_shared>> -> memref<640xf32, #tpu.memory_space<vmem_shared>>
      %dma_wait3A_185 = tpu.memref_slice %arg16[%multiple_of3A] : memref<10016xf32, #tpu.memory_space<vmem_shared>> -> memref<640xf32, #tpu.memory_space<vmem_shared>>
      tpu.wait_dma2 semaphore(%run_scoped3A_183 : memref<!tpu.dma_semaphore, #tpu.memory_space<semaphore_mem>>) src(%dma_wait3A_185 : memref<640xf32, #tpu.memory_space<vmem_shared>>) dst(%arg12 : memref<640xf32, #tpu.memory_space<vmem>>)
      tpu.yield
    }) : () -> ()
    %mul3A_118 = arith.constant 64 : i32
    %mul3A_119 = arith.muli %arg0, %mul3A_118 : i32
    %add3A_120 = arith.constant 128 : i32
    %add3A_121 = arith.addi %add3A_120, %mul3A_119 : i32
    "tpu.region"() ({
      %run_scoped3A_183 = tpu.sem_alloc : memref<!tpu.dma_semaphore, #tpu.memory_space<semaphore_mem>>
      %dma_start3A = tpu.memref_slice %arg5[%add3A_121] : memref<256xf32, #tpu.memory_space<hbm>> -> memref<64xf32, #tpu.memory_space<hbm>>
      %dma_start3A_184 = tpu.memref_slice %arg5[%add3A_121] : memref<256xf32, #tpu.memory_space<hbm>> -> memref<64xf32, #tpu.memory_space<hbm>>
      tpu.enqueue_dma source(%dma_start3A_184 : memref<64xf32, #tpu.memory_space<hbm>>) target(%arg14 : memref<64xf32, #tpu.memory_space<vmem>>) target_semaphore(%run_scoped3A_183 : memref<!tpu.dma_semaphore, #tpu.memory_space<semaphore_mem>>)
      %dma_wait3A = tpu.memref_slice %arg5[%add3A_121] : memref<256xf32, #tpu.memory_space<hbm>> -> memref<64xf32, #tpu.memory_space<hbm>>
      %dma_wait3A_185 = tpu.memref_slice %arg5[%add3A_121] : memref<256xf32, #tpu.memory_space<hbm>> -> memref<64xf32, #tpu.memory_space<hbm>>
      tpu.wait_dma2 semaphore(%run_scoped3A_183 : memref<!tpu.dma_semaphore, #tpu.memory_space<semaphore_mem>>) src(%dma_wait3A_185 : memref<64xf32, #tpu.memory_space<hbm>>) dst(%arg14 : memref<64xf32, #tpu.memory_space<vmem>>)
      tpu.yield
    }) : () -> ()
    %add3A_122 = arith.constant 0 : i32
    %add3A_123 = arith.addi %mul3A_0, %add3A_122 : i32
    "tpu.region"() ({
      %run_scoped3A_183 = tpu.sem_alloc : memref<!tpu.dma_semaphore, #tpu.memory_space<semaphore_mem>>
      %dma_start3A = arith.constant 0 : i32
      %dma_start3A_184 = tpu.memref_slice %arg15[%add3A_123, %dma_start3A] : memref<10000x64xf32, #tpu.memory_space<vmem_shared>> -> memref<125x64xf32, #tpu.memory_space<vmem_shared>>
      %dma_start3A_185 = arith.constant 0 : i32
      %dma_start3A_186 = tpu.memref_slice %arg15[%add3A_123, %dma_start3A_185] : memref<10000x64xf32, #tpu.memory_space<vmem_shared>> -> memref<125x64xf32, #tpu.memory_space<vmem_shared>>
      tpu.enqueue_dma source(%dma_start3A_186 : memref<125x64xf32, #tpu.memory_space<vmem_shared>>) target(%arg11 : memref<125x64xf32, #tpu.memory_space<vmem>>) target_semaphore(%run_scoped3A_183 : memref<!tpu.dma_semaphore, #tpu.memory_space<semaphore_mem>>)
      %dma_wait3A = arith.constant 0 : i32
      %dma_wait3A_187 = tpu.memref_slice %arg15[%add3A_123, %dma_wait3A] : memref<10000x64xf32, #tpu.memory_space<vmem_shared>> -> memref<125x64xf32, #tpu.memory_space<vmem_shared>>
      %dma_wait3A_188 = arith.constant 0 : i32
      %dma_wait3A_189 = tpu.memref_slice %arg15[%add3A_123, %dma_wait3A_188] : memref<10000x64xf32, #tpu.memory_space<vmem_shared>> -> memref<125x64xf32, #tpu.memory_space<vmem_shared>>
      tpu.wait_dma2 semaphore(%run_scoped3A_183 : memref<!tpu.dma_semaphore, #tpu.memory_space<semaphore_mem>>) src(%dma_wait3A_189 : memref<125x64xf32, #tpu.memory_space<vmem_shared>>) dst(%arg11 : memref<125x64xf32, #tpu.memory_space<vmem>>)
      tpu.yield
    }) : () -> ()
    %scan3A_124 = arith.constant 0 : i32
    %scan3A_125 = arith.constant 0 : i32
    %scan3A_126 = arith.constant 125 : i32
    %scan3A_127 = arith.addi %scan3A_125, %scan3A_126 : i32
    %scan3A_128 = arith.constant 1 : i32
    %scan3A_129 = scf.for %scan3A_183 = %scan3A_125 to %scan3A_127 step %scan3A_128 iter_args(%scan3A_184 = %scan3A_124) -> (i32)  : i32 {
      %add3A_185 = arith.constant 0 : i32
      %add3A_186 = arith.addi %rem3A_1, %add3A_185 : i32
      %broadcast_in_dim3A_187 = vector.broadcast %add3A_186 : i32 to vector<16xi32>
      %broadcast_in_dim3A_188 = vector.broadcast %scan3A_183 : i32 to vector<16xi32>
      %add3A_189 = arith.addi %broadcast_in_dim3A_187, %broadcast_in_dim3A_188 : vector<16xi32>
      %gather3A = tpu.vector_load_idx %arg12[%add3A_189] : memref<640xf32, #tpu.memory_space<vmem>>[vector<16xi32>], vector<16xf32>,
      %max3A = arith.constant 1.000000e+00 : f32
      %max3A_190 = vector.broadcast %max3A : f32 to vector<16xf32>
      %max3A_191 = arith.maximumf %gather3A, %max3A_190 : vector<16xf32>
      %div3A = arith.constant 1.000000e+00 : f32
      %div3A_192 = vector.broadcast %div3A : f32 to vector<16xf32>
      %div3A_193 = arith.divf %div3A_192, %max3A_191 : vector<16xf32>
      %get3A = arith.index_cast %scan3A_183 : i32 to index
      %get3A_194 = arith.constant 0 : index
      %get3A_195 = tpu.vector_load %arg11[%get3A, %get3A_194] {strides = array<i32>} : memref<125x64xf32, #tpu.memory_space<vmem>>, vector<16xf32>,
      %mul3A_196 = arith.mulf %get3A_195, %div3A_193 : vector<16xf32>
      %get3A_197 = arith.constant 0 : index
      %get3A_198 = tpu.vector_load %arg14[%get3A_197] {strides = array<i32>} : memref<64xf32, #tpu.memory_space<vmem>>, vector<16xf32>,
      %add3A_199 = arith.addf %mul3A_196, %get3A_198 : vector<16xf32>
      %swap3A = arith.index_cast %scan3A_183 : i32 to index
      %swap3A_200 = arith.constant 0 : index
      %swap3A_201 = tpu.vector_load %arg11[%swap3A, %swap3A_200] {strides = array<i32>} : memref<125x64xf32, #tpu.memory_space<vmem>>, vector<16xf32>,
      tpu.vector_store %arg11[%swap3A, %swap3A_200], %add3A_199 {strides = array<i32>} : memref<125x64xf32, #tpu.memory_space<vmem>>, vector<16xf32>,
      %get3A_202 = arith.index_cast %scan3A_183 : i32 to index
      %get3A_203 = arith.constant 16 : index
      %get3A_204 = tpu.vector_load %arg11[%get3A_202, %get3A_203] {strides = array<i32>} : memref<125x64xf32, #tpu.memory_space<vmem>>, vector<16xf32>,
      %mul3A_205 = arith.mulf %get3A_204, %div3A_193 : vector<16xf32>
      %get3A_206 = arith.constant 16 : index
      %get3A_207 = tpu.vector_load %arg14[%get3A_206] {strides = array<i32>} : memref<64xf32, #tpu.memory_space<vmem>>, vector<16xf32>,
      %add3A_208 = arith.addf %mul3A_205, %get3A_207 : vector<16xf32>
      %swap3A_209 = arith.index_cast %scan3A_183 : i32 to index
      %swap3A_210 = arith.constant 16 : index
      %swap3A_211 = tpu.vector_load %arg11[%swap3A_209, %swap3A_210] {strides = array<i32>} : memref<125x64xf32, #tpu.memory_space<vmem>>, vector<16xf32>,
      tpu.vector_store %arg11[%swap3A_209, %swap3A_210], %add3A_208 {strides = array<i32>} : memref<125x64xf32, #tpu.memory_space<vmem>>, vector<16xf32>,
      %get3A_212 = arith.index_cast %scan3A_183 : i32 to index
      %get3A_213 = arith.constant 32 : index
      %get3A_214 = tpu.vector_load %arg11[%get3A_212, %get3A_213] {strides = array<i32>} : memref<125x64xf32, #tpu.memory_space<vmem>>, vector<16xf32>,
      %mul3A_215 = arith.mulf %get3A_214, %div3A_193 : vector<16xf32>
      %get3A_216 = arith.constant 32 : index
      %get3A_217 = tpu.vector_load %arg14[%get3A_216] {strides = array<i32>} : memref<64xf32, #tpu.memory_space<vmem>>, vector<16xf32>,
      %add3A_218 = arith.addf %mul3A_215, %get3A_217 : vector<16xf32>
      %swap3A_219 = arith.index_cast %scan3A_183 : i32 to index
      %swap3A_220 = arith.constant 32 : index
      %swap3A_221 = tpu.vector_load %arg11[%swap3A_219, %swap3A_220] {strides = array<i32>} : memref<125x64xf32, #tpu.memory_space<vmem>>, vector<16xf32>,
      tpu.vector_store %arg11[%swap3A_219, %swap3A_220], %add3A_218 {strides = array<i32>} : memref<125x64xf32, #tpu.memory_space<vmem>>, vector<16xf32>,
      %get3A_222 = arith.index_cast %scan3A_183 : i32 to index
      %get3A_223 = arith.constant 48 : index
      %get3A_224 = tpu.vector_load %arg11[%get3A_222, %get3A_223] {strides = array<i32>} : memref<125x64xf32, #tpu.memory_space<vmem>>, vector<16xf32>,
      %mul3A_225 = arith.mulf %get3A_224, %div3A_193 : vector<16xf32>
      %get3A_226 = arith.constant 48 : index
      %get3A_227 = tpu.vector_load %arg14[%get3A_226] {strides = array<i32>} : memref<64xf32, #tpu.memory_space<vmem>>, vector<16xf32>,
      %add3A_228 = arith.addf %mul3A_225, %get3A_227 : vector<16xf32>
      %swap3A_229 = arith.index_cast %scan3A_183 : i32 to index
      %swap3A_230 = arith.constant 48 : index
      %swap3A_231 = tpu.vector_load %arg11[%swap3A_229, %swap3A_230] {strides = array<i32>} : memref<125x64xf32, #tpu.memory_space<vmem>>, vector<16xf32>,
      tpu.vector_store %arg11[%swap3A_229, %swap3A_230], %add3A_228 {strides = array<i32>} : memref<125x64xf32, #tpu.memory_space<vmem>>, vector<16xf32>,
      %scan3A_232 = arith.constant 0 : i32
      scf.yield %scan3A_232 : i32
    }
    %scan3A_130 = arith.constant 125 : i32
    %add3A_131 = arith.constant 0 : i32
    %add3A_132 = arith.addi %mul3A_0, %add3A_131 : i32
    %run_scoped3A_133 = arith.constant 1 : i32
    "tpu.region"() ({
      %run_scoped3A_183 = tpu.sem_alloc : memref<!tpu.dma_semaphore, #tpu.memory_space<semaphore_mem>>
      %dma_start3A = arith.constant 0 : i32
      %dma_start3A_184 = tpu.memref_slice %arg7[%run_scoped3A_133, %arg0, %add3A_132, %dma_start3A] : memref<2x2x10000x64xf32, #tpu.memory_space<hbm>> -> memref<1x1x125x64xf32, #tpu.memory_space<hbm>>
      %dma_start3A_185 = tpu.memref_squeeze %dma_start3A_184 : memref<1x1x125x64xf32, #tpu.memory_space<hbm>> -> memref<125x64xf32, #tpu.memory_space<hbm>>
      %dma_start3A_186 = arith.constant 0 : i32
      %dma_start3A_187 = tpu.memref_slice %arg7[%run_scoped3A_133, %arg0, %add3A_132, %dma_start3A_186] : memref<2x2x10000x64xf32, #tpu.memory_space<hbm>> -> memref<1x1x125x64xf32, #tpu.memory_space<hbm>>
      %dma_start3A_188 = tpu.memref_squeeze %dma_start3A_187 : memref<1x1x125x64xf32, #tpu.memory_space<hbm>> -> memref<125x64xf32, #tpu.memory_space<hbm>>
      tpu.enqueue_dma source(%arg11 : memref<125x64xf32, #tpu.memory_space<vmem>>) target(%dma_start3A_188 : memref<125x64xf32, #tpu.memory_space<hbm>>) target_semaphore(%run_scoped3A_183 : memref<!tpu.dma_semaphore, #tpu.memory_space<semaphore_mem>>)
      %dma_wait3A = arith.constant 0 : i32
      %dma_wait3A_189 = tpu.memref_slice %arg7[%run_scoped3A_133, %arg0, %add3A_132, %dma_wait3A] : memref<2x2x10000x64xf32, #tpu.memory_space<hbm>> -> memref<1x1x125x64xf32, #tpu.memory_space<hbm>>
      %dma_wait3A_190 = tpu.memref_squeeze %dma_wait3A_189 : memref<1x1x125x64xf32, #tpu.memory_space<hbm>> -> memref<125x64xf32, #tpu.memory_space<hbm>>
      %dma_wait3A_191 = arith.constant 0 : i32
      %dma_wait3A_192 = tpu.memref_slice %arg7[%run_scoped3A_133, %arg0, %add3A_132, %dma_wait3A_191] : memref<2x2x10000x64xf32, #tpu.memory_space<hbm>> -> memref<1x1x125x64xf32, #tpu.memory_space<hbm>>
      %dma_wait3A_193 = tpu.memref_squeeze %dma_wait3A_192 : memref<1x1x125x64xf32, #tpu.memory_space<hbm>> -> memref<125x64xf32, #tpu.memory_space<hbm>>
      tpu.wait_dma2 semaphore(%run_scoped3A_183 : memref<!tpu.dma_semaphore, #tpu.memory_space<semaphore_mem>>) src(%arg11 : memref<125x64xf32, #tpu.memory_space<vmem>>) dst(%dma_wait3A_193 : memref<125x64xf32, #tpu.memory_space<hbm>>)
      tpu.yield
    }) : () -> ()
    %add3A_134 = arith.constant 125 : i32
    %add3A_135 = arith.addi %mul3A_0, %add3A_134 : i32
    "tpu.region"() ({
      %run_scoped3A_183 = tpu.sem_alloc : memref<!tpu.dma_semaphore, #tpu.memory_space<semaphore_mem>>
      %dma_start3A = arith.constant 0 : i32
      %dma_start3A_184 = tpu.memref_slice %arg15[%add3A_135, %dma_start3A] : memref<10000x64xf32, #tpu.memory_space<vmem_shared>> -> memref<125x64xf32, #tpu.memory_space<vmem_shared>>
      %dma_start3A_185 = arith.constant 0 : i32
      %dma_start3A_186 = tpu.memref_slice %arg15[%add3A_135, %dma_start3A_185] : memref<10000x64xf32, #tpu.memory_space<vmem_shared>> -> memref<125x64xf32, #tpu.memory_space<vmem_shared>>
      tpu.enqueue_dma source(%dma_start3A_186 : memref<125x64xf32, #tpu.memory_space<vmem_shared>>) target(%arg11 : memref<125x64xf32, #tpu.memory_space<vmem>>) target_semaphore(%run_scoped3A_183 : memref<!tpu.dma_semaphore, #tpu.memory_space<semaphore_mem>>)
      %dma_wait3A = arith.constant 0 : i32
      %dma_wait3A_187 = tpu.memref_slice %arg15[%add3A_135, %dma_wait3A] : memref<10000x64xf32, #tpu.memory_space<vmem_shared>> -> memref<125x64xf32, #tpu.memory_space<vmem_shared>>
      %dma_wait3A_188 = arith.constant 0 : i32
      %dma_wait3A_189 = tpu.memref_slice %arg15[%add3A_135, %dma_wait3A_188] : memref<10000x64xf32, #tpu.memory_space<vmem_shared>> -> memref<125x64xf32, #tpu.memory_space<vmem_shared>>
      tpu.wait_dma2 semaphore(%run_scoped3A_183 : memref<!tpu.dma_semaphore, #tpu.memory_space<semaphore_mem>>) src(%dma_wait3A_189 : memref<125x64xf32, #tpu.memory_space<vmem_shared>>) dst(%arg11 : memref<125x64xf32, #tpu.memory_space<vmem>>)
      tpu.yield
    }) : () -> ()
    %scan3A_136 = arith.constant 0 : i32
    %scan3A_137 = arith.constant 0 : i32
    %scan3A_138 = arith.constant 125 : i32
    %scan3A_139 = arith.addi %scan3A_137, %scan3A_138 : i32
    %scan3A_140 = arith.constant 1 : i32
    %scan3A_141 = scf.for %scan3A_183 = %scan3A_137 to %scan3A_139 step %scan3A_140 iter_args(%scan3A_184 = %scan3A_136) -> (i32)  : i32 {
      %add3A_185 = arith.constant 125 : i32
      %add3A_186 = arith.addi %rem3A_1, %add3A_185 : i32
      %broadcast_in_dim3A_187 = vector.broadcast %add3A_186 : i32 to vector<16xi32>
      %broadcast_in_dim3A_188 = vector.broadcast %scan3A_183 : i32 to vector<16xi32>
      %add3A_189 = arith.addi %broadcast_in_dim3A_187, %broadcast_in_dim3A_188 : vector<16xi32>
      %gather3A = tpu.vector_load_idx %arg12[%add3A_189] : memref<640xf32, #tpu.memory_space<vmem>>[vector<16xi32>], vector<16xf32>,
      %max3A = arith.constant 1.000000e+00 : f32
      %max3A_190 = vector.broadcast %max3A : f32 to vector<16xf32>
      %max3A_191 = arith.maximumf %gather3A, %max3A_190 : vector<16xf32>
      %div3A = arith.constant 1.000000e+00 : f32
      %div3A_192 = vector.broadcast %div3A : f32 to vector<16xf32>
      %div3A_193 = arith.divf %div3A_192, %max3A_191 : vector<16xf32>
      %get3A = arith.index_cast %scan3A_183 : i32 to index
      %get3A_194 = arith.constant 0 : index
      %get3A_195 = tpu.vector_load %arg11[%get3A, %get3A_194] {strides = array<i32>} : memref<125x64xf32, #tpu.memory_space<vmem>>, vector<16xf32>,
      %mul3A_196 = arith.mulf %get3A_195, %div3A_193 : vector<16xf32>
      %get3A_197 = arith.constant 0 : index
      %get3A_198 = tpu.vector_load %arg14[%get3A_197] {strides = array<i32>} : memref<64xf32, #tpu.memory_space<vmem>>, vector<16xf32>,
      %add3A_199 = arith.addf %mul3A_196, %get3A_198 : vector<16xf32>
      %swap3A = arith.index_cast %scan3A_183 : i32 to index
      %swap3A_200 = arith.constant 0 : index
      %swap3A_201 = tpu.vector_load %arg11[%swap3A, %swap3A_200] {strides = array<i32>} : memref<125x64xf32, #tpu.memory_space<vmem>>, vector<16xf32>,
      tpu.vector_store %arg11[%swap3A, %swap3A_200], %add3A_199 {strides = array<i32>} : memref<125x64xf32, #tpu.memory_space<vmem>>, vector<16xf32>,
      %get3A_202 = arith.index_cast %scan3A_183 : i32 to index
      %get3A_203 = arith.constant 16 : index
      %get3A_204 = tpu.vector_load %arg11[%get3A_202, %get3A_203] {strides = array<i32>} : memref<125x64xf32, #tpu.memory_space<vmem>>, vector<16xf32>,
      %mul3A_205 = arith.mulf %get3A_204, %div3A_193 : vector<16xf32>
      %get3A_206 = arith.constant 16 : index
      %get3A_207 = tpu.vector_load %arg14[%get3A_206] {strides = array<i32>} : memref<64xf32, #tpu.memory_space<vmem>>, vector<16xf32>,
      %add3A_208 = arith.addf %mul3A_205, %get3A_207 : vector<16xf32>
      %swap3A_209 = arith.index_cast %scan3A_183 : i32 to index
      %swap3A_210 = arith.constant 16 : index
      %swap3A_211 = tpu.vector_load %arg11[%swap3A_209, %swap3A_210] {strides = array<i32>} : memref<125x64xf32, #tpu.memory_space<vmem>>, vector<16xf32>,
      tpu.vector_store %arg11[%swap3A_209, %swap3A_210], %add3A_208 {strides = array<i32>} : memref<125x64xf32, #tpu.memory_space<vmem>>, vector<16xf32>,
      %get3A_212 = arith.index_cast %scan3A_183 : i32 to index
      %get3A_213 = arith.constant 32 : index
      %get3A_214 = tpu.vector_load %arg11[%get3A_212, %get3A_213] {strides = array<i32>} : memref<125x64xf32, #tpu.memory_space<vmem>>, vector<16xf32>,
      %mul3A_215 = arith.mulf %get3A_214, %div3A_193 : vector<16xf32>
      %get3A_216 = arith.constant 32 : index
      %get3A_217 = tpu.vector_load %arg14[%get3A_216] {strides = array<i32>} : memref<64xf32, #tpu.memory_space<vmem>>, vector<16xf32>,
      %add3A_218 = arith.addf %mul3A_215, %get3A_217 : vector<16xf32>
      %swap3A_219 = arith.index_cast %scan3A_183 : i32 to index
      %swap3A_220 = arith.constant 32 : index
      %swap3A_221 = tpu.vector_load %arg11[%swap3A_219, %swap3A_220] {strides = array<i32>} : memref<125x64xf32, #tpu.memory_space<vmem>>, vector<16xf32>,
      tpu.vector_store %arg11[%swap3A_219, %swap3A_220], %add3A_218 {strides = array<i32>} : memref<125x64xf32, #tpu.memory_space<vmem>>, vector<16xf32>,
      %get3A_222 = arith.index_cast %scan3A_183 : i32 to index
      %get3A_223 = arith.constant 48 : index
      %get3A_224 = tpu.vector_load %arg11[%get3A_222, %get3A_223] {strides = array<i32>} : memref<125x64xf32, #tpu.memory_space<vmem>>, vector<16xf32>,
      %mul3A_225 = arith.mulf %get3A_224, %div3A_193 : vector<16xf32>
      %get3A_226 = arith.constant 48 : index
      %get3A_227 = tpu.vector_load %arg14[%get3A_226] {strides = array<i32>} : memref<64xf32, #tpu.memory_space<vmem>>, vector<16xf32>,
      %add3A_228 = arith.addf %mul3A_225, %get3A_227 : vector<16xf32>
      %swap3A_229 = arith.index_cast %scan3A_183 : i32 to index
      %swap3A_230 = arith.constant 48 : index
      %swap3A_231 = tpu.vector_load %arg11[%swap3A_229, %swap3A_230] {strides = array<i32>} : memref<125x64xf32, #tpu.memory_space<vmem>>, vector<16xf32>,
      tpu.vector_store %arg11[%swap3A_229, %swap3A_230], %add3A_228 {strides = array<i32>} : memref<125x64xf32, #tpu.memory_space<vmem>>, vector<16xf32>,
      %scan3A_232 = arith.constant 0 : i32
      scf.yield %scan3A_232 : i32
    }
    %scan3A_142 = arith.constant 125 : i32
    %add3A_143 = arith.constant 125 : i32
    %add3A_144 = arith.addi %mul3A_0, %add3A_143 : i32
    %run_scoped3A_145 = arith.constant 1 : i32
    "tpu.region"() ({
      %run_scoped3A_183 = tpu.sem_alloc : memref<!tpu.dma_semaphore, #tpu.memory_space<semaphore_mem>>
      %dma_start3A = arith.constant 0 : i32
      %dma_start3A_184 = tpu.memref_slice %arg7[%run_scoped3A_145, %arg0, %add3A_144, %dma_start3A] : memref<2x2x10000x64xf32, #tpu.memory_space<hbm>> -> memref<1x1x125x64xf32, #tpu.memory_space<hbm>>
      %dma_start3A_185 = tpu.memref_squeeze %dma_start3A_184 : memref<1x1x125x64xf32, #tpu.memory_space<hbm>> -> memref<125x64xf32, #tpu.memory_space<hbm>>
      %dma_start3A_186 = arith.constant 0 : i32
      %dma_start3A_187 = tpu.memref_slice %arg7[%run_scoped3A_145, %arg0, %add3A_144, %dma_start3A_186] : memref<2x2x10000x64xf32, #tpu.memory_space<hbm>> -> memref<1x1x125x64xf32, #tpu.memory_space<hbm>>
      %dma_start3A_188 = tpu.memref_squeeze %dma_start3A_187 : memref<1x1x125x64xf32, #tpu.memory_space<hbm>> -> memref<125x64xf32, #tpu.memory_space<hbm>>
      tpu.enqueue_dma source(%arg11 : memref<125x64xf32, #tpu.memory_space<vmem>>) target(%dma_start3A_188 : memref<125x64xf32, #tpu.memory_space<hbm>>) target_semaphore(%run_scoped3A_183 : memref<!tpu.dma_semaphore, #tpu.memory_space<semaphore_mem>>)
      %dma_wait3A = arith.constant 0 : i32
      %dma_wait3A_189 = tpu.memref_slice %arg7[%run_scoped3A_145, %arg0, %add3A_144, %dma_wait3A] : memref<2x2x10000x64xf32, #tpu.memory_space<hbm>> -> memref<1x1x125x64xf32, #tpu.memory_space<hbm>>
      %dma_wait3A_190 = tpu.memref_squeeze %dma_wait3A_189 : memref<1x1x125x64xf32, #tpu.memory_space<hbm>> -> memref<125x64xf32, #tpu.memory_space<hbm>>
      %dma_wait3A_191 = arith.constant 0 : i32
      %dma_wait3A_192 = tpu.memref_slice %arg7[%run_scoped3A_145, %arg0, %add3A_144, %dma_wait3A_191] : memref<2x2x10000x64xf32, #tpu.memory_space<hbm>> -> memref<1x1x125x64xf32, #tpu.memory_space<hbm>>
      %dma_wait3A_193 = tpu.memref_squeeze %dma_wait3A_192 : memref<1x1x125x64xf32, #tpu.memory_space<hbm>> -> memref<125x64xf32, #tpu.memory_space<hbm>>
      tpu.wait_dma2 semaphore(%run_scoped3A_183 : memref<!tpu.dma_semaphore, #tpu.memory_space<semaphore_mem>>) src(%arg11 : memref<125x64xf32, #tpu.memory_space<vmem>>) dst(%dma_wait3A_193 : memref<125x64xf32, #tpu.memory_space<hbm>>)
      tpu.yield
    }) : () -> ()
    %add3A_146 = arith.constant 250 : i32
    %add3A_147 = arith.addi %mul3A_0, %add3A_146 : i32
    "tpu.region"() ({
      %run_scoped3A_183 = tpu.sem_alloc : memref<!tpu.dma_semaphore, #tpu.memory_space<semaphore_mem>>
      %dma_start3A = arith.constant 0 : i32
      %dma_start3A_184 = tpu.memref_slice %arg15[%add3A_147, %dma_start3A] : memref<10000x64xf32, #tpu.memory_space<vmem_shared>> -> memref<125x64xf32, #tpu.memory_space<vmem_shared>>
      %dma_start3A_185 = arith.constant 0 : i32
      %dma_start3A_186 = tpu.memref_slice %arg15[%add3A_147, %dma_start3A_185] : memref<10000x64xf32, #tpu.memory_space<vmem_shared>> -> memref<125x64xf32, #tpu.memory_space<vmem_shared>>
      tpu.enqueue_dma source(%dma_start3A_186 : memref<125x64xf32, #tpu.memory_space<vmem_shared>>) target(%arg11 : memref<125x64xf32, #tpu.memory_space<vmem>>) target_semaphore(%run_scoped3A_183 : memref<!tpu.dma_semaphore, #tpu.memory_space<semaphore_mem>>)
      %dma_wait3A = arith.constant 0 : i32
      %dma_wait3A_187 = tpu.memref_slice %arg15[%add3A_147, %dma_wait3A] : memref<10000x64xf32, #tpu.memory_space<vmem_shared>> -> memref<125x64xf32, #tpu.memory_space<vmem_shared>>
      %dma_wait3A_188 = arith.constant 0 : i32
      %dma_wait3A_189 = tpu.memref_slice %arg15[%add3A_147, %dma_wait3A_188] : memref<10000x64xf32, #tpu.memory_space<vmem_shared>> -> memref<125x64xf32, #tpu.memory_space<vmem_shared>>
      tpu.wait_dma2 semaphore(%run_scoped3A_183 : memref<!tpu.dma_semaphore, #tpu.memory_space<semaphore_mem>>) src(%dma_wait3A_189 : memref<125x64xf32, #tpu.memory_space<vmem_shared>>) dst(%arg11 : memref<125x64xf32, #tpu.memory_space<vmem>>)
      tpu.yield
    }) : () -> ()
    %scan3A_148 = arith.constant 0 : i32
    %scan3A_149 = arith.constant 0 : i32
    %scan3A_150 = arith.constant 125 : i32
    %scan3A_151 = arith.addi %scan3A_149, %scan3A_150 : i32
    %scan3A_152 = arith.constant 1 : i32
    %scan3A_153 = scf.for %scan3A_183 = %scan3A_149 to %scan3A_151 step %scan3A_152 iter_args(%scan3A_184 = %scan3A_148) -> (i32)  : i32 {
      %add3A_185 = arith.constant 250 : i32
      %add3A_186 = arith.addi %rem3A_1, %add3A_185 : i32
      %broadcast_in_dim3A_187 = vector.broadcast %add3A_186 : i32 to vector<16xi32>
      %broadcast_in_dim3A_188 = vector.broadcast %scan3A_183 : i32 to vector<16xi32>
      %add3A_189 = arith.addi %broadcast_in_dim3A_187, %broadcast_in_dim3A_188 : vector<16xi32>
      %gather3A = tpu.vector_load_idx %arg12[%add3A_189] : memref<640xf32, #tpu.memory_space<vmem>>[vector<16xi32>], vector<16xf32>,
      %max3A = arith.constant 1.000000e+00 : f32
      %max3A_190 = vector.broadcast %max3A : f32 to vector<16xf32>
      %max3A_191 = arith.maximumf %gather3A, %max3A_190 : vector<16xf32>
      %div3A = arith.constant 1.000000e+00 : f32
      %div3A_192 = vector.broadcast %div3A : f32 to vector<16xf32>
      %div3A_193 = arith.divf %div3A_192, %max3A_191 : vector<16xf32>
      %get3A = arith.index_cast %scan3A_183 : i32 to index
      %get3A_194 = arith.constant 0 : index
      %get3A_195 = tpu.vector_load %arg11[%get3A, %get3A_194] {strides = array<i32>} : memref<125x64xf32, #tpu.memory_space<vmem>>, vector<16xf32>,
      %mul3A_196 = arith.mulf %get3A_195, %div3A_193 : vector<16xf32>
      %get3A_197 = arith.constant 0 : index
      %get3A_198 = tpu.vector_load %arg14[%get3A_197] {strides = array<i32>} : memref<64xf32, #tpu.memory_space<vmem>>, vector<16xf32>,
      %add3A_199 = arith.addf %mul3A_196, %get3A_198 : vector<16xf32>
      %swap3A = arith.index_cast %scan3A_183 : i32 to index
      %swap3A_200 = arith.constant 0 : index
      %swap3A_201 = tpu.vector_load %arg11[%swap3A, %swap3A_200] {strides = array<i32>} : memref<125x64xf32, #tpu.memory_space<vmem>>, vector<16xf32>,
      tpu.vector_store %arg11[%swap3A, %swap3A_200], %add3A_199 {strides = array<i32>} : memref<125x64xf32, #tpu.memory_space<vmem>>, vector<16xf32>,
      %get3A_202 = arith.index_cast %scan3A_183 : i32 to index
      %get3A_203 = arith.constant 16 : index
      %get3A_204 = tpu.vector_load %arg11[%get3A_202, %get3A_203] {strides = array<i32>} : memref<125x64xf32, #tpu.memory_space<vmem>>, vector<16xf32>,
      %mul3A_205 = arith.mulf %get3A_204, %div3A_193 : vector<16xf32>
      %get3A_206 = arith.constant 16 : index
      %get3A_207 = tpu.vector_load %arg14[%get3A_206] {strides = array<i32>} : memref<64xf32, #tpu.memory_space<vmem>>, vector<16xf32>,
      %add3A_208 = arith.addf %mul3A_205, %get3A_207 : vector<16xf32>
      %swap3A_209 = arith.index_cast %scan3A_183 : i32 to index
      %swap3A_210 = arith.constant 16 : index
      %swap3A_211 = tpu.vector_load %arg11[%swap3A_209, %swap3A_210] {strides = array<i32>} : memref<125x64xf32, #tpu.memory_space<vmem>>, vector<16xf32>,
      tpu.vector_store %arg11[%swap3A_209, %swap3A_210], %add3A_208 {strides = array<i32>} : memref<125x64xf32, #tpu.memory_space<vmem>>, vector<16xf32>,
      %get3A_212 = arith.index_cast %scan3A_183 : i32 to index
      %get3A_213 = arith.constant 32 : index
      %get3A_214 = tpu.vector_load %arg11[%get3A_212, %get3A_213] {strides = array<i32>} : memref<125x64xf32, #tpu.memory_space<vmem>>, vector<16xf32>,
      %mul3A_215 = arith.mulf %get3A_214, %div3A_193 : vector<16xf32>
      %get3A_216 = arith.constant 32 : index
      %get3A_217 = tpu.vector_load %arg14[%get3A_216] {strides = array<i32>} : memref<64xf32, #tpu.memory_space<vmem>>, vector<16xf32>,
      %add3A_218 = arith.addf %mul3A_215, %get3A_217 : vector<16xf32>
      %swap3A_219 = arith.index_cast %scan3A_183 : i32 to index
      %swap3A_220 = arith.constant 32 : index
      %swap3A_221 = tpu.vector_load %arg11[%swap3A_219, %swap3A_220] {strides = array<i32>} : memref<125x64xf32, #tpu.memory_space<vmem>>, vector<16xf32>,
      tpu.vector_store %arg11[%swap3A_219, %swap3A_220], %add3A_218 {strides = array<i32>} : memref<125x64xf32, #tpu.memory_space<vmem>>, vector<16xf32>,
      %get3A_222 = arith.index_cast %scan3A_183 : i32 to index
      %get3A_223 = arith.constant 48 : index
      %get3A_224 = tpu.vector_load %arg11[%get3A_222, %get3A_223] {strides = array<i32>} : memref<125x64xf32, #tpu.memory_space<vmem>>, vector<16xf32>,
      %mul3A_225 = arith.mulf %get3A_224, %div3A_193 : vector<16xf32>
      %get3A_226 = arith.constant 48 : index
      %get3A_227 = tpu.vector_load %arg14[%get3A_226] {strides = array<i32>} : memref<64xf32, #tpu.memory_space<vmem>>, vector<16xf32>,
      %add3A_228 = arith.addf %mul3A_225, %get3A_227 : vector<16xf32>
      %swap3A_229 = arith.index_cast %scan3A_183 : i32 to index
      %swap3A_230 = arith.constant 48 : index
      %swap3A_231 = tpu.vector_load %arg11[%swap3A_229, %swap3A_230] {strides = array<i32>} : memref<125x64xf32, #tpu.memory_space<vmem>>, vector<16xf32>,
      tpu.vector_store %arg11[%swap3A_229, %swap3A_230], %add3A_228 {strides = array<i32>} : memref<125x64xf32, #tpu.memory_space<vmem>>, vector<16xf32>,
      %scan3A_232 = arith.constant 0 : i32
      scf.yield %scan3A_232 : i32
    }
    %scan3A_154 = arith.constant 125 : i32
    %add3A_155 = arith.constant 250 : i32
    %add3A_156 = arith.addi %mul3A_0, %add3A_155 : i32
    %run_scoped3A_157 = arith.constant 1 : i32
    "tpu.region"() ({
      %run_scoped3A_183 = tpu.sem_alloc : memref<!tpu.dma_semaphore, #tpu.memory_space<semaphore_mem>>
      %dma_start3A = arith.constant 0 : i32
      %dma_start3A_184 = tpu.memref_slice %arg7[%run_scoped3A_157, %arg0, %add3A_156, %dma_start3A] : memref<2x2x10000x64xf32, #tpu.memory_space<hbm>> -> memref<1x1x125x64xf32, #tpu.memory_space<hbm>>
      %dma_start3A_185 = tpu.memref_squeeze %dma_start3A_184 : memref<1x1x125x64xf32, #tpu.memory_space<hbm>> -> memref<125x64xf32, #tpu.memory_space<hbm>>
      %dma_start3A_186 = arith.constant 0 : i32
      %dma_start3A_187 = tpu.memref_slice %arg7[%run_scoped3A_157, %arg0, %add3A_156, %dma_start3A_186] : memref<2x2x10000x64xf32, #tpu.memory_space<hbm>> -> memref<1x1x125x64xf32, #tpu.memory_space<hbm>>
      %dma_start3A_188 = tpu.memref_squeeze %dma_start3A_187 : memref<1x1x125x64xf32, #tpu.memory_space<hbm>> -> memref<125x64xf32, #tpu.memory_space<hbm>>
      tpu.enqueue_dma source(%arg11 : memref<125x64xf32, #tpu.memory_space<vmem>>) target(%dma_start3A_188 : memref<125x64xf32, #tpu.memory_space<hbm>>) target_semaphore(%run_scoped3A_183 : memref<!tpu.dma_semaphore, #tpu.memory_space<semaphore_mem>>)
      %dma_wait3A = arith.constant 0 : i32
      %dma_wait3A_189 = tpu.memref_slice %arg7[%run_scoped3A_157, %arg0, %add3A_156, %dma_wait3A] : memref<2x2x10000x64xf32, #tpu.memory_space<hbm>> -> memref<1x1x125x64xf32, #tpu.memory_space<hbm>>
      %dma_wait3A_190 = tpu.memref_squeeze %dma_wait3A_189 : memref<1x1x125x64xf32, #tpu.memory_space<hbm>> -> memref<125x64xf32, #tpu.memory_space<hbm>>
      %dma_wait3A_191 = arith.constant 0 : i32
      %dma_wait3A_192 = tpu.memref_slice %arg7[%run_scoped3A_157, %arg0, %add3A_156, %dma_wait3A_191] : memref<2x2x10000x64xf32, #tpu.memory_space<hbm>> -> memref<1x1x125x64xf32, #tpu.memory_space<hbm>>
      %dma_wait3A_193 = tpu.memref_squeeze %dma_wait3A_192 : memref<1x1x125x64xf32, #tpu.memory_space<hbm>> -> memref<125x64xf32, #tpu.memory_space<hbm>>
      tpu.wait_dma2 semaphore(%run_scoped3A_183 : memref<!tpu.dma_semaphore, #tpu.memory_space<semaphore_mem>>) src(%arg11 : memref<125x64xf32, #tpu.memory_space<vmem>>) dst(%dma_wait3A_193 : memref<125x64xf32, #tpu.memory_space<hbm>>)
      tpu.yield
    }) : () -> ()
    %add3A_158 = arith.constant 375 : i32
    %add3A_159 = arith.addi %mul3A_0, %add3A_158 : i32
    "tpu.region"() ({
      %run_scoped3A_183 = tpu.sem_alloc : memref<!tpu.dma_semaphore, #tpu.memory_space<semaphore_mem>>
      %dma_start3A = arith.constant 0 : i32
      %dma_start3A_184 = tpu.memref_slice %arg15[%add3A_159, %dma_start3A] : memref<10000x64xf32, #tpu.memory_space<vmem_shared>> -> memref<125x64xf32, #tpu.memory_space<vmem_shared>>
      %dma_start3A_185 = arith.constant 0 : i32
      %dma_start3A_186 = tpu.memref_slice %arg15[%add3A_159, %dma_start3A_185] : memref<10000x64xf32, #tpu.memory_space<vmem_shared>> -> memref<125x64xf32, #tpu.memory_space<vmem_shared>>
      tpu.enqueue_dma source(%dma_start3A_186 : memref<125x64xf32, #tpu.memory_space<vmem_shared>>) target(%arg11 : memref<125x64xf32, #tpu.memory_space<vmem>>) target_semaphore(%run_scoped3A_183 : memref<!tpu.dma_semaphore, #tpu.memory_space<semaphore_mem>>)
      %dma_wait3A = arith.constant 0 : i32
      %dma_wait3A_187 = tpu.memref_slice %arg15[%add3A_159, %dma_wait3A] : memref<10000x64xf32, #tpu.memory_space<vmem_shared>> -> memref<125x64xf32, #tpu.memory_space<vmem_shared>>
      %dma_wait3A_188 = arith.constant 0 : i32
      %dma_wait3A_189 = tpu.memref_slice %arg15[%add3A_159, %dma_wait3A_188] : memref<10000x64xf32, #tpu.memory_space<vmem_shared>> -> memref<125x64xf32, #tpu.memory_space<vmem_shared>>
      tpu.wait_dma2 semaphore(%run_scoped3A_183 : memref<!tpu.dma_semaphore, #tpu.memory_space<semaphore_mem>>) src(%dma_wait3A_189 : memref<125x64xf32, #tpu.memory_space<vmem_shared>>) dst(%arg11 : memref<125x64xf32, #tpu.memory_space<vmem>>)
      tpu.yield
    }) : () -> ()
    %scan3A_160 = arith.constant 0 : i32
    %scan3A_161 = arith.constant 0 : i32
    %scan3A_162 = arith.constant 125 : i32
    %scan3A_163 = arith.addi %scan3A_161, %scan3A_162 : i32
    %scan3A_164 = arith.constant 1 : i32
    %scan3A_165 = scf.for %scan3A_183 = %scan3A_161 to %scan3A_163 step %scan3A_164 iter_args(%scan3A_184 = %scan3A_160) -> (i32)  : i32 {
      %add3A_185 = arith.constant 375 : i32
      %add3A_186 = arith.addi %rem3A_1, %add3A_185 : i32
      %broadcast_in_dim3A_187 = vector.broadcast %add3A_186 : i32 to vector<16xi32>
      %broadcast_in_dim3A_188 = vector.broadcast %scan3A_183 : i32 to vector<16xi32>
      %add3A_189 = arith.addi %broadcast_in_dim3A_187, %broadcast_in_dim3A_188 : vector<16xi32>
      %gather3A = tpu.vector_load_idx %arg12[%add3A_189] : memref<640xf32, #tpu.memory_space<vmem>>[vector<16xi32>], vector<16xf32>,
      %max3A = arith.constant 1.000000e+00 : f32
      %max3A_190 = vector.broadcast %max3A : f32 to vector<16xf32>
      %max3A_191 = arith.maximumf %gather3A, %max3A_190 : vector<16xf32>
      %div3A = arith.constant 1.000000e+00 : f32
      %div3A_192 = vector.broadcast %div3A : f32 to vector<16xf32>
      %div3A_193 = arith.divf %div3A_192, %max3A_191 : vector<16xf32>
      %get3A = arith.index_cast %scan3A_183 : i32 to index
      %get3A_194 = arith.constant 0 : index
      %get3A_195 = tpu.vector_load %arg11[%get3A, %get3A_194] {strides = array<i32>} : memref<125x64xf32, #tpu.memory_space<vmem>>, vector<16xf32>,
      %mul3A_196 = arith.mulf %get3A_195, %div3A_193 : vector<16xf32>
      %get3A_197 = arith.constant 0 : index
      %get3A_198 = tpu.vector_load %arg14[%get3A_197] {strides = array<i32>} : memref<64xf32, #tpu.memory_space<vmem>>, vector<16xf32>,
      %add3A_199 = arith.addf %mul3A_196, %get3A_198 : vector<16xf32>
      %swap3A = arith.index_cast %scan3A_183 : i32 to index
      %swap3A_200 = arith.constant 0 : index
      %swap3A_201 = tpu.vector_load %arg11[%swap3A, %swap3A_200] {strides = array<i32>} : memref<125x64xf32, #tpu.memory_space<vmem>>, vector<16xf32>,
      tpu.vector_store %arg11[%swap3A, %swap3A_200], %add3A_199 {strides = array<i32>} : memref<125x64xf32, #tpu.memory_space<vmem>>, vector<16xf32>,
      %get3A_202 = arith.index_cast %scan3A_183 : i32 to index
      %get3A_203 = arith.constant 16 : index
      %get3A_204 = tpu.vector_load %arg11[%get3A_202, %get3A_203] {strides = array<i32>} : memref<125x64xf32, #tpu.memory_space<vmem>>, vector<16xf32>,
      %mul3A_205 = arith.mulf %get3A_204, %div3A_193 : vector<16xf32>
      %get3A_206 = arith.constant 16 : index
      %get3A_207 = tpu.vector_load %arg14[%get3A_206] {strides = array<i32>} : memref<64xf32, #tpu.memory_space<vmem>>, vector<16xf32>,
      %add3A_208 = arith.addf %mul3A_205, %get3A_207 : vector<16xf32>
      %swap3A_209 = arith.index_cast %scan3A_183 : i32 to index
      %swap3A_210 = arith.constant 16 : index
      %swap3A_211 = tpu.vector_load %arg11[%swap3A_209, %swap3A_210] {strides = array<i32>} : memref<125x64xf32, #tpu.memory_space<vmem>>, vector<16xf32>,
      tpu.vector_store %arg11[%swap3A_209, %swap3A_210], %add3A_208 {strides = array<i32>} : memref<125x64xf32, #tpu.memory_space<vmem>>, vector<16xf32>,
      %get3A_212 = arith.index_cast %scan3A_183 : i32 to index
      %get3A_213 = arith.constant 32 : index
      %get3A_214 = tpu.vector_load %arg11[%get3A_212, %get3A_213] {strides = array<i32>} : memref<125x64xf32, #tpu.memory_space<vmem>>, vector<16xf32>,
      %mul3A_215 = arith.mulf %get3A_214, %div3A_193 : vector<16xf32>
      %get3A_216 = arith.constant 32 : index
      %get3A_217 = tpu.vector_load %arg14[%get3A_216] {strides = array<i32>} : memref<64xf32, #tpu.memory_space<vmem>>, vector<16xf32>,
      %add3A_218 = arith.addf %mul3A_215, %get3A_217 : vector<16xf32>
      %swap3A_219 = arith.index_cast %scan3A_183 : i32 to index
      %swap3A_220 = arith.constant 32 : index
      %swap3A_221 = tpu.vector_load %arg11[%swap3A_219, %swap3A_220] {strides = array<i32>} : memref<125x64xf32, #tpu.memory_space<vmem>>, vector<16xf32>,
      tpu.vector_store %arg11[%swap3A_219, %swap3A_220], %add3A_218 {strides = array<i32>} : memref<125x64xf32, #tpu.memory_space<vmem>>, vector<16xf32>,
      %get3A_222 = arith.index_cast %scan3A_183 : i32 to index
      %get3A_223 = arith.constant 48 : index
      %get3A_224 = tpu.vector_load %arg11[%get3A_222, %get3A_223] {strides = array<i32>} : memref<125x64xf32, #tpu.memory_space<vmem>>, vector<16xf32>,
      %mul3A_225 = arith.mulf %get3A_224, %div3A_193 : vector<16xf32>
      %get3A_226 = arith.constant 48 : index
      %get3A_227 = tpu.vector_load %arg14[%get3A_226] {strides = array<i32>} : memref<64xf32, #tpu.memory_space<vmem>>, vector<16xf32>,
      %add3A_228 = arith.addf %mul3A_225, %get3A_227 : vector<16xf32>
      %swap3A_229 = arith.index_cast %scan3A_183 : i32 to index
      %swap3A_230 = arith.constant 48 : index
      %swap3A_231 = tpu.vector_load %arg11[%swap3A_229, %swap3A_230] {strides = array<i32>} : memref<125x64xf32, #tpu.memory_space<vmem>>, vector<16xf32>,
      tpu.vector_store %arg11[%swap3A_229, %swap3A_230], %add3A_228 {strides = array<i32>} : memref<125x64xf32, #tpu.memory_space<vmem>>, vector<16xf32>,
      %scan3A_232 = arith.constant 0 : i32
      scf.yield %scan3A_232 : i32
    }
    %scan3A_166 = arith.constant 125 : i32
    %add3A_167 = arith.constant 375 : i32
    %add3A_168 = arith.addi %mul3A_0, %add3A_167 : i32
    %run_scoped3A_169 = arith.constant 1 : i32
    "tpu.region"() ({
      %run_scoped3A_183 = tpu.sem_alloc : memref<!tpu.dma_semaphore, #tpu.memory_space<semaphore_mem>>
      %dma_start3A = arith.constant 0 : i32
      %dma_start3A_184 = tpu.memref_slice %arg7[%run_scoped3A_169, %arg0, %add3A_168, %dma_start3A] : memref<2x2x10000x64xf32, #tpu.memory_space<hbm>> -> memref<1x1x125x64xf32, #tpu.memory_space<hbm>>
      %dma_start3A_185 = tpu.memref_squeeze %dma_start3A_184 : memref<1x1x125x64xf32, #tpu.memory_space<hbm>> -> memref<125x64xf32, #tpu.memory_space<hbm>>
      %dma_start3A_186 = arith.constant 0 : i32
      %dma_start3A_187 = tpu.memref_slice %arg7[%run_scoped3A_169, %arg0, %add3A_168, %dma_start3A_186] : memref<2x2x10000x64xf32, #tpu.memory_space<hbm>> -> memref<1x1x125x64xf32, #tpu.memory_space<hbm>>
      %dma_start3A_188 = tpu.memref_squeeze %dma_start3A_187 : memref<1x1x125x64xf32, #tpu.memory_space<hbm>> -> memref<125x64xf32, #tpu.memory_space<hbm>>
      tpu.enqueue_dma source(%arg11 : memref<125x64xf32, #tpu.memory_space<vmem>>) target(%dma_start3A_188 : memref<125x64xf32, #tpu.memory_space<hbm>>) target_semaphore(%run_scoped3A_183 : memref<!tpu.dma_semaphore, #tpu.memory_space<semaphore_mem>>)
      %dma_wait3A = arith.constant 0 : i32
      %dma_wait3A_189 = tpu.memref_slice %arg7[%run_scoped3A_169, %arg0, %add3A_168, %dma_wait3A] : memref<2x2x10000x64xf32, #tpu.memory_space<hbm>> -> memref<1x1x125x64xf32, #tpu.memory_space<hbm>>
      %dma_wait3A_190 = tpu.memref_squeeze %dma_wait3A_189 : memref<1x1x125x64xf32, #tpu.memory_space<hbm>> -> memref<125x64xf32, #tpu.memory_space<hbm>>
      %dma_wait3A_191 = arith.constant 0 : i32
      %dma_wait3A_192 = tpu.memref_slice %arg7[%run_scoped3A_169, %arg0, %add3A_168, %dma_wait3A_191] : memref<2x2x10000x64xf32, #tpu.memory_space<hbm>> -> memref<1x1x125x64xf32, #tpu.memory_space<hbm>>
      %dma_wait3A_193 = tpu.memref_squeeze %dma_wait3A_192 : memref<1x1x125x64xf32, #tpu.memory_space<hbm>> -> memref<125x64xf32, #tpu.memory_space<hbm>>
      tpu.wait_dma2 semaphore(%run_scoped3A_183 : memref<!tpu.dma_semaphore, #tpu.memory_space<semaphore_mem>>) src(%arg11 : memref<125x64xf32, #tpu.memory_space<vmem>>) dst(%dma_wait3A_193 : memref<125x64xf32, #tpu.memory_space<hbm>>)
      tpu.yield
    }) : () -> ()
    %add3A_170 = arith.constant 500 : i32
    %add3A_171 = arith.addi %mul3A_0, %add3A_170 : i32
    "tpu.region"() ({
      %run_scoped3A_183 = tpu.sem_alloc : memref<!tpu.dma_semaphore, #tpu.memory_space<semaphore_mem>>
      %dma_start3A = arith.constant 0 : i32
      %dma_start3A_184 = tpu.memref_slice %arg15[%add3A_171, %dma_start3A] : memref<10000x64xf32, #tpu.memory_space<vmem_shared>> -> memref<125x64xf32, #tpu.memory_space<vmem_shared>>
      %dma_start3A_185 = arith.constant 0 : i32
      %dma_start3A_186 = tpu.memref_slice %arg15[%add3A_171, %dma_start3A_185] : memref<10000x64xf32, #tpu.memory_space<vmem_shared>> -> memref<125x64xf32, #tpu.memory_space<vmem_shared>>
      tpu.enqueue_dma source(%dma_start3A_186 : memref<125x64xf32, #tpu.memory_space<vmem_shared>>) target(%arg11 : memref<125x64xf32, #tpu.memory_space<vmem>>) target_semaphore(%run_scoped3A_183 : memref<!tpu.dma_semaphore, #tpu.memory_space<semaphore_mem>>)
      %dma_wait3A = arith.constant 0 : i32
      %dma_wait3A_187 = tpu.memref_slice %arg15[%add3A_171, %dma_wait3A] : memref<10000x64xf32, #tpu.memory_space<vmem_shared>> -> memref<125x64xf32, #tpu.memory_space<vmem_shared>>
      %dma_wait3A_188 = arith.constant 0 : i32
      %dma_wait3A_189 = tpu.memref_slice %arg15[%add3A_171, %dma_wait3A_188] : memref<10000x64xf32, #tpu.memory_space<vmem_shared>> -> memref<125x64xf32, #tpu.memory_space<vmem_shared>>
      tpu.wait_dma2 semaphore(%run_scoped3A_183 : memref<!tpu.dma_semaphore, #tpu.memory_space<semaphore_mem>>) src(%dma_wait3A_189 : memref<125x64xf32, #tpu.memory_space<vmem_shared>>) dst(%arg11 : memref<125x64xf32, #tpu.memory_space<vmem>>)
      tpu.yield
    }) : () -> ()
    %scan3A_172 = arith.constant 0 : i32
    %scan3A_173 = arith.constant 0 : i32
    %scan3A_174 = arith.constant 125 : i32
    %scan3A_175 = arith.addi %scan3A_173, %scan3A_174 : i32
    %scan3A_176 = arith.constant 1 : i32
    %scan3A_177 = scf.for %scan3A_183 = %scan3A_173 to %scan3A_175 step %scan3A_176 iter_args(%scan3A_184 = %scan3A_172) -> (i32)  : i32 {
      %add3A_185 = arith.constant 500 : i32
      %add3A_186 = arith.addi %rem3A_1, %add3A_185 : i32
      %broadcast_in_dim3A_187 = vector.broadcast %add3A_186 : i32 to vector<16xi32>
      %broadcast_in_dim3A_188 = vector.broadcast %scan3A_183 : i32 to vector<16xi32>
      %add3A_189 = arith.addi %broadcast_in_dim3A_187, %broadcast_in_dim3A_188 : vector<16xi32>
      %gather3A = tpu.vector_load_idx %arg12[%add3A_189] : memref<640xf32, #tpu.memory_space<vmem>>[vector<16xi32>], vector<16xf32>,
      %max3A = arith.constant 1.000000e+00 : f32
      %max3A_190 = vector.broadcast %max3A : f32 to vector<16xf32>
      %max3A_191 = arith.maximumf %gather3A, %max3A_190 : vector<16xf32>
      %div3A = arith.constant 1.000000e+00 : f32
      %div3A_192 = vector.broadcast %div3A : f32 to vector<16xf32>
      %div3A_193 = arith.divf %div3A_192, %max3A_191 : vector<16xf32>
      %get3A = arith.index_cast %scan3A_183 : i32 to index
      %get3A_194 = arith.constant 0 : index
      %get3A_195 = tpu.vector_load %arg11[%get3A, %get3A_194] {strides = array<i32>} : memref<125x64xf32, #tpu.memory_space<vmem>>, vector<16xf32>,
      %mul3A_196 = arith.mulf %get3A_195, %div3A_193 : vector<16xf32>
      %get3A_197 = arith.constant 0 : index
      %get3A_198 = tpu.vector_load %arg14[%get3A_197] {strides = array<i32>} : memref<64xf32, #tpu.memory_space<vmem>>, vector<16xf32>,
      %add3A_199 = arith.addf %mul3A_196, %get3A_198 : vector<16xf32>
      %swap3A = arith.index_cast %scan3A_183 : i32 to index
      %swap3A_200 = arith.constant 0 : index
      %swap3A_201 = tpu.vector_load %arg11[%swap3A, %swap3A_200] {strides = array<i32>} : memref<125x64xf32, #tpu.memory_space<vmem>>, vector<16xf32>,
      tpu.vector_store %arg11[%swap3A, %swap3A_200], %add3A_199 {strides = array<i32>} : memref<125x64xf32, #tpu.memory_space<vmem>>, vector<16xf32>,
      %get3A_202 = arith.index_cast %scan3A_183 : i32 to index
      %get3A_203 = arith.constant 16 : index
      %get3A_204 = tpu.vector_load %arg11[%get3A_202, %get3A_203] {strides = array<i32>} : memref<125x64xf32, #tpu.memory_space<vmem>>, vector<16xf32>,
      %mul3A_205 = arith.mulf %get3A_204, %div3A_193 : vector<16xf32>
      %get3A_206 = arith.constant 16 : index
      %get3A_207 = tpu.vector_load %arg14[%get3A_206] {strides = array<i32>} : memref<64xf32, #tpu.memory_space<vmem>>, vector<16xf32>,
      %add3A_208 = arith.addf %mul3A_205, %get3A_207 : vector<16xf32>
      %swap3A_209 = arith.index_cast %scan3A_183 : i32 to index
      %swap3A_210 = arith.constant 16 : index
      %swap3A_211 = tpu.vector_load %arg11[%swap3A_209, %swap3A_210] {strides = array<i32>} : memref<125x64xf32, #tpu.memory_space<vmem>>, vector<16xf32>,
      tpu.vector_store %arg11[%swap3A_209, %swap3A_210], %add3A_208 {strides = array<i32>} : memref<125x64xf32, #tpu.memory_space<vmem>>, vector<16xf32>,
      %get3A_212 = arith.index_cast %scan3A_183 : i32 to index
      %get3A_213 = arith.constant 32 : index
      %get3A_214 = tpu.vector_load %arg11[%get3A_212, %get3A_213] {strides = array<i32>} : memref<125x64xf32, #tpu.memory_space<vmem>>, vector<16xf32>,
      %mul3A_215 = arith.mulf %get3A_214, %div3A_193 : vector<16xf32>
      %get3A_216 = arith.constant 32 : index
      %get3A_217 = tpu.vector_load %arg14[%get3A_216] {strides = array<i32>} : memref<64xf32, #tpu.memory_space<vmem>>, vector<16xf32>,
      %add3A_218 = arith.addf %mul3A_215, %get3A_217 : vector<16xf32>
      %swap3A_219 = arith.index_cast %scan3A_183 : i32 to index
      %swap3A_220 = arith.constant 32 : index
      %swap3A_221 = tpu.vector_load %arg11[%swap3A_219, %swap3A_220] {strides = array<i32>} : memref<125x64xf32, #tpu.memory_space<vmem>>, vector<16xf32>,
      tpu.vector_store %arg11[%swap3A_219, %swap3A_220], %add3A_218 {strides = array<i32>} : memref<125x64xf32, #tpu.memory_space<vmem>>, vector<16xf32>,
      %get3A_222 = arith.index_cast %scan3A_183 : i32 to index
      %get3A_223 = arith.constant 48 : index
      %get3A_224 = tpu.vector_load %arg11[%get3A_222, %get3A_223] {strides = array<i32>} : memref<125x64xf32, #tpu.memory_space<vmem>>, vector<16xf32>,
      %mul3A_225 = arith.mulf %get3A_224, %div3A_193 : vector<16xf32>
      %get3A_226 = arith.constant 48 : index
      %get3A_227 = tpu.vector_load %arg14[%get3A_226] {strides = array<i32>} : memref<64xf32, #tpu.memory_space<vmem>>, vector<16xf32>,
      %add3A_228 = arith.addf %mul3A_225, %get3A_227 : vector<16xf32>
      %swap3A_229 = arith.index_cast %scan3A_183 : i32 to index
      %swap3A_230 = arith.constant 48 : index
      %swap3A_231 = tpu.vector_load %arg11[%swap3A_229, %swap3A_230] {strides = array<i32>} : memref<125x64xf32, #tpu.memory_space<vmem>>, vector<16xf32>,
      tpu.vector_store %arg11[%swap3A_229, %swap3A_230], %add3A_228 {strides = array<i32>} : memref<125x64xf32, #tpu.memory_space<vmem>>, vector<16xf32>,
      %scan3A_232 = arith.constant 0 : i32
      scf.yield %scan3A_232 : i32
    }
    %scan3A_178 = arith.constant 125 : i32
    %add3A_179 = arith.constant 500 : i32
    %add3A_180 = arith.addi %mul3A_0, %add3A_179 : i32
    %run_scoped3A_181 = arith.constant 1 : i32
    "tpu.region"() ({
      %run_scoped3A_183 = tpu.sem_alloc : memref<!tpu.dma_semaphore, #tpu.memory_space<semaphore_mem>>
      %dma_start3A = arith.constant 0 : i32
      %dma_start3A_184 = tpu.memref_slice %arg7[%run_scoped3A_181, %arg0, %add3A_180, %dma_start3A] : memref<2x2x10000x64xf32, #tpu.memory_space<hbm>> -> memref<1x1x125x64xf32, #tpu.memory_space<hbm>>
      %dma_start3A_185 = tpu.memref_squeeze %dma_start3A_184 : memref<1x1x125x64xf32, #tpu.memory_space<hbm>> -> memref<125x64xf32, #tpu.memory_space<hbm>>
      %dma_start3A_186 = arith.constant 0 : i32
      %dma_start3A_187 = tpu.memref_slice %arg7[%run_scoped3A_181, %arg0, %add3A_180, %dma_start3A_186] : memref<2x2x10000x64xf32, #tpu.memory_space<hbm>> -> memref<1x1x125x64xf32, #tpu.memory_space<hbm>>
      %dma_start3A_188 = tpu.memref_squeeze %dma_start3A_187 : memref<1x1x125x64xf32, #tpu.memory_space<hbm>> -> memref<125x64xf32, #tpu.memory_space<hbm>>
      tpu.enqueue_dma source(%arg11 : memref<125x64xf32, #tpu.memory_space<vmem>>) target(%dma_start3A_188 : memref<125x64xf32, #tpu.memory_space<hbm>>) target_semaphore(%run_scoped3A_183 : memref<!tpu.dma_semaphore, #tpu.memory_space<semaphore_mem>>)
      %dma_wait3A = arith.constant 0 : i32
      %dma_wait3A_189 = tpu.memref_slice %arg7[%run_scoped3A_181, %arg0, %add3A_180, %dma_wait3A] : memref<2x2x10000x64xf32, #tpu.memory_space<hbm>> -> memref<1x1x125x64xf32, #tpu.memory_space<hbm>>
      %dma_wait3A_190 = tpu.memref_squeeze %dma_wait3A_189 : memref<1x1x125x64xf32, #tpu.memory_space<hbm>> -> memref<125x64xf32, #tpu.memory_space<hbm>>
      %dma_wait3A_191 = arith.constant 0 : i32
      %dma_wait3A_192 = tpu.memref_slice %arg7[%run_scoped3A_181, %arg0, %add3A_180, %dma_wait3A_191] : memref<2x2x10000x64xf32, #tpu.memory_space<hbm>> -> memref<1x1x125x64xf32, #tpu.memory_space<hbm>>
      %dma_wait3A_193 = tpu.memref_squeeze %dma_wait3A_192 : memref<1x1x125x64xf32, #tpu.memory_space<hbm>> -> memref<125x64xf32, #tpu.memory_space<hbm>>
      tpu.wait_dma2 semaphore(%run_scoped3A_183 : memref<!tpu.dma_semaphore, #tpu.memory_space<semaphore_mem>>) src(%arg11 : memref<125x64xf32, #tpu.memory_space<vmem>>) dst(%dma_wait3A_193 : memref<125x64xf32, #tpu.memory_space<hbm>>)
      tpu.yield
    }) : () -> ()
    %barrier3A_182 = arith.constant 0 : index
    tpu.barrier barrier_id(%barrier3A_182)
    return
  }
}

module attributes {stable_mosaic.version = 14 : i64} {
  func.func @_mm_body(%arg0: i32, %arg1: i32, %arg2: memref<1x2000x128xf32, #tpu.memory_space<vmem>>, %arg3: memref<1x128x128xf32, #tpu.memory_space<vmem>>, %arg4: memref<1x2000x128xf32, #tpu.memory_space<vmem>>) attributes {dimension_semantics = [#tpu.dimension_semantics<arbitrary>, #tpu.dimension_semantics<arbitrary>], iteration_bounds = array<i64: 2, 5>, scalar_prefetch = 0 : i64, scratch_operands = 0 : i64, tpu.core_type = #tpu.core_type<tc>, window_params = [{transform_indices = @transform_0, window_bounds = array<i64: 1, 2000, 128>}, {transform_indices = @transform_1, window_bounds = array<i64: 1, 128, 128>}, {transform_indices = @transform_2, window_bounds = array<i64: 1, 2000, 128>}]} {
    %get3A = arith.constant 0 : index
    %get3A_0 = arith.constant 0 : index
    %get3A_1 = arith.constant 0 : index
    %get3A_2 = vector.load %arg2[%get3A, %get3A_0, %get3A_1] : memref<1x2000x128xf32, #tpu.memory_space<vmem>>, vector<1x2000x128xf32>
    %get3A_3 = vector.shape_cast %get3A_2 : vector<1x2000x128xf32> to vector<2000x128xf32>
    %get3A_4 = arith.constant 0 : index
    %get3A_5 = arith.constant 0 : index
    %get3A_6 = arith.constant 0 : index
    %get3A_7 = vector.load %arg3[%get3A_4, %get3A_5, %get3A_6] : memref<1x128x128xf32, #tpu.memory_space<vmem>>, vector<1x128x128xf32>
    %get3A_8 = vector.shape_cast %get3A_7 : vector<1x128x128xf32> to vector<128x128xf32>
    %dot_general3A = arith.constant dense<0.000000e+00> : vector<2000x128xf32>
    %dot_general3A_9 = tpu.matmul %get3A_3, %get3A_8, %dot_general3A {dimension_numbers = #tpu.dot_dimension_numbers<[1], [0], [0], [1], [0, 0, 1, 1], [], []>, transpose_lhs_hint = false} : vector<2000x128xf32>, vector<128x128xf32>, vector<2000x128xf32> -> vector<2000x128xf32>
    %broadcast_in_dim3A = vector.shape_cast %dot_general3A_9 : vector<2000x128xf32> to vector<1x2000x128xf32>
    %swap3A = arith.constant 0 : index
    %swap3A_10 = arith.constant 0 : index
    %swap3A_11 = arith.constant 0 : index
    %swap3A_12 = vector.load %arg4[%swap3A, %swap3A_10, %swap3A_11] : memref<1x2000x128xf32, #tpu.memory_space<vmem>>, vector<1x2000x128xf32>
    tpu.vector_store %arg4[%swap3A, %swap3A_10, %swap3A_11], %broadcast_in_dim3A {strides = array<i32>} : memref<1x2000x128xf32, #tpu.memory_space<vmem>>, vector<1x2000x128xf32>,
    return
  }
  func.func @transform_0(%arg0: i32, %arg1: i32) -> (i32, i32, i32) {
    %c0_i32 = arith.constant 0 : i32
    %c0_i32_0 = arith.constant 0 : i32
    return %arg0, %arg1, %c0_i32 : i32, i32, i32
  }
  func.func @transform_1(%arg0: i32, %arg1: i32) -> (i32, i32, i32) {
    %c0_i32 = arith.constant 0 : i32
    %c0_i32_0 = arith.constant 0 : i32
    %c0_i32_1 = arith.constant 0 : i32
    return %arg0, %c0_i32, %c0_i32_0 : i32, i32, i32
  }
  func.func @transform_2(%arg0: i32, %arg1: i32) -> (i32, i32, i32) {
    %c0_i32 = arith.constant 0 : i32
    %c0_i32_0 = arith.constant 0 : i32
    return %arg0, %arg1, %c0_i32 : i32, i32, i32
  }
}

</mosaic_0001>

<sc_bundles>
// kernel: kernel.4.cloned.1.call-start
scs
__scs_entry_jumppad:
0x0: {  	(pc) =	sbr.rel $0x88, $3  }
0x1: {  	(tag) =	ssettag $0x0;
	lr =	simm.s32 $0x1  }
0x2: {  	[smem:$0x3F99] =	sst lr;
	_ =	strace $0xD0000000  }
0x3: {  	_ = 	snop  }
0x4: {  	_ = 	snop  }
0x5: {  	_ = 	snop  }
0x6: {  	_ = 	snop  }
0x7: {  	_ = 	snop  }
__scs_overlays_trampoline_lowered:
0x8: {  	[smem:$0x3FA8] =	sst s0  }
0x9: {  	[smem:$0x3FA9] =	sst s1  }
0xa: {  	[smem:$0x3FAA] =	sst s2  }
0xb: {  	[smem:$0x3FAB] =	sst s3  }
0xc: {  	[smem:$0x3FAC] =	sst s4  }
0xd: {  	[smem:$0x3FAD] =	sst s5  }
0xe: {  	[smem:$0x3FAE] =	sst s6  }
0xf: {  	[smem:$0x3FAF] =	sst s7  }
0x10: {  	[smem:$0x3FB0] =	sst s8  }
0x11: {  	[smem:$0x3FB1] =	sst s9;
	s0 =	simm.s32 @!p0 $0x0  }
0x12: {  	s1 =	sld [smem:$0x3F97];
	s0 =	simm.s32 @p0 $0x1  }
0x13: {  	[smem:$0x3FB2] =	sst s0;
	s0 =	simm.s32 @!p1 $0x0  }
0x14: {  	s2 =	sld [smem:$0x3F96];
	s0 =	simm.s32 @p1 $0x1  }
0x15: {  	[smem:$0x3FB3] =	sst s0;
	s0 =	simm.s32 @!p2 $0x0  }
0x16: {  	s3 =	sld [smem:$0x3FDB];
	s0 =	simm.s32 @p2 $0x1  }
0x17: {  	s4 =	simm.s32 $0x1BF5;
	[smem:$0x3FB5] =	sst s0  }
0x18: {  	s0 =	sld [smem:$0x3F98];
	_ =	swait.ge [sflag:s4], $0x0  }
0x19: {  	s7 =	sld [smem:$0x3F99]  }
0x1a: {  	s8 =	sadd.s32 $0xFFFFE003, lr  }
0x1b: {  	s9 =	sadd.s32 $0xFFFFFEF7, lr;
	s5 =	simm.s32 $0xFFFFFFFF;
	p2 =	slt.u32 s8, $0xFFFFF086  }
0x1c: {  	p1 =	slt.u32 s9, $0xF7A;
	s5 =	simm.s32 @!p2 $0x0  }
0x1d: {  	s5 =	simm.s32 @p1 $0x1;
	p0 =	seq.s32 s7, s2  }
0x1e: {  	s7 =	smul.u32 @!p0 $0xF7A, s2;
	p2 =	seq.s32 @!p0 s5, $0x0  }
0x1f: {  	s9 =	smul.u32 $0xF7A, s1;
	s8 =	simm.s32 @!p0 $0x1BF5;
	p2 =	por !p2, p0  }
0x20: {  	[sflag:s8] =	ssyncset.s32 @!p0 $0xFFFFF086;
	s6 =	sadd.s32 @!p0 s3, s7;
	s7 =	simm.s32 @!p0 $0x108  }
0x21: {  	s3 =	sadd.s32 s3, s9;
	s6 =	sadd.s32 @!p0 $0x88, s6;
	s7 =	simm.s32 @p2 $0x1082  }
0x22: {  	[simem:s7], [sflag:s8] =	dma.local @!p0 [hbm:s6], $0xF7A  }
0x23: {  	s9 =	sor.u32 $0xD0000000, s2;
	s6 =	simm.s32 $0x108;
	_ =	swait.ge @!p0 [sflag:s8], $0x0  }
0x24: {  	s3 =	sadd.s32 $0x88, s3;
	s6 =	simm.s32 @!p1 $0x1082;
	[sflag:s4] =	ssyncset.s32 $0xFFFFF086  }
0x25: {  	[simem:s6], [sflag:s4] =	dma.local [hbm:s3], $0xF7A  }
0x26: {  	[smem:$0x3F99] =	sst s1;
	(tag) =	ssettag s2;
	_ =	strace s9  }
0x27: {  	s1 =	sld [smem:$0x3FA9]  }
0x28: {  	s2 =	sld [smem:$0x3FAA]  }
0x29: {  	s4 =	sld [smem:$0x3FAC]  }
0x2a: {  	p0 =	seq.s32 s5, $0x0;
	s5 =	sld [smem:$0x3FAD]  }
0x2b: {  	s6 =	sld [smem:$0x3FAE]  }
0x2c: {  	s7 =	sld [smem:$0x3FAF]  }
0x2d: {  	s3 =	simm.s32 $0x108;
	s8 =	sld [smem:$0x3FB0]  }
0x2e: {  	s3 =	simm.s32 @!p0 $0x1082;
	s9 =	sld [smem:$0x3FB1]  }
0x2f: {  	lr =	sadd.s32 s0, s3;
	s0 =	sld [smem:$0x3FA8]  }
0x30: {  	s3 =	sld [smem:$0x3FAB]  }
0x31: {  	[smem:$0x3FB4] =	sst s10  }
0x32: {  	s10 =	sld [smem:$0x3FB2];
	_ =	sdelay $0x3  }
0x33: {  	p0 =	seq.s32 s10, $0x1;
	s10 =	sld [smem:$0x3FB4];
	_ =	sdelay $0x3  }
0x34: {  	[smem:$0x3FB4] =	sst s10  }
0x35: {  	s10 =	sld [smem:$0x3FB3];
	_ =	sdelay $0x3  }
0x36: {  	p1 =	seq.s32 s10, $0x1;
	s10 =	sld [smem:$0x3FB4];
	_ =	sdelay $0x3  }
0x37: {  	[smem:$0x3FB4] =	sst s10  }
0x38: {  	s10 =	sld [smem:$0x3FB5]  }
0x39: {  	_ = 	snop;
	(pc) =	sbr.ind lr, $3  }
0x3a: {  	_ = 	snop  }
0x3b: {  	_ = 	snop  }
0x3c: {  	p2 =	seq.s32 s10, $0x1;
	s10 =	sld [smem:$0x3FB4]  }
0x3d: {  	_ =	shalt  }
0x3e: {  	_ =	shalt  }
0x3f: {  	_ =	shalt  }
0x40: {  	_ =	shalt  }
0x41: {  	_ =	shalt  }
0x42: {  	_ =	shalt  }
0x43: {  	_ =	shalt  }
0x44: {  	_ =	shalt  }
0x45: {  	_ =	shalt  }
0x46: {  	_ =	shalt  }
0x47: {  	_ =	shalt  }
0x48: {  	_ =	shalt  }
0x49: {  	_ =	shalt  }
0x4a: {  	_ =	shalt  }
0x4b: {  	_ =	shalt  }
0x4c: {  	_ =	shalt  }
0x4d: {  	_ =	shalt  }
0x4e: {  	_ =	shalt  }
0x4f: {  	_ =	shalt  }
0x50: {  	_ =	shalt  }
0x51: {  	_ =	shalt  }
0x52: {  	_ =	shalt  }
0x53: {  	_ =	shalt  }
0x54: {  	_ =	shalt  }
0x55: {  	_ =	shalt  }
0x56: {  	_ =	shalt  }
0x57: {  	_ =	shalt  }
0x58: {  	_ =	shalt  }
0x59: {  	_ =	shalt  }
0x5a: {  	_ =	shalt  }
0x5b: {  	_ =	shalt  }
0x5c: {  	_ =	shalt  }
0x5d: {  	_ =	shalt  }
0x5e: {  	_ =	shalt  }
0x5f: {  	_ =	shalt  }
0x60: {  	_ =	shalt  }
0x61: {  	_ =	shalt  }
0x62: {  	_ =	shalt  }
0x63: {  	_ =	shalt  }
0x64: {  	_ =	shalt  }
0x65: {  	_ =	shalt  }
0x66: {  	_ =	shalt  }
0x67: {  	_ =	shalt  }
0x68: {  	_ =	shalt  }
0x69: {  	_ =	shalt  }
0x6a: {  	_ =	shalt  }
0x6b: {  	_ =	shalt  }
0x6c: {  	_ =	shalt  }
0x6d: {  	_ =	shalt  }
0x6e: {  	_ =	shalt  }
0x6f: {  	_ =	shalt  }
0x70: {  	_ =	shalt  }
0x71: {  	_ =	shalt  }
0x72: {  	_ =	shalt  }
0x73: {  	_ =	shalt  }
0x74: {  	_ =	shalt  }
0x75: {  	_ =	shalt  }
0x76: {  	_ =	shalt  }
0x77: {  	_ =	shalt  }
0x78: {  	_ =	shalt  }
0x79: {  	_ =	shalt  }
0x7a: {  	_ =	shalt  }
0x7b: {  	_ =	shalt  }
0x7c: {  	_ =	shalt  }
0x7d: {  	_ =	shalt  }
0x7e: {  	_ =	shalt  }
0x7f: {  	_ =	shalt  }
0x80: {  	_ =	shalt  }
0x81: {  	_ =	shalt  }
0x82: {  	_ =	shalt  }
0x83: {  	_ =	shalt  }
0x84: {  	_ =	shalt  }
0x85: {  	_ =	shalt  }
0x86: {  	_ =	shalt  }
0x87: {  	_ =	shalt  }
.Lfunc_end0:
.L_simem_size_0:
called_computation_lowered:
.L_overlay_start_0:
0x88: {  	s2 =	sld [smem:$0x3FD9]  }
0x89: {  	s3 =	sld [smem:$0x3FFE];
	_ =	sdelay $0x1  }
0x8a: {  	s1 =	srdreg.scid  }
0x8b: {  	s0 =	sand.u32 $0x1, s1  }
0x8c: {  	s17 =	sshll.u32 s0, $0xA;
	s2 =	sadd.s32 s3, s2  }
0x8d: {  	s2 =	sadd.s32 s2, s17  }
0x8e: {  	[smem:$0x3FC0] =	sst s2  }
0x8f: {  	_ = 	snop  }
0x90: {  	s2 =	sld [smem:$0x3FD0];
	(tm) =	ssettm $0x1  }
0x91: {  	s18 =	sld [smem:$0x3FFB];
	_ =	sdelay $0x3  }
0x92: {  	_ =	strace s18  }
0x93: {  	s3 =	sld [smem:$0x3FFC];
	_ =	sdelay $0x3  }
0x94: {  	_ =	strace s3  }
0x95: {  	s3 =	sld [smem:$0x3FFD];
	_ =	sdelay $0x3  }
0x96: {  	_ =	strace s3  }
0x97: {  	_ =	strace $0x8FFFFFFF  }
0x98: {  	s19 =	sld [smem:$0x3FDB];
	_ =	sdelay $0x1  }
0x99: {  	s4 =	simm.s32 $_scs_section_size  }
0x9a: {  	s5 =	simm.s32 $_size__tile_overlayer_lowered;
	s6 =	simm.s32 $_tile_overlayer_lowered  }
0x9b: {  	s22 =	simm.s32 $0x1BFF;
	s21 =	sshll.u32 s6, $0x1;
	s3 =	sadd.s32 s4, s19  }
0x9c: {  	s7 =	simm.s32 $0x0;
	s20 =	sshll.u32 s5, $0x1;
	s5 =	sadd.s32 s21, s3  }
0x9d: {  	[timem:s7], [sflag:s22] =	dma.local [hbm:s5], s20  }
0x9e: {  	_ =	swait.ge [sflag:s22], s20  }
0x9f: {  	s4 =	ssub.s32 $0x0, s20;
	[sflag:s22] =	ssyncset.done $0x0  }
0xa0: {  	[sflag:s22] =	ssyncadd.s32 s4;
	_ =	sdelay $0x1  }
0xa1: {  	s23 =	simm.s32 $0x1B8B  }
0xa2: {  	_ =	swait.ge [sflag:s23], $0x1  }
0xa3: {  	[sflag:s23] =	ssyncset.done $0x0  }
0xa4: {  	s25 =	simm.s32 $0x1B8E;
	s24 =	sld [smem:$0x3FFE];
	[sflag:s23] =	ssyncadd.s32 $0xFFFFFFFF  }
0xa5: {  	s26 =	simm.s32 $execute0_lowered;
	[smem:$0x3FD2] =	sst s25  }
0xa6: {  	s5 =	sshll.u32 s26, $0x1;
	_ =	strace $0x80000046;
	[dreg:$0x1] =	wrdreg $0xFFFFFFFF  }
0xa7: {  	s28 =	simm.s32 $_size_execute0_lowered;
	s3 =	sadd.s32 s3, s5;
	[dreg:$0x0] =	wrdreg $0x0  }
0xa8: {  	s5 =	sshll.u32 s28, $0x1;
	[dreg:$0x2] =	wrdreg s3  }
0xa9: {  	[dreg:$0x3] =	wrdreg s5  }
0xaa: {  	[dreg:$0x4] =	wrdreg $0xC0  }
0xab: {  	_ =	task [dreg:s7], $0x5FFFF  }
0xac: {  	[dreg:$0x1] =	wrdreg $0xFFFFFFFF  }
0xad: {  	[dreg:$0x0] =	wrdreg $0x60  }
0xae: {  	[dreg:$0x2] =	wrdreg s2  }
0xaf: {  	[dreg:$0x3] =	wrdreg s24  }
0xb0: {  	[dreg:$0x4] =	wrdreg $0x55900  }
0xb1: {  	[dreg:$0x5] =	wrdreg $0xF1D00  }
0xb2: {  	[dreg:$0x6] =	wrdreg $0x9  }
0xb3: {  	_ =	task.clear_ibuf [dreg:s7], $0x7FFFF;
	_ =	strace $0x90000046  }
0xb4: {  	s29 =	simm.s32 $0x9;
	_ =	strace $0x80000048  }
0xb5: {  	_ =	swait.ge [sflag:s29], $0x1  }
0xb6: {  	[sflag:s29] =	ssyncadd.s32 $0xFFFFFFFF  }
0xb7: {  	_ =	strace $0x90000048  }
0xb8: {  	_ =	sfence  }
0xb9: {  	s30 =	sld [smem:$0x0];
	_ =	sdelay $0x2  }
0xba: {  	s31 =	sshll.u32 s1, $0xD;
	s1 =	sshrl.u32 s1, $0x2  }
0xbb: {  	s3 =	sand.u32 $0x4000, s31;
	s1 =	sadd.s32 s1, s30  }
0xbc: {  	s0 =	sor.u32 s3, s0;
	s1 =	sshll.u32 s1, $0x11  }
0xbd: {  	s0 =	sor.u32 s1, s0  }
0xbe: {  	s0 =	sadd.s32 $0x8F2B, s0  }
0xbf: {  	[sflag:s0] =	ssyncadd.remote.s32 $0x1  }
0xc0: {  	_ =	sfence.sel $0xFFFF  }
0xc1: {  	[dreg:$0x0] =	wrdreg $0xFFFFFFFF;
	(pc) =	sbr.abs _section_cstart, $3  }
0xc2: {  	[dreg:$0x1] =	wrdreg $0xFFFFFFFF  }
0xc3: {  	_ =	task.clear_ibuf [dreg:s7], $0x2FFFF;
	_ =	strace $0x9FFFFFFF  }
0xc4: {  	(tm) =	ssettm $0x7FFFFFFF  }
0xc5: {  	_ =	shalt  }
tec
execute0_lowered:
.L_overlay_start_1:
0x0: {  	(tag) =	ssettag $0x1  }
0x1: {  	s1 =	rddreg [dreg:$0x0]  }
0x2: {  	s0 =	rddreg [dreg:$0x1]  }
0x3: {  	s2 =	rddreg [dreg:$0x2]  }
0x4: {  	s3 =	rddreg [dreg:$0x3];
	s4 =	simm.s32 $0x0;
	s17 =	srdreg.scid  }
0x5: {  	s19 =	stileid.u32;
	[smem:$0x7FF] =	sst s4  }
0x6: {  	s6 =	sadd.s32 $0x13C00, s0;
	s4 =	sand.u32 $0x1, s17;
	s10 =	smul.u32 $0x271, s19  }
0x7: {  	s7 =	sadd.s32 $0x200, s0;
	s9 =	sadd.s32 $0x27800, s0;
	s13 =	smul.u32 $0x9C40, s19  }
0x8: {  	s14 =	sshll.u32 s19, $0x6;
	_ =	strace $0x80000047;
	s5 =	sshll.u32 s4, $0x3  }
0x9: {  	s8 =	ssub.s32 $0x2, s4;
	[dreg:$0x5] =	wrdreg s9;
	s11 =	smul.u32 $0x4E20, s4  }
0xa: {  	s4 =	smul.u32 $0x9C400, s4;
	s14 =	sor.u32 $0x1C02, s14;
	s5 =	sadd.s32 s5, s0  }
0xb: {  	s18 =	sshrl.u32 s8, $0x1;
	s0 =	sadd.s32 $0x28C00, s0;
	s9 =	sand.u32 $0x7, s10  }
0xc: {  	s12 =	sand.u32 $0x3FF8, s10;
	s10 =	sadd.s32 s13, s2;
	s15 =	sadd.s32 $0x1F40, s13  }
0xd: {  	[dreg:$0x6] =	wrdreg s14;
	s17 =	sadd.s32 $0x5DC0, s13;
	s8 =	ssub.s32 s8, s18  }
0xe: {  	s20 =	sadd.s32 s13, s4;
	s16 =	sadd.s32 s4, s15;
	s12 =	sadd.s32 s12, s3  }
0xf: {  	s18 =	sadd.s32 s4, s17;
	s24 =	sadd.s32 $0x27600, s5;
	s26 =	sadd.s32 s15, s2  }
0x10: {  	s28 =	sadd.s32 $0xFA, s9;
	s29 =	sadd.s32 $0x177, s9;
	s30 =	sadd.s32 $0x1F4, s9  }
0x11: {  	s14 =	sshrl.u32 s20, $0x3;
	s16 =	sshrl.u32 s16, $0x3;
	[dreg:$0xc] =	wrdreg s24  }
0x12: {  	s22 =	sshrl.u32 s18, $0x3;
	[dreg:$0xd] =	wrdreg s26;
	s24 =	smul.u32 $0xFA, s19  }
0x13: {  	s18 =	smax.u32 s8, $0x1;
	s26 =	sadd.s32 $0x7D, s9;
	s20 =	sadd.s32 s0, s14  }
0x14: {  	s23 =	sadd.s32 s0, s16;
	s14 =	sadd.s32 $0x3E80, s13;
	[dreg:$0x10] =	wrdreg s18  }
0x15: {  	s13 =	sadd.s32 $0x7D00, s13;
	s18 =	simm.s32 $0x1F40;
	[dreg:$0x7] =	wrdreg s20  }
0x16: {  	s21 =	sadd.s32 s4, s14;
	s15 =	sadd.s32 s14, s2;
	[dreg:$0x8] =	wrdreg s23  }
0x17: {  	s4 =	sadd.s32 s4, s13;
	s19 =	sadd.s32 $0x27100, s20;
	[dreg:$0xe] =	wrdreg s15  }
0x18: {  	s20 =	sadd.s32 $0x27100, s23;
	s16 =	sshrl.u32 s21, $0x3;
	[dreg:$0x11] =	wrdreg s19  }
0x19: {  	s21 =	sadd.s32 s17, s2;
	s17 =	sadd.s32 $0x27610, s5;
	[dreg:$0x12] =	wrdreg s20  }
0x1a: {  	s31 =	sadd.s32 $0xFA0, s24;
	s25 =	sadd.s32 s0, s16;
	[dreg:$0xf] =	wrdreg s17  }
0x1b: {  	s4 =	sshrl.u32 s4, $0x3;
	s16 =	sadd.s32 s0, s22;
	[dreg:$0x9] =	wrdreg s25  }
0x1c: {  	s14 =	simm.s32 $0x3340;
	s0 =	sadd.s32 s0, s4;
	[dreg:$0xa] =	wrdreg s16  }
0x1d: {  	s5 =	simm.s32 $0xFA0;
	s23 =	sadd.s32 $0x27100, s25;
	[dreg:$0xb] =	wrdreg s0  }
0x1e: {  	s15 =	simm.s32 $0x0;
	s25 =	sadd.s32 $0x27100, s16;
	[dreg:$0x13] =	wrdreg s23  }
0x1f: {  	s22 =	sadd.s32 s13, s2;
	s0 =	sadd.s32 $0x27100, s0;
	[dreg:$0x14] =	wrdreg s25  }
0x20: {  	s4 =	simm.s32 $0x50;
	s13 =	simm.s32 $0x5500;
	[dreg:$0x15] =	wrdreg s0  }
0x21: {  	v1 =	vimm.f32 $1.000000000e+00;
	v2 =	vimm.f32 $0.0e+00;
	v0 =	vmov s11;
	s25 =	simm.s32 $0x2;
	s0 =	simm.s32 $0x5280;
	s23 =	simm.s32 $0x1  }
.LBB2_1:
0x22: {  	[tilespmem:$0x5500] =	vst v1  }
0x23: {  	[tilespmem:$0x5510] =	vst v1  }
0x24: {  	[tilespmem:$0x5520] =	vst v1  }
0x25: {  	[tilespmem:$0x5530] =	vst v1;
	s8 =	rddreg [dreg:$0x5]  }
0x26: {  	[tilespmem:$0x5540] =	vst v1;
	s16 =	sshrl.u32 s10, $0x3;
	s11 =	rddreg [dreg:$0x6]  }
0x27: {  	[spmem:s16], [sflag:s11] =	dma.local [hbm:s8], $0x1388  }
0x28: {  	_ =	swait.ge [sflag:s25], $0x1388  }
0x29: {  	[sflag:s25] =	ssyncset.done $0x0  }
0x2a: {  	[sflag:s25] =	ssyncadd.s32 $0xFFFFEC78  }
0x2b: {  	[tilespmem:$0x5280] =	vst v2  }
0x2c: {  	[tilespmem:$0x5290] =	vst v2  }
0x2d: {  	[tilespmem:$0x52A0] =	vst v2  }
0x2e: {  	[tilespmem:$0x52B0] =	vst v2  }
0x2f: {  	[tilespmem:$0x52C0] =	vst v2  }
0x30: {  	[tilespmem:$0x52D0] =	vst v2  }
0x31: {  	[tilespmem:$0x52E0] =	vst v2  }
0x32: {  	[tilespmem:$0x52F0] =	vst v2  }
0x33: {  	[tilespmem:$0x5300] =	vst v2  }
0x34: {  	[tilespmem:$0x5310] =	vst v2  }
0x35: {  	[tilespmem:$0x5320] =	vst v2  }
0x36: {  	[tilespmem:$0x5330] =	vst v2  }
0x37: {  	[tilespmem:$0x5340] =	vst v2  }
0x38: {  	[tilespmem:$0x5350] =	vst v2  }
0x39: {  	[tilespmem:$0x5360] =	vst v2  }
0x3a: {  	[tilespmem:$0x5370] =	vst v2  }
0x3b: {  	[tilespmem:$0x5380] =	vst v2  }
0x3c: {  	[tilespmem:$0x5390] =	vst v2  }
0x3d: {  	[tilespmem:$0x53A0] =	vst v2  }
0x3e: {  	[tilespmem:$0x53B0] =	vst v2  }
0x3f: {  	[tilespmem:$0x53C0] =	vst v2  }
0x40: {  	[tilespmem:$0x53D0] =	vst v2  }
0x41: {  	[tilespmem:$0x53E0] =	vst v2  }
0x42: {  	[tilespmem:$0x53F0] =	vst v2  }
0x43: {  	[tilespmem:$0x5400] =	vst v2  }
0x44: {  	[tilespmem:$0x5410] =	vst v2  }
0x45: {  	[tilespmem:$0x5420] =	vst v2  }
0x46: {  	[tilespmem:$0x5430] =	vst v2  }
0x47: {  	[tilespmem:$0x5440] =	vst v2  }
0x48: {  	[tilespmem:$0x5450] =	vst v2  }
0x49: {  	[tilespmem:$0x5460] =	vst v2  }
0x4a: {  	[tilespmem:$0x5470] =	vst v2  }
0x4b: {  	[tilespmem:$0x5480] =	vst v2  }
0x4c: {  	[tilespmem:$0x5490] =	vst v2  }
0x4d: {  	[tilespmem:$0x54A0] =	vst v2  }
0x4e: {  	[tilespmem:$0x54B0] =	vst v2  }
0x4f: {  	[tilespmem:$0x54C0] =	vst v2  }
0x50: {  	[tilespmem:$0x54D0] =	vst v2  }
0x51: {  	[tilespmem:$0x54E0] =	vst v2  }
0x52: {  	[tilespmem:$0x54F0] =	vst v2  }
0x53: {  	[spmem:s12] =	stream.linear.scatter [tilespmem:s0], [sflag:$0x2], $0x280, $0x38;
	[tilespmem:$0xF448] =	vst v63  }
0x54: {  	_ =	swait.ge [sflag:s25], $0x280  }
0x55: {  	[sflag:s25] =	ssyncset.done $0x0  }
0x56: {  	[sflag:s25] =	ssyncadd.s32 $0xFFFFFD80  }
0x57: {  	s17 =	simm.s32 $0x0;
	[bflag:$0x0] =	sbarrier.arrive $0xFFFF  }
.LBB2_2:
0x58: {  	s8 =	smul.u32 $0x32, s17;
	_ =	sdelay $0x1  }
0x59: {  	s8 =	sadd.s32 s24, s8  }
0x5a: {  	s8 =	smul.u32 $0xA, s8;
	_ =	sdelay $0x1  }
0x5b: {  	s19 =	simm.s32 $0x0;
	s11 =	sadd.s32 s6, s8  }
0x5c: {  	[tilespmem:s19], [sflag:$0x2] =	stream.linear.gather [hbm4b:s11+s19], $0xFA0, $0x38;
	[tilespmem:$0xF448] =	vst v63  }
0x5d: {  	_ =	swait.ge [sflag:s25], $0xFA0  }
0x5e: {  	[sflag:s25] =	ssyncset.done $0x0  }
0x5f: {  	s8 =	sadd.s32 s7, s8;
	[sflag:s25] =	ssyncadd.s32 $0xFFFFF060  }
0x60: {  	[tilespmem:s5], [sflag:$0x2] =	stream.linear.gather [hbm4b:s8+s19], $0xFA0, $0x38;
	[tilespmem:$0xF448] =	vst v63  }
0x61: {  	_ =	swait.ge [sflag:s25], $0xFA0  }
0x62: {  	[sflag:s25] =	ssyncset.done $0x0  }
0x63: {  	s8 =	simm.s32 $0x0;
	[sflag:s25] =	ssyncadd.s32 $0xFFFFF060  }
0x64: {  	v6 =	vld [tilespmem:s8+$0x0]  }
0x65: {  	v5 =	vld [tilespmem:s8+$0x10]  }
0x66: {  	v4 =	vld [tilespmem:s8+$0x20]  }
0x67: {  	s11 =	simm.s32 $0x140;
	v3 =	vld [tilespmem:s8+$0x30]  }
.LBB2_3:
0x68: {  	p0 =	sne.s32 s11, $0x3D40;
	v7 =	vld [tilespmem:s8+$0x40]  }
0x69: {  	v6 =	vadd.s32 v0, v6  }
.Ltmp0:
0x6a: {  	s19 =	sshra.s32 s11, $0x2;
	[tilespmem:s8+$0x0] =	vst v6;
	v5 =	vadd.s32 v0, v5;
	(pc) =	sbr.rel @p0 .LBB2_3-.Ltmp0, $4  }
0x6b: {  	v6 =	vld [tilespmem:s19+$0x0];
	[tilespmem:s8+$0x10] =	vst v5;
	v4 =	vadd.s32 v0, v4  }
0x6c: {  	v5 =	vld [tilespmem:s19+$0x10];
	[tilespmem:s8+$0x20] =	vst v4;
	v3 =	vadd.s32 v0, v3  }
0x6d: {  	v4 =	vld [tilespmem:s19+$0x20];
	[tilespmem:s8+$0x30] =	vst v3;
	v7 =	vadd.s32 v0, v7  }
0x6e: {  	s11 =	sadd.s32 $0x140, s11;
	v3 =	vld [tilespmem:s19+$0x30];
	[tilespmem:s8+$0x40] =	vst v7;
	s8 =	smov.u32 s19  }
0x6f: {  	v7 =	vld [tilespmem:s8+$0x40]  }
0x70: {  	v6 =	vadd.s32 v0, v6  }
0x71: {  	[tilespmem:s8+$0x0] =	vst v6;
	v5 =	vadd.s32 v0, v5  }
0x72: {  	[tilespmem:s8+$0x10] =	vst v5;
	v4 =	vadd.s32 v0, v4  }
0x73: {  	[tilespmem:s8+$0x20] =	vst v4;
	v3 =	vadd.s32 v0, v3  }
0x74: {  	[tilespmem:s8+$0x30] =	vst v3;
	v3 =	vadd.s32 v0, v7  }
0x75: {  	s19 =	simm.s32 $0x0;
	[tilespmem:s8+$0x40] =	vst v3  }
0x76: {  	[tilespmem:s18], [sflag:$0x1] =	stream.indirect.gather [hbm4b:s1+s4], $0x40, s19, s4, $0xb8;
	[tilespmem:$0xF448] =	vst v63  }
0x77: {  	_ =	swait.ge [sflag:s23], $0x1400  }
0x78: {  	[sflag:s23] =	ssyncset.done $0x0  }
0x79: {  	s20 =	simm.s32 $0xFA0;
	[sflag:s23] =	ssyncadd.s32 $0xFFFFEC00  }
0x7a: {  	[spmem:s2] =	stream.indirect.scatter.add.f32 [tilespmem:s18], [sflag:$0x2], $0x40, s20, s4, $0xb8;
	[tilespmem:$0xF448] =	vst v63  }
0x7b: {  	_ =	swait.ge [sflag:s25], $0x1400  }
0x7c: {  	[sflag:s25] =	ssyncset.done $0x0  }
0x7d: {  	[sflag:s25] =	ssyncadd.s32 $0xFFFFEC00  }
0x7e: {  	[spmem:s3] =	stream.indirect.scatter.add.f32 [tilespmem:s13], [sflag:$0x2], $0x1, s20, s4, $0xb8;
	[tilespmem:$0xF448] =	vst v63  }
0x7f: {  	_ =	swait.ge [sflag:s25], $0x50  }
0x80: {  	s11 =	simm.s32 $0x280;
	s8 =	simm.s32 $0x140;
	[sflag:s25] =	ssyncset.done $0x0  }
.LBB2_5:
0x81: {  	s19 =	sshra.s32 s8, $0x2  }
0x82: {  	[sflag:s25] =	ssyncadd.s32 $0xFFFFFFB0;
	s8 =	smov.u32 s11;
	s20 =	sadd.s32 $0x140, s11  }
0x83: {  	[tilespmem:s18], [sflag:$0x1] =	stream.indirect.gather [hbm4b:s1+s4], $0x40, s19, s4, $0xb8;
	[tilespmem:$0xF448] =	vst v63  }
0x84: {  	p0 =	sne.s32 s11, $0x3D40;
	_ =	swait.ge [sflag:s23], $0x1400  }
0x85: {  	[sflag:s23] =	ssyncset.done $0x0  }
0x86: {  	s11 =	sadd.s32 $0xFA0, s19;
	[sflag:s23] =	ssyncadd.s32 $0xFFFFEC00  }
0x87: {  	[spmem:s2] =	stream.indirect.scatter.add.f32 [tilespmem:s18], [sflag:$0x2], $0x40, s11, s4, $0xb8;
	[tilespmem:$0xF448] =	vst v63  }
0x88: {  	_ =	swait.ge [sflag:s25], $0x1400  }
.Ltmp1:
0x89: {  	[sflag:s25] =	ssyncset.done $0x0;
	(pc) =	sbr.rel @p0 .LBB2_5-.Ltmp1, $4  }
0x8a: {  	[sflag:s25] =	ssyncadd.s32 $0xFFFFEC00  }
0x8b: {  	[spmem:s3] =	stream.indirect.scatter.add.f32 [tilespmem:s13], [sflag:$0x2], $0x1, s11, s4, $0xb8;
	[tilespmem:$0xF448] =	vst v63  }
0x8c: {  	_ =	swait.ge [sflag:s25], $0x50  }
0x8d: {  	s11 =	smov.u32 s20;
	[sflag:s25] =	ssyncset.done $0x0  }
0x8e: {  	s8 =	sshra.s32 s8, $0x2;
	[sflag:s25] =	ssyncadd.s32 $0xFFFFFFB0  }
0x8f: {  	[tilespmem:s18], [sflag:$0x1] =	stream.indirect.gather [hbm4b:s1+s4], $0x40, s8, s4, $0xb8;
	[tilespmem:$0xF448] =	vst v63  }
0x90: {  	_ =	swait.ge [sflag:s23], $0x1400  }
0x91: {  	[sflag:s23] =	ssyncset.done $0x0  }
0x92: {  	s8 =	sadd.s32 $0xFA0, s8;
	[sflag:s23] =	ssyncadd.s32 $0xFFFFEC00  }
0x93: {  	[spmem:s2] =	stream.indirect.scatter.add.f32 [tilespmem:s18], [sflag:$0x2], $0x40, s8, s4, $0xb8;
	[tilespmem:$0xF448] =	vst v63  }
0x94: {  	s17 =	sadd.s32 $0x1, s17;
	_ =	swait.ge [sflag:s25], $0x1400  }
0x95: {  	p0 =	sne.s32 s17, $0x5;
	[sflag:s25] =	ssyncset.done $0x0  }
.Ltmp2:
0x96: {  	[sflag:s25] =	ssyncadd.s32 $0xFFFFEC00;
	(pc) =	sbr.rel @p0 .LBB2_2-.Ltmp2, $4  }
0x97: {  	[spmem:s3] =	stream.indirect.scatter.add.f32 [tilespmem:s13], [sflag:$0x2], $0x1, s8, s4, $0xb8;
	[tilespmem:$0xF448] =	vst v63  }
0x98: {  	_ =	swait.ge [sflag:s25], $0x50  }
0x99: {  	[sflag:s25] =	ssyncset.done $0x0  }
0x9a: {  	[sflag:s25] =	ssyncadd.s32 $0xFFFFFFB0  }
0x9b: {  	[bflag:$0x0] =	sbarrier.arrive $0xFFFF  }
0x9c: {  	[tilespmem:s0], [sflag:$0x2] =	stream.linear.gather [spmem:s12], $0x280, $0x38;
	[tilespmem:$0xF448] =	vst v63  }
0x9d: {  	_ =	swait.ge [sflag:s25], $0x280  }
0x9e: {  	s8 =	simm.s32 $0x0;
	[sflag:s25] =	ssyncset.done $0x0  }
0x9f: {  	s17 =	simm.s32 $0x5550;
	s11 =	rddreg [dreg:$0xc];
	[sflag:s25] =	ssyncadd.s32 $0xFFFFFD80  }
0xa0: {  	[tilespmem:s17], [sflag:$0x2] =	stream.linear.gather [hbm4b:s11+s8], $0x40, $0x38;
	[tilespmem:$0xF448] =	vst v63  }
0xa1: {  	_ =	swait.ge [sflag:s25], $0x40  }
0xa2: {  	s19 =	sadd.s32 $0x0, s9;
	[sflag:s25] =	ssyncset.done $0x0  }
0xa3: {  	v3 =	vmov s19;
	[sflag:s25] =	ssyncadd.s32 $0xFFFFFFC0  }
0xa4: {  	[tilespmem:s14], [sflag:$0x2] =	stream.linear.gather [spmem:s10], $0x1F40, $0x38;
	[tilespmem:$0xF448] =	vst v63  }
0xa5: {  	_ =	swait.ge [sflag:s25], $0x1F40  }
0xa6: {  	[sflag:s25] =	ssyncset.done $0x0  }
0xa7: {  	[sflag:s25] =	ssyncadd.s32 $0xFFFFE0C0  }
0xa8: {  	v3 =	vld.idx.msk [tilespmem:v3+s0+$0x0], $0xffff;
	_ =	sdelay $0x4  }
0xa9: {  	v3 =	vmax.f32 v3, $1.000000000e+00  }
0xaa: {  	(erf) = vrcp.f32 v3;
	_ =	sdelay $0x3  }
0xab: {  	s17 =	simm.s32 $0x3360  }
0xac: {  	v3 =	vld [tilespmem:s17+$0xFFFFFFE0];
	_ =	sdelay $0x1  }
0xad: {  	v4 =	vld [tilespmem:$0x5550];
	_ =	sdelay $0x1  }
0xae: {  	v5 =	vpop (erf)  }
0xaf: {  	v3 =	vmul.f32 v5, v3;
	_ =	sdelay $0x1  }
0xb0: {  	v3 =	vadd.f32 v3, v4  }
0xb1: {  	v4 =	vld [tilespmem:s17+$0xFFFFFFF0]  }
0xb2: {  	[tilespmem:s17+$0xFFFFFFE0] =	vst v3  }
0xb3: {  	v3 =	vld [tilespmem:$0x5560];
	_ =	sdelay $0x2  }
0xb4: {  	v4 =	vmul.f32 v4, v5;
	_ =	sdelay $0x1  }
0xb5: {  	v3 =	vadd.f32 v3, v4  }
0xb6: {  	v4 =	vld [tilespmem:s17+$0x0]  }
0xb7: {  	[tilespmem:s17+$0xFFFFFFF0] =	vst v3  }
0xb8: {  	v3 =	vld [tilespmem:$0x5570];
	_ =	sdelay $0x2  }
0xb9: {  	v4 =	vmul.f32 v4, v5;
	_ =	sdelay $0x1  }
0xba: {  	v3 =	vadd.f32 v3, v4  }
0xbb: {  	v4 =	vld [tilespmem:s17+$0x10]  }
0xbc: {  	[tilespmem:s17+$0x0] =	vst v3  }
0xbd: {  	v6 =	vld [tilespmem:$0x5580];
	_ =	sdelay $0x1  }
0xbe: {  	s20 =	sadd.s32 $0x1, s9  }
0xbf: {  	v3 =	vmov s20;
	v4 =	vmul.f32 v4, v5;
	_ =	sdelay $0x1  }
0xc0: {  	s8 =	simm.s32 $0x2;
	v4 =	vadd.f32 v6, v4  }
.LBB2_8:
0xc1: {  	p0 =	sne.s32 s8, $0x7C  }
0xc2: {  	s11 =	smov.u32 s8;
	s8 =	sadd.s32 $0x1, s8;
	[tilespmem:s17+$0x10] =	vst v4;
	s17 =	sadd.s32 $0x40, s17  }
0xc3: {  	v3 =	vld.idx.msk [tilespmem:v3+s0+$0x0], $0xffff;
	_ =	sdelay $0x5  }
0xc4: {  	v3 =	vmax.f32 v3, $1.000000000e+00  }
0xc5: {  	(erf) = vrcp.f32 v3;
	_ =	sdelay $0x4  }
0xc6: {  	v3 =	vld [tilespmem:s17+$0xFFFFFFE0];
	_ =	sdelay $0x1  }
0xc7: {  	v4 =	vld [tilespmem:$0x5550];
	_ =	sdelay $0x1  }
0xc8: {  	v5 =	vpop (erf)  }
0xc9: {  	v3 =	vmul.f32 v5, v3;
	_ =	sdelay $0x1  }
0xca: {  	v3 =	vadd.f32 v3, v4  }
0xcb: {  	v4 =	vld [tilespmem:s17+$0xFFFFFFF0]  }
0xcc: {  	[tilespmem:s17+$0xFFFFFFE0] =	vst v3  }
0xcd: {  	v3 =	vld [tilespmem:$0x5560];
	_ =	sdelay $0x2  }
0xce: {  	v4 =	vmul.f32 v4, v5;
	_ =	sdelay $0x1  }
0xcf: {  	v3 =	vadd.f32 v3, v4  }
0xd0: {  	v4 =	vld [tilespmem:s17+$0x0]  }
0xd1: {  	[tilespmem:s17+$0xFFFFFFF0] =	vst v3  }
0xd2: {  	v3 =	vld [tilespmem:$0x5570];
	_ =	sdelay $0x2  }
0xd3: {  	v4 =	vmul.f32 v4, v5;
	_ =	sdelay $0x1  }
0xd4: {  	v3 =	vadd.f32 v3, v4  }
0xd5: {  	v4 =	vld [tilespmem:s17+$0x10]  }
0xd6: {  	[tilespmem:s17+$0x0] =	vst v3  }
0xd7: {  	v6 =	vld [tilespmem:$0x5580]  }
.Ltmp3:
0xd8: {  	(pc) =	sbr.rel @p0 .LBB2_8-.Ltmp3, $3  }
0xd9: {  	s11 =	sadd.s32 s9, s11  }
0xda: {  	v3 =	vmov s11;
	v4 =	vmul.f32 v4, v5;
	_ =	sdelay $0x1  }
0xdb: {  	v4 =	vadd.f32 v6, v4  }
0xdc: {  	_ =	sdelay $0x2  }
0xdd: {  	[tilespmem:s17+$0x10] =	vst v4  }
0xde: {  	v3 =	vld.idx.msk [tilespmem:v3+s0+$0x0], $0xffff;
	_ =	sdelay $0x4  }
0xdf: {  	v3 =	vmax.f32 v3, $1.000000000e+00  }
0xe0: {  	(erf) = vrcp.f32 v3;
	_ =	sdelay $0x3  }
0xe1: {  	s8 =	sadd.s32 $0x40, s17  }
0xe2: {  	v3 =	vld [tilespmem:s8+$0xFFFFFFE0];
	_ =	sdelay $0x1  }
0xe3: {  	v4 =	vld [tilespmem:$0x5550];
	_ =	sdelay $0x1  }
0xe4: {  	v5 =	vpop (erf)  }
0xe5: {  	v3 =	vmul.f32 v5, v3;
	_ =	sdelay $0x1  }
0xe6: {  	v3 =	vadd.f32 v3, v4  }
0xe7: {  	v4 =	vld [tilespmem:s8+$0xFFFFFFF0]  }
0xe8: {  	[tilespmem:s8+$0xFFFFFFE0] =	vst v3  }
0xe9: {  	v3 =	vld [tilespmem:$0x5560];
	_ =	sdelay $0x2  }
0xea: {  	v4 =	vmul.f32 v4, v5;
	_ =	sdelay $0x1  }
0xeb: {  	v3 =	vadd.f32 v3, v4  }
0xec: {  	v4 =	vld [tilespmem:s8+$0x0]  }
0xed: {  	[tilespmem:s8+$0xFFFFFFF0] =	vst v3  }
0xee: {  	v3 =	vld [tilespmem:$0x5570];
	_ =	sdelay $0x2  }
0xef: {  	v4 =	vmul.f32 v4, v5;
	_ =	sdelay $0x1  }
0xf0: {  	v3 =	vadd.f32 v3, v4  }
0xf1: {  	v4 =	vld [tilespmem:s8+$0x10]  }
0xf2: {  	[tilespmem:s8+$0x0] =	vst v3  }
0xf3: {  	v3 =	vld [tilespmem:$0x5580];
	_ =	sdelay $0x2  }
0xf4: {  	v4 =	vmul.f32 v4, v5;
	_ =	sdelay $0x1  }
0xf5: {  	v3 =	vadd.f32 v3, v4;
	_ =	sdelay $0x1  }
0xf6: {  	s20 =	simm.s32 $0x0;
	s11 =	rddreg [dreg:$0x7];
	[tilespmem:s8+$0x10] =	vst v3  }
0xf7: {  	[hbm4b:s11+s20] =	stream.linear.scatter [tilespmem:s14], [sflag:$0x2], $0x1F40, $0x38;
	[tilespmem:$0xF448] =	vst v63  }
0xf8: {  	_ =	swait.ge [sflag:s25], $0x1F40  }
0xf9: {  	s17 =	sadd.s32 $0x0, s26;
	[sflag:s25] =	ssyncset.done $0x0  }
0xfa: {  	v3 =	vmov s17;
	s19 =	rddreg [dreg:$0xd];
	[sflag:s25] =	ssyncadd.s32 $0xFFFFE0C0  }
0xfb: {  	[tilespmem:s14], [sflag:$0x2] =	stream.linear.gather [spmem:s19], $0x1F40, $0x38;
	[tilespmem:$0xF448] =	vst v63  }
0xfc: {  	_ =	swait.ge [sflag:s25], $0x1F40  }
0xfd: {  	[sflag:s25] =	ssyncset.done $0x0  }
0xfe: {  	[sflag:s25] =	ssyncadd.s32 $0xFFFFE0C0  }
0xff: {  	v3 =	vld.idx.msk [tilespmem:v3+s0+$0x0], $0xffff;
	_ =	sdelay $0x4  }
0x100: {  	v3 =	vmax.f32 v3, $1.000000000e+00  }
0x101: {  	(erf) = vrcp.f32 v3;
	_ =	sdelay $0x3  }
0x102: {  	s17 =	simm.s32 $0x3360  }
0x103: {  	v3 =	vld [tilespmem:s17+$0xFFFFFFE0];
	_ =	sdelay $0x1  }
0x104: {  	v4 =	vld [tilespmem:$0x5550];
	_ =	sdelay $0x1  }
0x105: {  	v5 =	vpop (erf)  }
0x106: {  	v3 =	vmul.f32 v5, v3;
	_ =	sdelay $0x1  }
0x107: {  	v3 =	vadd.f32 v3, v4  }
0x108: {  	v4 =	vld [tilespmem:s17+$0xFFFFFFF0]  }
0x109: {  	[tilespmem:s17+$0xFFFFFFE0] =	vst v3  }
0x10a: {  	v3 =	vld [tilespmem:$0x5560];
	_ =	sdelay $0x2  }
0x10b: {  	v4 =	vmul.f32 v4, v5;
	_ =	sdelay $0x1  }
0x10c: {  	v3 =	vadd.f32 v3, v4  }
0x10d: {  	v4 =	vld [tilespmem:s17+$0x0]  }
0x10e: {  	[tilespmem:s17+$0xFFFFFFF0] =	vst v3  }
0x10f: {  	v3 =	vld [tilespmem:$0x5570];
	_ =	sdelay $0x2  }
0x110: {  	v4 =	vmul.f32 v4, v5;
	_ =	sdelay $0x1  }
0x111: {  	v3 =	vadd.f32 v3, v4  }
0x112: {  	v4 =	vld [tilespmem:s17+$0x10]  }
0x113: {  	[tilespmem:s17+$0x0] =	vst v3  }
0x114: {  	v6 =	vld [tilespmem:$0x5580];
	_ =	sdelay $0x1  }
0x115: {  	s20 =	sadd.s32 $0x1, s26  }
0x116: {  	v3 =	vmov s20;
	v4 =	vmul.f32 v4, v5;
	_ =	sdelay $0x1  }
0x117: {  	s8 =	simm.s32 $0x2;
	v4 =	vadd.f32 v6, v4  }
.LBB2_10:
0x118: {  	p0 =	sne.s32 s8, $0x7C  }
0x119: {  	s11 =	smov.u32 s8;
	s8 =	sadd.s32 $0x1, s8;
	[tilespmem:s17+$0x10] =	vst v4;
	s17 =	sadd.s32 $0x40, s17  }
0x11a: {  	v3 =	vld.idx.msk [tilespmem:v3+s0+$0x0], $0xffff;
	_ =	sdelay $0x5  }
0x11b: {  	v3 =	vmax.f32 v3, $1.000000000e+00  }
0x11c: {  	(erf) = vrcp.f32 v3;
	_ =	sdelay $0x4  }
0x11d: {  	v3 =	vld [tilespmem:s17+$0xFFFFFFE0];
	_ =	sdelay $0x1  }
0x11e: {  	v4 =	vld [tilespmem:$0x5550];
	_ =	sdelay $0x1  }
0x11f: {  	v5 =	vpop (erf)  }
0x120: {  	v3 =	vmul.f32 v5, v3;
	_ =	sdelay $0x1  }
0x121: {  	v3 =	vadd.f32 v3, v4  }
0x122: {  	v4 =	vld [tilespmem:s17+$0xFFFFFFF0]  }
0x123: {  	[tilespmem:s17+$0xFFFFFFE0] =	vst v3  }
0x124: {  	v3 =	vld [tilespmem:$0x5560];
	_ =	sdelay $0x2  }
0x125: {  	v4 =	vmul.f32 v4, v5;
	_ =	sdelay $0x1  }
0x126: {  	v3 =	vadd.f32 v3, v4  }
0x127: {  	v4 =	vld [tilespmem:s17+$0x0]  }
0x128: {  	[tilespmem:s17+$0xFFFFFFF0] =	vst v3  }
0x129: {  	v3 =	vld [tilespmem:$0x5570];
	_ =	sdelay $0x2  }
0x12a: {  	v4 =	vmul.f32 v4, v5;
	_ =	sdelay $0x1  }
0x12b: {  	v3 =	vadd.f32 v3, v4  }
0x12c: {  	v4 =	vld [tilespmem:s17+$0x10]  }
0x12d: {  	[tilespmem:s17+$0x0] =	vst v3  }
0x12e: {  	v6 =	vld [tilespmem:$0x5580]  }
.Ltmp4:
0x12f: {  	(pc) =	sbr.rel @p0 .LBB2_10-.Ltmp4, $3  }
0x130: {  	s11 =	sadd.s32 s26, s11  }
0x131: {  	v3 =	vmov s11;
	v4 =	vmul.f32 v4, v5;
	_ =	sdelay $0x1  }
0x132: {  	v4 =	vadd.f32 v6, v4  }
0x133: {  	_ =	sdelay $0x2  }
0x134: {  	[tilespmem:s17+$0x10] =	vst v4  }
0x135: {  	v3 =	vld.idx.msk [tilespmem:v3+s0+$0x0], $0xffff;
	_ =	sdelay $0x4  }
0x136: {  	v3 =	vmax.f32 v3, $1.000000000e+00  }
0x137: {  	(erf) = vrcp.f32 v3;
	_ =	sdelay $0x3  }
0x138: {  	s8 =	sadd.s32 $0x40, s17  }
0x139: {  	v3 =	vld [tilespmem:s8+$0xFFFFFFE0];
	_ =	sdelay $0x1  }
0x13a: {  	v4 =	vld [tilespmem:$0x5550];
	_ =	sdelay $0x1  }
0x13b: {  	v5 =	vpop (erf)  }
0x13c: {  	v3 =	vmul.f32 v5, v3;
	_ =	sdelay $0x1  }
0x13d: {  	v3 =	vadd.f32 v3, v4  }
0x13e: {  	v4 =	vld [tilespmem:s8+$0xFFFFFFF0]  }
0x13f: {  	[tilespmem:s8+$0xFFFFFFE0] =	vst v3  }
0x140: {  	v3 =	vld [tilespmem:$0x5560];
	_ =	sdelay $0x2  }
0x141: {  	v4 =	vmul.f32 v4, v5;
	_ =	sdelay $0x1  }
0x142: {  	v3 =	vadd.f32 v3, v4  }
0x143: {  	v4 =	vld [tilespmem:s8+$0x0]  }
0x144: {  	[tilespmem:s8+$0xFFFFFFF0] =	vst v3  }
0x145: {  	v3 =	vld [tilespmem:$0x5570];
	_ =	sdelay $0x2  }
0x146: {  	v4 =	vmul.f32 v4, v5;
	_ =	sdelay $0x1  }
0x147: {  	v3 =	vadd.f32 v3, v4  }
0x148: {  	v4 =	vld [tilespmem:s8+$0x10]  }
0x149: {  	[tilespmem:s8+$0x0] =	vst v3  }
0x14a: {  	v3 =	vld [tilespmem:$0x5580];
	_ =	sdelay $0x2  }
0x14b: {  	v4 =	vmul.f32 v4, v5;
	_ =	sdelay $0x1  }
0x14c: {  	v3 =	vadd.f32 v3, v4;
	_ =	sdelay $0x1  }
0x14d: {  	s20 =	simm.s32 $0x0;
	s11 =	rddreg [dreg:$0x8];
	[tilespmem:s8+$0x10] =	vst v3  }
0x14e: {  	[hbm4b:s11+s20] =	stream.linear.scatter [tilespmem:s14], [sflag:$0x2], $0x1F40, $0x38;
	[tilespmem:$0xF448] =	vst v63  }
0x14f: {  	_ =	swait.ge [sflag:s25], $0x1F40  }
0x150: {  	s17 =	sadd.s32 $0x0, s28;
	[sflag:s25] =	ssyncset.done $0x0  }
0x151: {  	v3 =	vmov s17;
	s19 =	rddreg [dreg:$0xe];
	[sflag:s25] =	ssyncadd.s32 $0xFFFFE0C0  }
0x152: {  	[tilespmem:s14], [sflag:$0x2] =	stream.linear.gather [spmem:s19], $0x1F40, $0x38;
	[tilespmem:$0xF448] =	vst v63  }
0x153: {  	_ =	swait.ge [sflag:s25], $0x1F40  }
0x154: {  	[sflag:s25] =	ssyncset.done $0x0  }
0x155: {  	[sflag:s25] =	ssyncadd.s32 $0xFFFFE0C0  }
0x156: {  	v3 =	vld.idx.msk [tilespmem:v3+s0+$0x0], $0xffff;
	_ =	sdelay $0x4  }
0x157: {  	v3 =	vmax.f32 v3, $1.000000000e+00  }
0x158: {  	(erf) = vrcp.f32 v3;
	_ =	sdelay $0x3  }
0x159: {  	s17 =	simm.s32 $0x3360  }
0x15a: {  	v3 =	vld [tilespmem:s17+$0xFFFFFFE0];
	_ =	sdelay $0x1  }
0x15b: {  	v4 =	vld [tilespmem:$0x5550];
	_ =	sdelay $0x1  }
0x15c: {  	v5 =	vpop (erf)  }
0x15d: {  	v3 =	vmul.f32 v5, v3;
	_ =	sdelay $0x1  }
0x15e: {  	v3 =	vadd.f32 v3, v4  }
0x15f: {  	v4 =	vld [tilespmem:s17+$0xFFFFFFF0]  }
0x160: {  	[tilespmem:s17+$0xFFFFFFE0] =	vst v3  }
0x161: {  	v3 =	vld [tilespmem:$0x5560];
	_ =	sdelay $0x2  }
0x162: {  	v4 =	vmul.f32 v4, v5;
	_ =	sdelay $0x1  }
0x163: {  	v3 =	vadd.f32 v3, v4  }
0x164: {  	v4 =	vld [tilespmem:s17+$0x0]  }
0x165: {  	[tilespmem:s17+$0xFFFFFFF0] =	vst v3  }
0x166: {  	v3 =	vld [tilespmem:$0x5570];
	_ =	sdelay $0x2  }
0x167: {  	v4 =	vmul.f32 v4, v5;
	_ =	sdelay $0x1  }
0x168: {  	v3 =	vadd.f32 v3, v4  }
0x169: {  	v4 =	vld [tilespmem:s17+$0x10]  }
0x16a: {  	[tilespmem:s17+$0x0] =	vst v3  }
0x16b: {  	v6 =	vld [tilespmem:$0x5580];
	_ =	sdelay $0x1  }
0x16c: {  	s20 =	sadd.s32 $0x1, s28  }
0x16d: {  	v3 =	vmov s20;
	v4 =	vmul.f32 v4, v5;
	_ =	sdelay $0x1  }
0x16e: {  	s8 =	simm.s32 $0x2;
	v4 =	vadd.f32 v6, v4  }
.LBB2_12:
0x16f: {  	p0 =	sne.s32 s8, $0x7C  }
0x170: {  	s11 =	smov.u32 s8;
	s8 =	sadd.s32 $0x1, s8;
	[tilespmem:s17+$0x10] =	vst v4;
	s17 =	sadd.s32 $0x40, s17  }
0x171: {  	v3 =	vld.idx.msk [tilespmem:v3+s0+$0x0], $0xffff;
	_ =	sdelay $0x5  }
0x172: {  	v3 =	vmax.f32 v3, $1.000000000e+00  }
0x173: {  	(erf) = vrcp.f32 v3;
	_ =	sdelay $0x4  }
0x174: {  	v3 =	vld [tilespmem:s17+$0xFFFFFFE0];
	_ =	sdelay $0x1  }
0x175: {  	v4 =	vld [tilespmem:$0x5550];
	_ =	sdelay $0x1  }
0x176: {  	v5 =	vpop (erf)  }
0x177: {  	v3 =	vmul.f32 v5, v3;
	_ =	sdelay $0x1  }
0x178: {  	v3 =	vadd.f32 v3, v4  }
0x179: {  	v4 =	vld [tilespmem:s17+$0xFFFFFFF0]  }
0x17a: {  	[tilespmem:s17+$0xFFFFFFE0] =	vst v3  }
0x17b: {  	v3 =	vld [tilespmem:$0x5560];
	_ =	sdelay $0x2  }
0x17c: {  	v4 =	vmul.f32 v4, v5;
	_ =	sdelay $0x1  }
0x17d: {  	v3 =	vadd.f32 v3, v4  }
0x17e: {  	v4 =	vld [tilespmem:s17+$0x0]  }
0x17f: {  	[tilespmem:s17+$0xFFFFFFF0] =	vst v3  }
0x180: {  	v3 =	vld [tilespmem:$0x5570];
	_ =	sdelay $0x2  }
0x181: {  	v4 =	vmul.f32 v4, v5;
	_ =	sdelay $0x1  }
0x182: {  	v3 =	vadd.f32 v3, v4  }
0x183: {  	v4 =	vld [tilespmem:s17+$0x10]  }
0x184: {  	[tilespmem:s17+$0x0] =	vst v3  }
0x185: {  	v6 =	vld [tilespmem:$0x5580]  }
.Ltmp5:
0x186: {  	(pc) =	sbr.rel @p0 .LBB2_12-.Ltmp5, $3  }
0x187: {  	s11 =	sadd.s32 s28, s11  }
0x188: {  	v3 =	vmov s11;
	v4 =	vmul.f32 v4, v5;
	_ =	sdelay $0x1  }
0x189: {  	v4 =	vadd.f32 v6, v4  }
0x18a: {  	_ =	sdelay $0x2  }
0x18b: {  	[tilespmem:s17+$0x10] =	vst v4  }
0x18c: {  	v3 =	vld.idx.msk [tilespmem:v3+s0+$0x0], $0xffff;
	_ =	sdelay $0x4  }
0x18d: {  	v3 =	vmax.f32 v3, $1.000000000e+00  }
0x18e: {  	(erf) = vrcp.f32 v3;
	_ =	sdelay $0x3  }
0x18f: {  	s8 =	sadd.s32 $0x40, s17  }
0x190: {  	v3 =	vld [tilespmem:s8+$0xFFFFFFE0];
	_ =	sdelay $0x1  }
0x191: {  	v4 =	vld [tilespmem:$0x5550];
	_ =	sdelay $0x1  }
0x192: {  	v5 =	vpop (erf)  }
0x193: {  	v3 =	vmul.f32 v5, v3;
	_ =	sdelay $0x1  }
0x194: {  	v3 =	vadd.f32 v3, v4  }
0x195: {  	v4 =	vld [tilespmem:s8+$0xFFFFFFF0]  }
0x196: {  	[tilespmem:s8+$0xFFFFFFE0] =	vst v3  }
0x197: {  	v3 =	vld [tilespmem:$0x5560];
	_ =	sdelay $0x2  }
0x198: {  	v4 =	vmul.f32 v4, v5;
	_ =	sdelay $0x1  }
0x199: {  	v3 =	vadd.f32 v3, v4  }
0x19a: {  	v4 =	vld [tilespmem:s8+$0x0]  }
0x19b: {  	[tilespmem:s8+$0xFFFFFFF0] =	vst v3  }
0x19c: {  	v3 =	vld [tilespmem:$0x5570];
	_ =	sdelay $0x2  }
0x19d: {  	v4 =	vmul.f32 v4, v5;
	_ =	sdelay $0x1  }
0x19e: {  	v3 =	vadd.f32 v3, v4  }
0x19f: {  	v4 =	vld [tilespmem:s8+$0x10]  }
0x1a0: {  	[tilespmem:s8+$0x0] =	vst v3  }
0x1a1: {  	v3 =	vld [tilespmem:$0x5580];
	_ =	sdelay $0x2  }
0x1a2: {  	v4 =	vmul.f32 v4, v5;
	_ =	sdelay $0x1  }
0x1a3: {  	v3 =	vadd.f32 v3, v4;
	_ =	sdelay $0x1  }
0x1a4: {  	s11 =	rddreg [dreg:$0x9];
	s17 =	simm.s32 $0x0;
	[tilespmem:s8+$0x10] =	vst v3  }
0x1a5: {  	[hbm4b:s11+s17] =	stream.linear.scatter [tilespmem:s14], [sflag:$0x2], $0x1F40, $0x38;
	[tilespmem:$0xF448] =	vst v63  }
0x1a6: {  	_ =	swait.ge [sflag:s25], $0x1F40  }
0x1a7: {  	s19 =	sadd.s32 $0x0, s29;
	[sflag:s25] =	ssyncset.done $0x0  }
0x1a8: {  	v3 =	vmov s19;
	[sflag:s25] =	ssyncadd.s32 $0xFFFFE0C0  }
0x1a9: {  	[tilespmem:s14], [sflag:$0x2] =	stream.linear.gather [spmem:s21], $0x1F40, $0x38;
	[tilespmem:$0xF448] =	vst v63  }
0x1aa: {  	_ =	swait.ge [sflag:s25], $0x1F40  }
0x1ab: {  	[sflag:s25] =	ssyncset.done $0x0  }
0x1ac: {  	[sflag:s25] =	ssyncadd.s32 $0xFFFFE0C0  }
0x1ad: {  	v3 =	vld.idx.msk [tilespmem:v3+s0+$0x0], $0xffff;
	_ =	sdelay $0x4  }
0x1ae: {  	v3 =	vmax.f32 v3, $1.000000000e+00  }
0x1af: {  	(erf) = vrcp.f32 v3;
	_ =	sdelay $0x3  }
0x1b0: {  	s17 =	simm.s32 $0x3360  }
0x1b1: {  	v3 =	vld [tilespmem:s17+$0xFFFFFFE0];
	_ =	sdelay $0x1  }
0x1b2: {  	v4 =	vld [tilespmem:$0x5550];
	_ =	sdelay $0x1  }
0x1b3: {  	v5 =	vpop (erf)  }
0x1b4: {  	v3 =	vmul.f32 v5, v3;
	_ =	sdelay $0x1  }
0x1b5: {  	v3 =	vadd.f32 v3, v4  }
0x1b6: {  	v4 =	vld [tilespmem:s17+$0xFFFFFFF0]  }
0x1b7: {  	[tilespmem:s17+$0xFFFFFFE0] =	vst v3  }
0x1b8: {  	v3 =	vld [tilespmem:$0x5560];
	_ =	sdelay $0x2  }
0x1b9: {  	v4 =	vmul.f32 v4, v5;
	_ =	sdelay $0x1  }
0x1ba: {  	v3 =	vadd.f32 v3, v4  }
0x1bb: {  	v4 =	vld [tilespmem:s17+$0x0]  }
0x1bc: {  	[tilespmem:s17+$0xFFFFFFF0] =	vst v3  }
0x1bd: {  	v3 =	vld [tilespmem:$0x5570];
	_ =	sdelay $0x2  }
0x1be: {  	v4 =	vmul.f32 v4, v5;
	_ =	sdelay $0x1  }
0x1bf: {  	v3 =	vadd.f32 v3, v4  }
0x1c0: {  	v4 =	vld [tilespmem:s17+$0x10]  }
0x1c1: {  	[tilespmem:s17+$0x0] =	vst v3  }
0x1c2: {  	v6 =	vld [tilespmem:$0x5580];
	_ =	sdelay $0x1  }
0x1c3: {  	s20 =	sadd.s32 $0x1, s29  }
0x1c4: {  	v3 =	vmov s20;
	v4 =	vmul.f32 v4, v5;
	_ =	sdelay $0x1  }
0x1c5: {  	s8 =	simm.s32 $0x2;
	v4 =	vadd.f32 v6, v4  }
.LBB2_14:
0x1c6: {  	p0 =	sne.s32 s8, $0x7C  }
0x1c7: {  	s11 =	smov.u32 s8;
	s8 =	sadd.s32 $0x1, s8;
	[tilespmem:s17+$0x10] =	vst v4;
	s17 =	sadd.s32 $0x40, s17  }
0x1c8: {  	v3 =	vld.idx.msk [tilespmem:v3+s0+$0x0], $0xffff;
	_ =	sdelay $0x5  }
0x1c9: {  	v3 =	vmax.f32 v3, $1.000000000e+00  }
0x1ca: {  	(erf) = vrcp.f32 v3;
	_ =	sdelay $0x4  }
0x1cb: {  	v3 =	vld [tilespmem:s17+$0xFFFFFFE0];
	_ =	sdelay $0x1  }
0x1cc: {  	v4 =	vld [tilespmem:$0x5550];
	_ =	sdelay $0x1  }
0x1cd: {  	v5 =	vpop (erf)  }
0x1ce: {  	v3 =	vmul.f32 v5, v3;
	_ =	sdelay $0x1  }
0x1cf: {  	v3 =	vadd.f32 v3, v4  }
0x1d0: {  	v4 =	vld [tilespmem:s17+$0xFFFFFFF0]  }
0x1d1: {  	[tilespmem:s17+$0xFFFFFFE0] =	vst v3  }
0x1d2: {  	v3 =	vld [tilespmem:$0x5560];
	_ =	sdelay $0x2  }
0x1d3: {  	v4 =	vmul.f32 v4, v5;
	_ =	sdelay $0x1  }
0x1d4: {  	v3 =	vadd.f32 v3, v4  }
0x1d5: {  	v4 =	vld [tilespmem:s17+$0x0]  }
0x1d6: {  	[tilespmem:s17+$0xFFFFFFF0] =	vst v3  }
0x1d7: {  	v3 =	vld [tilespmem:$0x5570];
	_ =	sdelay $0x2  }
0x1d8: {  	v4 =	vmul.f32 v4, v5;
	_ =	sdelay $0x1  }
0x1d9: {  	v3 =	vadd.f32 v3, v4  }
0x1da: {  	v4 =	vld [tilespmem:s17+$0x10]  }
0x1db: {  	[tilespmem:s17+$0x0] =	vst v3  }
0x1dc: {  	v6 =	vld [tilespmem:$0x5580]  }
.Ltmp6:
0x1dd: {  	(pc) =	sbr.rel @p0 .LBB2_14-.Ltmp6, $3  }
0x1de: {  	s11 =	sadd.s32 s29, s11  }
0x1df: {  	v3 =	vmov s11;
	v4 =	vmul.f32 v4, v5;
	_ =	sdelay $0x1  }
0x1e0: {  	v4 =	vadd.f32 v6, v4  }
0x1e1: {  	_ =	sdelay $0x2  }
0x1e2: {  	[tilespmem:s17+$0x10] =	vst v4  }
0x1e3: {  	v3 =	vld.idx.msk [tilespmem:v3+s0+$0x0], $0xffff;
	_ =	sdelay $0x4  }
0x1e4: {  	v3 =	vmax.f32 v3, $1.000000000e+00  }
0x1e5: {  	(erf) = vrcp.f32 v3;
	_ =	sdelay $0x3  }
0x1e6: {  	s8 =	sadd.s32 $0x40, s17  }
0x1e7: {  	v3 =	vld [tilespmem:s8+$0xFFFFFFE0];
	_ =	sdelay $0x1  }
0x1e8: {  	v4 =	vld [tilespmem:$0x5550];
	_ =	sdelay $0x1  }
0x1e9: {  	v5 =	vpop (erf)  }
0x1ea: {  	v3 =	vmul.f32 v5, v3;
	_ =	sdelay $0x1  }
0x1eb: {  	v3 =	vadd.f32 v3, v4  }
0x1ec: {  	v4 =	vld [tilespmem:s8+$0xFFFFFFF0]  }
0x1ed: {  	[tilespmem:s8+$0xFFFFFFE0] =	vst v3  }
0x1ee: {  	v3 =	vld [tilespmem:$0x5560];
	_ =	sdelay $0x2  }
0x1ef: {  	v4 =	vmul.f32 v4, v5;
	_ =	sdelay $0x1  }
0x1f0: {  	v3 =	vadd.f32 v3, v4  }
0x1f1: {  	v4 =	vld [tilespmem:s8+$0x0]  }
0x1f2: {  	[tilespmem:s8+$0xFFFFFFF0] =	vst v3  }
0x1f3: {  	v3 =	vld [tilespmem:$0x5570];
	_ =	sdelay $0x2  }
0x1f4: {  	v4 =	vmul.f32 v4, v5;
	_ =	sdelay $0x1  }
0x1f5: {  	v3 =	vadd.f32 v3, v4  }
0x1f6: {  	v4 =	vld [tilespmem:s8+$0x10]  }
0x1f7: {  	[tilespmem:s8+$0x0] =	vst v3  }
0x1f8: {  	v3 =	vld [tilespmem:$0x5580];
	_ =	sdelay $0x2  }
0x1f9: {  	v4 =	vmul.f32 v4, v5;
	_ =	sdelay $0x1  }
0x1fa: {  	v3 =	vadd.f32 v3, v4;
	_ =	sdelay $0x1  }
0x1fb: {  	s11 =	rddreg [dreg:$0xa];
	s17 =	simm.s32 $0x0;
	[tilespmem:s8+$0x10] =	vst v3  }
0x1fc: {  	[hbm4b:s11+s17] =	stream.linear.scatter [tilespmem:s14], [sflag:$0x2], $0x1F40, $0x38;
	[tilespmem:$0xF448] =	vst v63  }
0x1fd: {  	_ =	swait.ge [sflag:s25], $0x1F40  }
0x1fe: {  	s19 =	sadd.s32 $0x0, s30;
	[sflag:s25] =	ssyncset.done $0x0  }
0x1ff: {  	v3 =	vmov s19;
	[sflag:s25] =	ssyncadd.s32 $0xFFFFE0C0  }
0x200: {  	[tilespmem:s14], [sflag:$0x2] =	stream.linear.gather [spmem:s22], $0x1F40, $0x38;
	[tilespmem:$0xF448] =	vst v63  }
0x201: {  	_ =	swait.ge [sflag:s25], $0x1F40  }
0x202: {  	[sflag:s25] =	ssyncset.done $0x0  }
0x203: {  	[sflag:s25] =	ssyncadd.s32 $0xFFFFE0C0  }
0x204: {  	v3 =	vld.idx.msk [tilespmem:v3+s0+$0x0], $0xffff;
	_ =	sdelay $0x4  }
0x205: {  	v3 =	vmax.f32 v3, $1.000000000e+00  }
0x206: {  	(erf) = vrcp.f32 v3;
	_ =	sdelay $0x3  }
0x207: {  	s17 =	simm.s32 $0x3360  }
0x208: {  	v3 =	vld [tilespmem:s17+$0xFFFFFFE0];
	_ =	sdelay $0x1  }
0x209: {  	v4 =	vld [tilespmem:$0x5550];
	_ =	sdelay $0x1  }
0x20a: {  	v5 =	vpop (erf)  }
0x20b: {  	v3 =	vmul.f32 v5, v3;
	_ =	sdelay $0x1  }
0x20c: {  	v3 =	vadd.f32 v3, v4  }
0x20d: {  	v4 =	vld [tilespmem:s17+$0xFFFFFFF0]  }
0x20e: {  	[tilespmem:s17+$0xFFFFFFE0] =	vst v3  }
0x20f: {  	v3 =	vld [tilespmem:$0x5560];
	_ =	sdelay $0x2  }
0x210: {  	v4 =	vmul.f32 v4, v5;
	_ =	sdelay $0x1  }
0x211: {  	v3 =	vadd.f32 v3, v4  }
0x212: {  	v4 =	vld [tilespmem:s17+$0x0]  }
0x213: {  	[tilespmem:s17+$0xFFFFFFF0] =	vst v3  }
0x214: {  	v3 =	vld [tilespmem:$0x5570];
	_ =	sdelay $0x2  }
0x215: {  	v4 =	vmul.f32 v4, v5;
	_ =	sdelay $0x1  }
0x216: {  	v3 =	vadd.f32 v3, v4  }
0x217: {  	v4 =	vld [tilespmem:s17+$0x10]  }
0x218: {  	[tilespmem:s17+$0x0] =	vst v3  }
0x219: {  	v6 =	vld [tilespmem:$0x5580];
	_ =	sdelay $0x1  }
0x21a: {  	s20 =	sadd.s32 $0x1, s30  }
0x21b: {  	v3 =	vmov s20;
	v4 =	vmul.f32 v4, v5;
	_ =	sdelay $0x1  }
0x21c: {  	s8 =	simm.s32 $0x2;
	v4 =	vadd.f32 v6, v4  }
.LBB2_16:
0x21d: {  	p0 =	sne.s32 s8, $0x7C  }
0x21e: {  	s11 =	smov.u32 s8;
	s8 =	sadd.s32 $0x1, s8;
	[tilespmem:s17+$0x10] =	vst v4;
	s17 =	sadd.s32 $0x40, s17  }
0x21f: {  	v3 =	vld.idx.msk [tilespmem:v3+s0+$0x0], $0xffff;
	_ =	sdelay $0x5  }
0x220: {  	v3 =	vmax.f32 v3, $1.000000000e+00  }
0x221: {  	(erf) = vrcp.f32 v3;
	_ =	sdelay $0x4  }
0x222: {  	v3 =	vld [tilespmem:s17+$0xFFFFFFE0];
	_ =	sdelay $0x1  }
0x223: {  	v4 =	vld [tilespmem:$0x5550];
	_ =	sdelay $0x1  }
0x224: {  	v5 =	vpop (erf)  }
0x225: {  	v3 =	vmul.f32 v5, v3;
	_ =	sdelay $0x1  }
0x226: {  	v3 =	vadd.f32 v3, v4  }
0x227: {  	v4 =	vld [tilespmem:s17+$0xFFFFFFF0]  }
0x228: {  	[tilespmem:s17+$0xFFFFFFE0] =	vst v3  }
0x229: {  	v3 =	vld [tilespmem:$0x5560];
	_ =	sdelay $0x2  }
0x22a: {  	v4 =	vmul.f32 v4, v5;
	_ =	sdelay $0x1  }
0x22b: {  	v3 =	vadd.f32 v3, v4  }
0x22c: {  	v4 =	vld [tilespmem:s17+$0x0]  }
0x22d: {  	[tilespmem:s17+$0xFFFFFFF0] =	vst v3  }
0x22e: {  	v3 =	vld [tilespmem:$0x5570];
	_ =	sdelay $0x2  }
0x22f: {  	v4 =	vmul.f32 v4, v5;
	_ =	sdelay $0x1  }
0x230: {  	v3 =	vadd.f32 v3, v4  }
0x231: {  	v4 =	vld [tilespmem:s17+$0x10]  }
0x232: {  	[tilespmem:s17+$0x0] =	vst v3  }
0x233: {  	v6 =	vld [tilespmem:$0x5580]  }
.Ltmp7:
0x234: {  	(pc) =	sbr.rel @p0 .LBB2_16-.Ltmp7, $3  }
0x235: {  	s11 =	sadd.s32 s30, s11  }
0x236: {  	v3 =	vmov s11;
	v4 =	vmul.f32 v4, v5;
	_ =	sdelay $0x1  }
0x237: {  	v4 =	vadd.f32 v6, v4  }
0x238: {  	_ =	sdelay $0x2  }
0x239: {  	[tilespmem:s17+$0x10] =	vst v4  }
0x23a: {  	v3 =	vld.idx.msk [tilespmem:v3+s0+$0x0], $0xffff;
	_ =	sdelay $0x4  }
0x23b: {  	v3 =	vmax.f32 v3, $1.000000000e+00  }
0x23c: {  	(erf) = vrcp.f32 v3;
	_ =	sdelay $0x3  }
0x23d: {  	s8 =	sadd.s32 $0x40, s17  }
0x23e: {  	v3 =	vld [tilespmem:s8+$0xFFFFFFE0];
	_ =	sdelay $0x1  }
0x23f: {  	v4 =	vld [tilespmem:$0x5550];
	_ =	sdelay $0x1  }
0x240: {  	v5 =	vpop (erf)  }
0x241: {  	v3 =	vmul.f32 v5, v3;
	_ =	sdelay $0x1  }
0x242: {  	v3 =	vadd.f32 v3, v4  }
0x243: {  	v61 =	vld [tilespmem:s8+$0xFFFFFFF0]  }
0x244: {  	[tilespmem:s8+$0xFFFFFFE0] =	vst v3  }
0x245: {  	v3 =	vld [tilespmem:$0x5560];
	_ =	sdelay $0x2  }
0x246: {  	v4 =	vmul.f32 v61, v5;
	_ =	sdelay $0x1  }
0x247: {  	v3 =	vadd.f32 v3, v4  }
0x248: {  	v62 =	vld [tilespmem:s8+$0x0]  }
0x249: {  	[tilespmem:s8+$0xFFFFFFF0] =	vst v3  }
0x24a: {  	v3 =	vld [tilespmem:$0x5570];
	_ =	sdelay $0x2  }
0x24b: {  	v4 =	vmul.f32 v62, v5;
	_ =	sdelay $0x1  }
0x24c: {  	v3 =	vadd.f32 v3, v4  }
0x24d: {  	v63 =	vld [tilespmem:s8+$0x10]  }
0x24e: {  	[tilespmem:s8+$0x0] =	vst v3  }
0x24f: {  	v3 =	vld [tilespmem:$0x5580];
	_ =	sdelay $0x2  }
0x250: {  	v4 =	vmul.f32 v63, v5;
	_ =	sdelay $0x1  }
0x251: {  	v3 =	vadd.f32 v3, v4;
	_ =	sdelay $0x1  }
0x252: {  	s19 =	rddreg [dreg:$0xb];
	s17 =	simm.s32 $0x0;
	[tilespmem:s8+$0x10] =	vst v3  }
0x253: {  	[hbm4b:s19+s17] =	stream.linear.scatter [tilespmem:s14], [sflag:$0x2], $0x1F40, $0x38;
	[tilespmem:$0xF448] =	vst v63  }
0x254: {  	_ =	swait.ge [sflag:s25], $0x1F40  }
0x255: {  	[sflag:s25] =	ssyncset.done $0x0  }
0x256: {  	[sflag:s25] =	ssyncadd.s32 $0xFFFFE0C0  }
0x257: {  	[bflag:$0x0] =	sbarrier.arrive $0xFFFF  }
0x258: {  	s20 =	rddreg [dreg:$0x5]  }
0x259: {  	s11 =	rddreg [dreg:$0x6]  }
0x25a: {  	[spmem:s16], [sflag:s11] =	dma.local [hbm:s20], $0x1388  }
0x25b: {  	_ =	swait.ge [sflag:s25], $0x1388  }
0x25c: {  	[sflag:s25] =	ssyncset.done $0x0  }
0x25d: {  	[sflag:s25] =	ssyncadd.s32 $0xFFFFEC78  }
0x25e: {  	[tilespmem:$0x5280] =	vst v2  }
0x25f: {  	[tilespmem:$0x5290] =	vst v2  }
0x260: {  	[tilespmem:$0x52A0] =	vst v2  }
0x261: {  	[tilespmem:$0x52B0] =	vst v2  }
0x262: {  	[tilespmem:$0x52C0] =	vst v2  }
0x263: {  	[tilespmem:$0x52D0] =	vst v2  }
0x264: {  	[tilespmem:$0x52E0] =	vst v2  }
0x265: {  	[tilespmem:$0x52F0] =	vst v2  }
0x266: {  	[tilespmem:$0x5300] =	vst v2  }
0x267: {  	[tilespmem:$0x5310] =	vst v2  }
0x268: {  	[tilespmem:$0x5320] =	vst v2  }
0x269: {  	[tilespmem:$0x5330] =	vst v2  }
0x26a: {  	[tilespmem:$0x5340] =	vst v2  }
0x26b: {  	[tilespmem:$0x5350] =	vst v2  }
0x26c: {  	[tilespmem:$0x5360] =	vst v2  }
0x26d: {  	[tilespmem:$0x5370] =	vst v2  }
0x26e: {  	[tilespmem:$0x5380] =	vst v2  }
0x26f: {  	[tilespmem:$0x5390] =	vst v2  }
0x270: {  	[tilespmem:$0x53A0] =	vst v2  }
0x271: {  	[tilespmem:$0x53B0] =	vst v2  }
0x272: {  	[tilespmem:$0x53C0] =	vst v2  }
0x273: {  	[tilespmem:$0x53D0] =	vst v2  }
0x274: {  	[tilespmem:$0x53E0] =	vst v2  }
0x275: {  	[tilespmem:$0x53F0] =	vst v2  }
0x276: {  	[tilespmem:$0x5400] =	vst v2  }
0x277: {  	[tilespmem:$0x5410] =	vst v2  }
0x278: {  	[tilespmem:$0x5420] =	vst v2  }
0x279: {  	[tilespmem:$0x5430] =	vst v2  }
0x27a: {  	[tilespmem:$0x5440] =	vst v2  }
0x27b: {  	[tilespmem:$0x5450] =	vst v2  }
0x27c: {  	[tilespmem:$0x5460] =	vst v2  }
0x27d: {  	[tilespmem:$0x5470] =	vst v2  }
0x27e: {  	[tilespmem:$0x5480] =	vst v2  }
0x27f: {  	[tilespmem:$0x5490] =	vst v2  }
0x280: {  	[tilespmem:$0x54A0] =	vst v2  }
0x281: {  	[tilespmem:$0x54B0] =	vst v2  }
0x282: {  	[tilespmem:$0x54C0] =	vst v2  }
0x283: {  	[tilespmem:$0x54D0] =	vst v2  }
0x284: {  	[tilespmem:$0x54E0] =	vst v2  }
0x285: {  	[tilespmem:$0x54F0] =	vst v2  }
0x286: {  	[spmem:s12] =	stream.linear.scatter [tilespmem:s0], [sflag:$0x2], $0x280, $0x38;
	[tilespmem:$0xF448] =	vst v63  }
0x287: {  	_ =	swait.ge [sflag:s25], $0x280  }
0x288: {  	[sflag:s25] =	ssyncset.done $0x0  }
0x289: {  	[sflag:s25] =	ssyncadd.s32 $0xFFFFFD80  }
0x28a: {  	s16 =	simm.s32 $0x0;
	[bflag:$0x0] =	sbarrier.arrive $0xFFFF  }
.LBB2_18:
0x28b: {  	s8 =	smul.u32 $0x32, s16;
	_ =	sdelay $0x1  }
0x28c: {  	s8 =	sadd.s32 s8, s31  }
0x28d: {  	s8 =	smul.u32 $0xA, s8;
	_ =	sdelay $0x1  }
0x28e: {  	s11 =	sadd.s32 s6, s8  }
0x28f: {  	[tilespmem:s17], [sflag:$0x2] =	stream.linear.gather [hbm4b:s11+s17], $0xFA0, $0x38;
	[tilespmem:$0xF448] =	vst v63  }
0x290: {  	_ =	swait.ge [sflag:s25], $0xFA0  }
0x291: {  	[sflag:s25] =	ssyncset.done $0x0  }
0x292: {  	s8 =	sadd.s32 s7, s8;
	[sflag:s25] =	ssyncadd.s32 $0xFFFFF060  }
0x293: {  	[tilespmem:s5], [sflag:$0x2] =	stream.linear.gather [hbm4b:s8+s17], $0xFA0, $0x38;
	[tilespmem:$0xF448] =	vst v63  }
0x294: {  	_ =	swait.ge [sflag:s25], $0xFA0  }
0x295: {  	[sflag:s25] =	ssyncset.done $0x0  }
0x296: {  	s8 =	simm.s32 $0x0;
	[sflag:s25] =	ssyncadd.s32 $0xFFFFF060  }
0x297: {  	v6 =	vld [tilespmem:s8+$0x0]  }
0x298: {  	v5 =	vld [tilespmem:s8+$0x10]  }
0x299: {  	v4 =	vld [tilespmem:s8+$0x20]  }
0x29a: {  	s11 =	simm.s32 $0x140;
	v3 =	vld [tilespmem:s8+$0x30]  }
.LBB2_19:
0x29b: {  	p0 =	sne.s32 s11, $0x3D40;
	v7 =	vld [tilespmem:s8+$0x40]  }
0x29c: {  	v6 =	vadd.s32 v0, v6  }
.Ltmp8:
0x29d: {  	s19 =	sshra.s32 s11, $0x2;
	[tilespmem:s8+$0x0] =	vst v6;
	v5 =	vadd.s32 v0, v5;
	(pc) =	sbr.rel @p0 .LBB2_19-.Ltmp8, $4  }
0x29e: {  	v6 =	vld [tilespmem:s19+$0x0];
	[tilespmem:s8+$0x10] =	vst v5;
	v4 =	vadd.s32 v0, v4  }
0x29f: {  	v5 =	vld [tilespmem:s19+$0x10];
	[tilespmem:s8+$0x20] =	vst v4;
	v3 =	vadd.s32 v0, v3  }
0x2a0: {  	v4 =	vld [tilespmem:s19+$0x20];
	[tilespmem:s8+$0x30] =	vst v3;
	v7 =	vadd.s32 v0, v7  }
0x2a1: {  	s11 =	sadd.s32 $0x140, s11;
	v3 =	vld [tilespmem:s19+$0x30];
	[tilespmem:s8+$0x40] =	vst v7;
	s8 =	smov.u32 s19  }
0x2a2: {  	v7 =	vld [tilespmem:s8+$0x40]  }
0x2a3: {  	v6 =	vadd.s32 v0, v6  }
0x2a4: {  	[tilespmem:s8+$0x0] =	vst v6;
	v5 =	vadd.s32 v0, v5  }
0x2a5: {  	[tilespmem:s8+$0x10] =	vst v5;
	v4 =	vadd.s32 v0, v4  }
0x2a6: {  	[tilespmem:s8+$0x20] =	vst v4;
	v3 =	vadd.s32 v0, v3  }
0x2a7: {  	[tilespmem:s8+$0x30] =	vst v3;
	v3 =	vadd.s32 v0, v7  }
0x2a8: {  	s19 =	simm.s32 $0x0;
	[tilespmem:s8+$0x40] =	vst v3  }
0x2a9: {  	[tilespmem:s18], [sflag:$0x1] =	stream.indirect.gather [hbm4b:s1+s4], $0x40, s19, s4, $0xb8;
	[tilespmem:$0xF448] =	vst v63  }
0x2aa: {  	_ =	swait.ge [sflag:s23], $0x1400  }
0x2ab: {  	[sflag:s23] =	ssyncset.done $0x0  }
0x2ac: {  	s20 =	simm.s32 $0xFA0;
	[sflag:s23] =	ssyncadd.s32 $0xFFFFEC00  }
0x2ad: {  	[spmem:s2] =	stream.indirect.scatter.add.f32 [tilespmem:s18], [sflag:$0x2], $0x40, s20, s4, $0xb8;
	[tilespmem:$0xF448] =	vst v63  }
0x2ae: {  	_ =	swait.ge [sflag:s25], $0x1400  }
0x2af: {  	[sflag:s25] =	ssyncset.done $0x0  }
0x2b0: {  	[sflag:s25] =	ssyncadd.s32 $0xFFFFEC00  }
0x2b1: {  	[spmem:s3] =	stream.indirect.scatter.add.f32 [tilespmem:s13], [sflag:$0x2], $0x1, s20, s4, $0xb8;
	[tilespmem:$0xF448] =	vst v63  }
0x2b2: {  	_ =	swait.ge [sflag:s25], $0x50  }
0x2b3: {  	s11 =	simm.s32 $0x280;
	s8 =	simm.s32 $0x140;
	[sflag:s25] =	ssyncset.done $0x0  }
.LBB2_21:
0x2b4: {  	s19 =	sshra.s32 s8, $0x2  }
0x2b5: {  	[sflag:s25] =	ssyncadd.s32 $0xFFFFFFB0;
	s8 =	smov.u32 s11;
	s20 =	sadd.s32 $0x140, s11  }
0x2b6: {  	[tilespmem:s18], [sflag:$0x1] =	stream.indirect.gather [hbm4b:s1+s4], $0x40, s19, s4, $0xb8;
	[tilespmem:$0xF448] =	vst v63  }
0x2b7: {  	p0 =	sne.s32 s11, $0x3D40;
	_ =	swait.ge [sflag:s23], $0x1400  }
0x2b8: {  	[sflag:s23] =	ssyncset.done $0x0  }
0x2b9: {  	s11 =	sadd.s32 $0xFA0, s19;
	[sflag:s23] =	ssyncadd.s32 $0xFFFFEC00  }
0x2ba: {  	[spmem:s2] =	stream.indirect.scatter.add.f32 [tilespmem:s18], [sflag:$0x2], $0x40, s11, s4, $0xb8;
	[tilespmem:$0xF448] =	vst v63  }
0x2bb: {  	_ =	swait.ge [sflag:s25], $0x1400  }
.Ltmp9:
0x2bc: {  	[sflag:s25] =	ssyncset.done $0x0;
	(pc) =	sbr.rel @p0 .LBB2_21-.Ltmp9, $4  }
0x2bd: {  	[sflag:s25] =	ssyncadd.s32 $0xFFFFEC00  }
0x2be: {  	[spmem:s3] =	stream.indirect.scatter.add.f32 [tilespmem:s13], [sflag:$0x2], $0x1, s11, s4, $0xb8;
	[tilespmem:$0xF448] =	vst v63  }
0x2bf: {  	_ =	swait.ge [sflag:s25], $0x50  }
0x2c0: {  	s11 =	smov.u32 s20;
	[sflag:s25] =	ssyncset.done $0x0  }
0x2c1: {  	s8 =	sshra.s32 s8, $0x2;
	[sflag:s25] =	ssyncadd.s32 $0xFFFFFFB0  }
0x2c2: {  	[tilespmem:s18], [sflag:$0x1] =	stream.indirect.gather [hbm4b:s1+s4], $0x40, s8, s4, $0xb8;
	[tilespmem:$0xF448] =	vst v63  }
0x2c3: {  	_ =	swait.ge [sflag:s23], $0x1400  }
0x2c4: {  	[sflag:s23] =	ssyncset.done $0x0  }
0x2c5: {  	s8 =	sadd.s32 $0xFA0, s8;
	[sflag:s23] =	ssyncadd.s32 $0xFFFFEC00  }
0x2c6: {  	[spmem:s2] =	stream.indirect.scatter.add.f32 [tilespmem:s18], [sflag:$0x2], $0x40, s8, s4, $0xb8;
	[tilespmem:$0xF448] =	vst v63  }
0x2c7: {  	s16 =	sadd.s32 $0x1, s16;
	_ =	swait.ge [sflag:s25], $0x1400  }
0x2c8: {  	p0 =	sne.s32 s16, $0x5;
	[sflag:s25] =	ssyncset.done $0x0  }
.Ltmp10:
0x2c9: {  	[sflag:s25] =	ssyncadd.s32 $0xFFFFEC00;
	(pc) =	sbr.rel @p0 .LBB2_18-.Ltmp10, $4  }
0x2ca: {  	[spmem:s3] =	stream.indirect.scatter.add.f32 [tilespmem:s13], [sflag:$0x2], $0x1, s8, s4, $0xb8;
	[tilespmem:$0xF448] =	vst v63  }
0x2cb: {  	_ =	swait.ge [sflag:s25], $0x50  }
0x2cc: {  	[sflag:s25] =	ssyncset.done $0x0  }
0x2cd: {  	[sflag:s25] =	ssyncadd.s32 $0xFFFFFFB0  }
0x2ce: {  	[bflag:$0x0] =	sbarrier.arrive $0xFFFF  }
0x2cf: {  	[tilespmem:s0], [sflag:$0x2] =	stream.linear.gather [spmem:s12], $0x280, $0x38;
	[tilespmem:$0xF448] =	vst v63  }
0x2d0: {  	_ =	swait.ge [sflag:s25], $0x280  }
0x2d1: {  	s8 =	simm.s32 $0x0;
	[sflag:s25] =	ssyncset.done $0x0  }
0x2d2: {  	s16 =	simm.s32 $0x5550;
	s11 =	rddreg [dreg:$0xf];
	[sflag:s25] =	ssyncadd.s32 $0xFFFFFD80  }
0x2d3: {  	[tilespmem:s16], [sflag:$0x2] =	stream.linear.gather [hbm4b:s11+s8], $0x40, $0x38;
	[tilespmem:$0xF448] =	vst v63  }
0x2d4: {  	_ =	swait.ge [sflag:s25], $0x40  }
0x2d5: {  	s19 =	sadd.s32 $0x0, s9;
	[sflag:s25] =	ssyncset.done $0x0  }
0x2d6: {  	v3 =	vmov s19;
	[sflag:s25] =	ssyncadd.s32 $0xFFFFFFC0  }
0x2d7: {  	[tilespmem:s14], [sflag:$0x2] =	stream.linear.gather [spmem:s10], $0x1F40, $0x38;
	[tilespmem:$0xF448] =	vst v63  }
0x2d8: {  	_ =	swait.ge [sflag:s25], $0x1F40  }
0x2d9: {  	[sflag:s25] =	ssyncset.done $0x0  }
0x2da: {  	[sflag:s25] =	ssyncadd.s32 $0xFFFFE0C0  }
0x2db: {  	v3 =	vld.idx.msk [tilespmem:v3+s0+$0x0], $0xffff;
	_ =	sdelay $0x4  }
0x2dc: {  	v3 =	vmax.f32 v3, $1.000000000e+00  }
0x2dd: {  	(erf) = vrcp.f32 v3;
	_ =	sdelay $0x3  }
0x2de: {  	s16 =	simm.s32 $0x3360  }
0x2df: {  	v3 =	vld [tilespmem:s16+$0xFFFFFFE0];
	_ =	sdelay $0x1  }
0x2e0: {  	v4 =	vld [tilespmem:$0x5550];
	_ =	sdelay $0x1  }
0x2e1: {  	v5 =	vpop (erf)  }
0x2e2: {  	v3 =	vmul.f32 v5, v3;
	_ =	sdelay $0x1  }
0x2e3: {  	v3 =	vadd.f32 v3, v4  }
0x2e4: {  	v4 =	vld [tilespmem:s16+$0xFFFFFFF0]  }
0x2e5: {  	[tilespmem:s16+$0xFFFFFFE0] =	vst v3  }
0x2e6: {  	v3 =	vld [tilespmem:$0x5560];
	_ =	sdelay $0x2  }
0x2e7: {  	v4 =	vmul.f32 v4, v5;
	_ =	sdelay $0x1  }
0x2e8: {  	v3 =	vadd.f32 v3, v4  }
0x2e9: {  	v4 =	vld [tilespmem:s16+$0x0]  }
0x2ea: {  	[tilespmem:s16+$0xFFFFFFF0] =	vst v3  }
0x2eb: {  	v3 =	vld [tilespmem:$0x5570];
	_ =	sdelay $0x2  }
0x2ec: {  	v4 =	vmul.f32 v4, v5;
	_ =	sdelay $0x1  }
0x2ed: {  	v3 =	vadd.f32 v3, v4  }
0x2ee: {  	v4 =	vld [tilespmem:s16+$0x10]  }
0x2ef: {  	[tilespmem:s16+$0x0] =	vst v3  }
0x2f0: {  	v6 =	vld [tilespmem:$0x5580];
	_ =	sdelay $0x1  }
0x2f1: {  	s20 =	sadd.s32 $0x1, s9  }
0x2f2: {  	v3 =	vmov s20;
	v4 =	vmul.f32 v4, v5;
	_ =	sdelay $0x1  }
0x2f3: {  	s8 =	simm.s32 $0x2;
	v4 =	vadd.f32 v6, v4  }
.LBB2_24:
0x2f4: {  	p0 =	sne.s32 s8, $0x7C  }
0x2f5: {  	s11 =	smov.u32 s8;
	s8 =	sadd.s32 $0x1, s8;
	[tilespmem:s16+$0x10] =	vst v4;
	s16 =	sadd.s32 $0x40, s16  }
0x2f6: {  	v3 =	vld.idx.msk [tilespmem:v3+s0+$0x0], $0xffff;
	_ =	sdelay $0x5  }
0x2f7: {  	v3 =	vmax.f32 v3, $1.000000000e+00  }
0x2f8: {  	(erf) = vrcp.f32 v3;
	_ =	sdelay $0x4  }
0x2f9: {  	v3 =	vld [tilespmem:s16+$0xFFFFFFE0];
	_ =	sdelay $0x1  }
0x2fa: {  	v4 =	vld [tilespmem:$0x5550];
	_ =	sdelay $0x1  }
0x2fb: {  	v5 =	vpop (erf)  }
0x2fc: {  	v3 =	vmul.f32 v5, v3;
	_ =	sdelay $0x1  }
0x2fd: {  	v3 =	vadd.f32 v3, v4  }
0x2fe: {  	v4 =	vld [tilespmem:s16+$0xFFFFFFF0]  }
0x2ff: {  	[tilespmem:s16+$0xFFFFFFE0] =	vst v3  }
0x300: {  	v3 =	vld [tilespmem:$0x5560];
	_ =	sdelay $0x2  }
0x301: {  	v4 =	vmul.f32 v4, v5;
	_ =	sdelay $0x1  }
0x302: {  	v3 =	vadd.f32 v3, v4  }
0x303: {  	v4 =	vld [tilespmem:s16+$0x0]  }
0x304: {  	[tilespmem:s16+$0xFFFFFFF0] =	vst v3  }
0x305: {  	v3 =	vld [tilespmem:$0x5570];
	_ =	sdelay $0x2  }
0x306: {  	v4 =	vmul.f32 v4, v5;
	_ =	sdelay $0x1  }
0x307: {  	v3 =	vadd.f32 v3, v4  }
0x308: {  	v4 =	vld [tilespmem:s16+$0x10]  }
0x309: {  	[tilespmem:s16+$0x0] =	vst v3  }
0x30a: {  	v6 =	vld [tilespmem:$0x5580]  }
.Ltmp11:
0x30b: {  	(pc) =	sbr.rel @p0 .LBB2_24-.Ltmp11, $3  }
0x30c: {  	s11 =	sadd.s32 s9, s11  }
0x30d: {  	v3 =	vmov s11;
	v4 =	vmul.f32 v4, v5;
	_ =	sdelay $0x1  }
0x30e: {  	v4 =	vadd.f32 v6, v4  }
0x30f: {  	_ =	sdelay $0x2  }
0x310: {  	[tilespmem:s16+$0x10] =	vst v4  }
0x311: {  	v3 =	vld.idx.msk [tilespmem:v3+s0+$0x0], $0xffff;
	_ =	sdelay $0x4  }
0x312: {  	v3 =	vmax.f32 v3, $1.000000000e+00  }
0x313: {  	(erf) = vrcp.f32 v3;
	_ =	sdelay $0x3  }
0x314: {  	s8 =	sadd.s32 $0x40, s16  }
0x315: {  	v3 =	vld [tilespmem:s8+$0xFFFFFFE0];
	_ =	sdelay $0x1  }
0x316: {  	v4 =	vld [tilespmem:$0x5550];
	_ =	sdelay $0x1  }
0x317: {  	v5 =	vpop (erf)  }
0x318: {  	v3 =	vmul.f32 v5, v3;
	_ =	sdelay $0x1  }
0x319: {  	v3 =	vadd.f32 v3, v4  }
0x31a: {  	v4 =	vld [tilespmem:s8+$0xFFFFFFF0]  }
0x31b: {  	[tilespmem:s8+$0xFFFFFFE0] =	vst v3  }
0x31c: {  	v3 =	vld [tilespmem:$0x5560];
	_ =	sdelay $0x2  }
0x31d: {  	v4 =	vmul.f32 v4, v5;
	_ =	sdelay $0x1  }
0x31e: {  	v3 =	vadd.f32 v3, v4  }
0x31f: {  	v4 =	vld [tilespmem:s8+$0x0]  }
0x320: {  	[tilespmem:s8+$0xFFFFFFF0] =	vst v3  }
0x321: {  	v3 =	vld [tilespmem:$0x5570];
	_ =	sdelay $0x2  }
0x322: {  	v4 =	vmul.f32 v4, v5;
	_ =	sdelay $0x1  }
0x323: {  	v3 =	vadd.f32 v3, v4  }
0x324: {  	v4 =	vld [tilespmem:s8+$0x10]  }
0x325: {  	[tilespmem:s8+$0x0] =	vst v3  }
0x326: {  	v3 =	vld [tilespmem:$0x5580];
	_ =	sdelay $0x2  }
0x327: {  	v4 =	vmul.f32 v4, v5;
	_ =	sdelay $0x1  }
0x328: {  	v3 =	vadd.f32 v3, v4;
	_ =	sdelay $0x1  }
0x329: {  	s11 =	rddreg [dreg:$0x11];
	s16 =	simm.s32 $0x0;
	[tilespmem:s8+$0x10] =	vst v3  }
0x32a: {  	[hbm4b:s11+s16] =	stream.linear.scatter [tilespmem:s14], [sflag:$0x2], $0x1F40, $0x38;
	[tilespmem:$0xF448] =	vst v63  }
0x32b: {  	_ =	swait.ge [sflag:s25], $0x1F40  }
0x32c: {  	s17 =	sadd.s32 $0x0, s26;
	[sflag:s25] =	ssyncset.done $0x0  }
0x32d: {  	v3 =	vmov s17;
	s19 =	rddreg [dreg:$0xd];
	[sflag:s25] =	ssyncadd.s32 $0xFFFFE0C0  }
0x32e: {  	[tilespmem:s14], [sflag:$0x2] =	stream.linear.gather [spmem:s19], $0x1F40, $0x38;
	[tilespmem:$0xF448] =	vst v63  }
0x32f: {  	_ =	swait.ge [sflag:s25], $0x1F40  }
0x330: {  	[sflag:s25] =	ssyncset.done $0x0  }
0x331: {  	[sflag:s25] =	ssyncadd.s32 $0xFFFFE0C0  }
0x332: {  	v3 =	vld.idx.msk [tilespmem:v3+s0+$0x0], $0xffff;
	_ =	sdelay $0x4  }
0x333: {  	v3 =	vmax.f32 v3, $1.000000000e+00  }
0x334: {  	(erf) = vrcp.f32 v3;
	_ =	sdelay $0x3  }
0x335: {  	s16 =	simm.s32 $0x3360  }
0x336: {  	v3 =	vld [tilespmem:s16+$0xFFFFFFE0];
	_ =	sdelay $0x1  }
0x337: {  	v4 =	vld [tilespmem:$0x5550];
	_ =	sdelay $0x1  }
0x338: {  	v5 =	vpop (erf)  }
0x339: {  	v3 =	vmul.f32 v5, v3;
	_ =	sdelay $0x1  }
0x33a: {  	v3 =	vadd.f32 v3, v4  }
0x33b: {  	v4 =	vld [tilespmem:s16+$0xFFFFFFF0]  }
0x33c: {  	[tilespmem:s16+$0xFFFFFFE0] =	vst v3  }
0x33d: {  	v3 =	vld [tilespmem:$0x5560];
	_ =	sdelay $0x2  }
0x33e: {  	v4 =	vmul.f32 v4, v5;
	_ =	sdelay $0x1  }
0x33f: {  	v3 =	vadd.f32 v3, v4  }
0x340: {  	v4 =	vld [tilespmem:s16+$0x0]  }
0x341: {  	[tilespmem:s16+$0xFFFFFFF0] =	vst v3  }
0x342: {  	v3 =	vld [tilespmem:$0x5570];
	_ =	sdelay $0x2  }
0x343: {  	v4 =	vmul.f32 v4, v5;
	_ =	sdelay $0x1  }
0x344: {  	v3 =	vadd.f32 v3, v4  }
0x345: {  	v4 =	vld [tilespmem:s16+$0x10]  }
0x346: {  	[tilespmem:s16+$0x0] =	vst v3  }
0x347: {  	v6 =	vld [tilespmem:$0x5580];
	_ =	sdelay $0x1  }
0x348: {  	s20 =	sadd.s32 $0x1, s26  }
0x349: {  	v3 =	vmov s20;
	v4 =	vmul.f32 v4, v5;
	_ =	sdelay $0x1  }
0x34a: {  	s8 =	simm.s32 $0x2;
	v4 =	vadd.f32 v6, v4  }
.LBB2_26:
0x34b: {  	p0 =	sne.s32 s8, $0x7C  }
0x34c: {  	s11 =	smov.u32 s8;
	s8 =	sadd.s32 $0x1, s8;
	[tilespmem:s16+$0x10] =	vst v4;
	s16 =	sadd.s32 $0x40, s16  }
0x34d: {  	v3 =	vld.idx.msk [tilespmem:v3+s0+$0x0], $0xffff;
	_ =	sdelay $0x5  }
0x34e: {  	v3 =	vmax.f32 v3, $1.000000000e+00  }
0x34f: {  	(erf) = vrcp.f32 v3;
	_ =	sdelay $0x4  }
0x350: {  	v3 =	vld [tilespmem:s16+$0xFFFFFFE0];
	_ =	sdelay $0x1  }
0x351: {  	v4 =	vld [tilespmem:$0x5550];
	_ =	sdelay $0x1  }
0x352: {  	v5 =	vpop (erf)  }
0x353: {  	v3 =	vmul.f32 v5, v3;
	_ =	sdelay $0x1  }
0x354: {  	v3 =	vadd.f32 v3, v4  }
0x355: {  	v4 =	vld [tilespmem:s16+$0xFFFFFFF0]  }
0x356: {  	[tilespmem:s16+$0xFFFFFFE0] =	vst v3  }
0x357: {  	v3 =	vld [tilespmem:$0x5560];
	_ =	sdelay $0x2  }
0x358: {  	v4 =	vmul.f32 v4, v5;
	_ =	sdelay $0x1  }
0x359: {  	v3 =	vadd.f32 v3, v4  }
0x35a: {  	v4 =	vld [tilespmem:s16+$0x0]  }
0x35b: {  	[tilespmem:s16+$0xFFFFFFF0] =	vst v3  }
0x35c: {  	v3 =	vld [tilespmem:$0x5570];
	_ =	sdelay $0x2  }
0x35d: {  	v4 =	vmul.f32 v4, v5;
	_ =	sdelay $0x1  }
0x35e: {  	v3 =	vadd.f32 v3, v4  }
0x35f: {  	v4 =	vld [tilespmem:s16+$0x10]  }
0x360: {  	[tilespmem:s16+$0x0] =	vst v3  }
0x361: {  	v6 =	vld [tilespmem:$0x5580]  }
.Ltmp12:
0x362: {  	(pc) =	sbr.rel @p0 .LBB2_26-.Ltmp12, $3  }
0x363: {  	s11 =	sadd.s32 s26, s11  }
0x364: {  	v3 =	vmov s11;
	v4 =	vmul.f32 v4, v5;
	_ =	sdelay $0x1  }
0x365: {  	v4 =	vadd.f32 v6, v4  }
0x366: {  	_ =	sdelay $0x2  }
0x367: {  	[tilespmem:s16+$0x10] =	vst v4  }
0x368: {  	v3 =	vld.idx.msk [tilespmem:v3+s0+$0x0], $0xffff;
	_ =	sdelay $0x4  }
0x369: {  	v3 =	vmax.f32 v3, $1.000000000e+00  }
0x36a: {  	(erf) = vrcp.f32 v3;
	_ =	sdelay $0x3  }
0x36b: {  	s8 =	sadd.s32 $0x40, s16  }
0x36c: {  	v3 =	vld [tilespmem:s8+$0xFFFFFFE0];
	_ =	sdelay $0x1  }
0x36d: {  	v4 =	vld [tilespmem:$0x5550];
	_ =	sdelay $0x1  }
0x36e: {  	v5 =	vpop (erf)  }
0x36f: {  	v3 =	vmul.f32 v5, v3;
	_ =	sdelay $0x1  }
0x370: {  	v3 =	vadd.f32 v3, v4  }
0x371: {  	v4 =	vld [tilespmem:s8+$0xFFFFFFF0]  }
0x372: {  	[tilespmem:s8+$0xFFFFFFE0] =	vst v3  }
0x373: {  	v3 =	vld [tilespmem:$0x5560];
	_ =	sdelay $0x2  }
0x374: {  	v4 =	vmul.f32 v4, v5;
	_ =	sdelay $0x1  }
0x375: {  	v3 =	vadd.f32 v3, v4  }
0x376: {  	v4 =	vld [tilespmem:s8+$0x0]  }
0x377: {  	[tilespmem:s8+$0xFFFFFFF0] =	vst v3  }
0x378: {  	v3 =	vld [tilespmem:$0x5570];
	_ =	sdelay $0x2  }
0x379: {  	v4 =	vmul.f32 v4, v5;
	_ =	sdelay $0x1  }
0x37a: {  	v3 =	vadd.f32 v3, v4  }
0x37b: {  	v4 =	vld [tilespmem:s8+$0x10]  }
0x37c: {  	[tilespmem:s8+$0x0] =	vst v3  }
0x37d: {  	v3 =	vld [tilespmem:$0x5580];
	_ =	sdelay $0x2  }
0x37e: {  	v4 =	vmul.f32 v4, v5;
	_ =	sdelay $0x1  }
0x37f: {  	v3 =	vadd.f32 v3, v4;
	_ =	sdelay $0x1  }
0x380: {  	s11 =	rddreg [dreg:$0x12];
	s16 =	simm.s32 $0x0;
	[tilespmem:s8+$0x10] =	vst v3  }
0x381: {  	[hbm4b:s11+s16] =	stream.linear.scatter [tilespmem:s14], [sflag:$0x2], $0x1F40, $0x38;
	[tilespmem:$0xF448] =	vst v63  }
0x382: {  	_ =	swait.ge [sflag:s25], $0x1F40  }
0x383: {  	s17 =	sadd.s32 $0x0, s28;
	[sflag:s25] =	ssyncset.done $0x0  }
0x384: {  	v3 =	vmov s17;
	s19 =	rddreg [dreg:$0xe];
	[sflag:s25] =	ssyncadd.s32 $0xFFFFE0C0  }
0x385: {  	[tilespmem:s14], [sflag:$0x2] =	stream.linear.gather [spmem:s19], $0x1F40, $0x38;
	[tilespmem:$0xF448] =	vst v63  }
0x386: {  	_ =	swait.ge [sflag:s25], $0x1F40  }
0x387: {  	[sflag:s25] =	ssyncset.done $0x0  }
0x388: {  	[sflag:s25] =	ssyncadd.s32 $0xFFFFE0C0  }
0x389: {  	v3 =	vld.idx.msk [tilespmem:v3+s0+$0x0], $0xffff;
	_ =	sdelay $0x4  }
0x38a: {  	v3 =	vmax.f32 v3, $1.000000000e+00  }
0x38b: {  	(erf) = vrcp.f32 v3;
	_ =	sdelay $0x3  }
0x38c: {  	s16 =	simm.s32 $0x3360  }
0x38d: {  	v3 =	vld [tilespmem:s16+$0xFFFFFFE0];
	_ =	sdelay $0x1  }
0x38e: {  	v4 =	vld [tilespmem:$0x5550];
	_ =	sdelay $0x1  }
0x38f: {  	v5 =	vpop (erf)  }
0x390: {  	v3 =	vmul.f32 v5, v3;
	_ =	sdelay $0x1  }
0x391: {  	v3 =	vadd.f32 v3, v4  }
0x392: {  	v4 =	vld [tilespmem:s16+$0xFFFFFFF0]  }
0x393: {  	[tilespmem:s16+$0xFFFFFFE0] =	vst v3  }
0x394: {  	v3 =	vld [tilespmem:$0x5560];
	_ =	sdelay $0x2  }
0x395: {  	v4 =	vmul.f32 v4, v5;
	_ =	sdelay $0x1  }
0x396: {  	v3 =	vadd.f32 v3, v4  }
0x397: {  	v4 =	vld [tilespmem:s16+$0x0]  }
0x398: {  	[tilespmem:s16+$0xFFFFFFF0] =	vst v3  }
0x399: {  	v3 =	vld [tilespmem:$0x5570];
	_ =	sdelay $0x2  }
0x39a: {  	v4 =	vmul.f32 v4, v5;
	_ =	sdelay $0x1  }
0x39b: {  	v3 =	vadd.f32 v3, v4  }
0x39c: {  	v4 =	vld [tilespmem:s16+$0x10]  }
0x39d: {  	[tilespmem:s16+$0x0] =	vst v3  }
0x39e: {  	v6 =	vld [tilespmem:$0x5580];
	_ =	sdelay $0x1  }
0x39f: {  	s20 =	sadd.s32 $0x1, s28  }
0x3a0: {  	v3 =	vmov s20;
	v4 =	vmul.f32 v4, v5;
	_ =	sdelay $0x1  }
0x3a1: {  	s8 =	simm.s32 $0x2;
	v4 =	vadd.f32 v6, v4  }
.LBB2_28:
0x3a2: {  	p0 =	sne.s32 s8, $0x7C  }
0x3a3: {  	s11 =	smov.u32 s8;
	s8 =	sadd.s32 $0x1, s8;
	[tilespmem:s16+$0x10] =	vst v4;
	s16 =	sadd.s32 $0x40, s16  }
0x3a4: {  	v3 =	vld.idx.msk [tilespmem:v3+s0+$0x0], $0xffff;
	_ =	sdelay $0x5  }
0x3a5: {  	v3 =	vmax.f32 v3, $1.000000000e+00  }
0x3a6: {  	(erf) = vrcp.f32 v3;
	_ =	sdelay $0x4  }
0x3a7: {  	v3 =	vld [tilespmem:s16+$0xFFFFFFE0];
	_ =	sdelay $0x1  }
0x3a8: {  	v4 =	vld [tilespmem:$0x5550];
	_ =	sdelay $0x1  }
0x3a9: {  	v5 =	vpop (erf)  }
0x3aa: {  	v3 =	vmul.f32 v5, v3;
	_ =	sdelay $0x1  }
0x3ab: {  	v3 =	vadd.f32 v3, v4  }
0x3ac: {  	v4 =	vld [tilespmem:s16+$0xFFFFFFF0]  }
0x3ad: {  	[tilespmem:s16+$0xFFFFFFE0] =	vst v3  }
0x3ae: {  	v3 =	vld [tilespmem:$0x5560];
	_ =	sdelay $0x2  }
0x3af: {  	v4 =	vmul.f32 v4, v5;
	_ =	sdelay $0x1  }
0x3b0: {  	v3 =	vadd.f32 v3, v4  }
0x3b1: {  	v4 =	vld [tilespmem:s16+$0x0]  }
0x3b2: {  	[tilespmem:s16+$0xFFFFFFF0] =	vst v3  }
0x3b3: {  	v3 =	vld [tilespmem:$0x5570];
	_ =	sdelay $0x2  }
0x3b4: {  	v4 =	vmul.f32 v4, v5;
	_ =	sdelay $0x1  }
0x3b5: {  	v3 =	vadd.f32 v3, v4  }
0x3b6: {  	v4 =	vld [tilespmem:s16+$0x10]  }
0x3b7: {  	[tilespmem:s16+$0x0] =	vst v3  }
0x3b8: {  	v6 =	vld [tilespmem:$0x5580]  }
.Ltmp13:
0x3b9: {  	(pc) =	sbr.rel @p0 .LBB2_28-.Ltmp13, $3  }
0x3ba: {  	s11 =	sadd.s32 s28, s11  }
0x3bb: {  	v3 =	vmov s11;
	v4 =	vmul.f32 v4, v5;
	_ =	sdelay $0x1  }
0x3bc: {  	v4 =	vadd.f32 v6, v4  }
0x3bd: {  	_ =	sdelay $0x2  }
0x3be: {  	[tilespmem:s16+$0x10] =	vst v4  }
0x3bf: {  	v3 =	vld.idx.msk [tilespmem:v3+s0+$0x0], $0xffff;
	_ =	sdelay $0x4  }
0x3c0: {  	v3 =	vmax.f32 v3, $1.000000000e+00  }
0x3c1: {  	(erf) = vrcp.f32 v3;
	_ =	sdelay $0x3  }
0x3c2: {  	s8 =	sadd.s32 $0x40, s16  }
0x3c3: {  	v3 =	vld [tilespmem:s8+$0xFFFFFFE0];
	_ =	sdelay $0x1  }
0x3c4: {  	v4 =	vld [tilespmem:$0x5550];
	_ =	sdelay $0x1  }
0x3c5: {  	v5 =	vpop (erf)  }
0x3c6: {  	v3 =	vmul.f32 v5, v3;
	_ =	sdelay $0x1  }
0x3c7: {  	v3 =	vadd.f32 v3, v4  }
0x3c8: {  	v4 =	vld [tilespmem:s8+$0xFFFFFFF0]  }
0x3c9: {  	[tilespmem:s8+$0xFFFFFFE0] =	vst v3  }
0x3ca: {  	v3 =	vld [tilespmem:$0x5560];
	_ =	sdelay $0x2  }
0x3cb: {  	v4 =	vmul.f32 v4, v5;
	_ =	sdelay $0x1  }
0x3cc: {  	v3 =	vadd.f32 v3, v4  }
0x3cd: {  	v4 =	vld [tilespmem:s8+$0x0]  }
0x3ce: {  	[tilespmem:s8+$0xFFFFFFF0] =	vst v3  }
0x3cf: {  	v3 =	vld [tilespmem:$0x5570];
	_ =	sdelay $0x2  }
0x3d0: {  	v4 =	vmul.f32 v4, v5;
	_ =	sdelay $0x1  }
0x3d1: {  	v3 =	vadd.f32 v3, v4  }
0x3d2: {  	v4 =	vld [tilespmem:s8+$0x10]  }
0x3d3: {  	[tilespmem:s8+$0x0] =	vst v3  }
0x3d4: {  	v3 =	vld [tilespmem:$0x5580];
	_ =	sdelay $0x2  }
0x3d5: {  	v4 =	vmul.f32 v4, v5;
	_ =	sdelay $0x1  }
0x3d6: {  	v3 =	vadd.f32 v3, v4;
	_ =	sdelay $0x1  }
0x3d7: {  	s17 =	simm.s32 $0x0;
	s11 =	rddreg [dreg:$0x13];
	[tilespmem:s8+$0x10] =	vst v3  }
0x3d8: {  	[hbm4b:s11+s17] =	stream.linear.scatter [tilespmem:s14], [sflag:$0x2], $0x1F40, $0x38;
	[tilespmem:$0xF448] =	vst v63  }
0x3d9: {  	_ =	swait.ge [sflag:s25], $0x1F40  }
0x3da: {  	s19 =	sadd.s32 $0x0, s29;
	[sflag:s25] =	ssyncset.done $0x0  }
0x3db: {  	v3 =	vmov s19;
	[sflag:s25] =	ssyncadd.s32 $0xFFFFE0C0  }
0x3dc: {  	[tilespmem:s14], [sflag:$0x2] =	stream.linear.gather [spmem:s21], $0x1F40, $0x38;
	[tilespmem:$0xF448] =	vst v63  }
0x3dd: {  	_ =	swait.ge [sflag:s25], $0x1F40  }
0x3de: {  	[sflag:s25] =	ssyncset.done $0x0  }
0x3df: {  	[sflag:s25] =	ssyncadd.s32 $0xFFFFE0C0  }
0x3e0: {  	v3 =	vld.idx.msk [tilespmem:v3+s0+$0x0], $0xffff;
	_ =	sdelay $0x4  }
0x3e1: {  	v3 =	vmax.f32 v3, $1.000000000e+00  }
0x3e2: {  	(erf) = vrcp.f32 v3;
	_ =	sdelay $0x3  }
0x3e3: {  	s16 =	simm.s32 $0x3360  }
0x3e4: {  	v3 =	vld [tilespmem:s16+$0xFFFFFFE0];
	_ =	sdelay $0x1  }
0x3e5: {  	v4 =	vld [tilespmem:$0x5550];
	_ =	sdelay $0x1  }
0x3e6: {  	v5 =	vpop (erf)  }
0x3e7: {  	v3 =	vmul.f32 v5, v3;
	_ =	sdelay $0x1  }
0x3e8: {  	v3 =	vadd.f32 v3, v4  }
0x3e9: {  	v4 =	vld [tilespmem:s16+$0xFFFFFFF0]  }
0x3ea: {  	[tilespmem:s16+$0xFFFFFFE0] =	vst v3  }
0x3eb: {  	v3 =	vld [tilespmem:$0x5560];
	_ =	sdelay $0x2  }
0x3ec: {  	v4 =	vmul.f32 v4, v5;
	_ =	sdelay $0x1  }
0x3ed: {  	v3 =	vadd.f32 v3, v4  }
0x3ee: {  	v4 =	vld [tilespmem:s16+$0x0]  }
0x3ef: {  	[tilespmem:s16+$0xFFFFFFF0] =	vst v3  }
0x3f0: {  	v3 =	vld [tilespmem:$0x5570];
	_ =	sdelay $0x2  }
0x3f1: {  	v4 =	vmul.f32 v4, v5;
	_ =	sdelay $0x1  }
0x3f2: {  	v3 =	vadd.f32 v3, v4  }
0x3f3: {  	v4 =	vld [tilespmem:s16+$0x10]  }
0x3f4: {  	[tilespmem:s16+$0x0] =	vst v3  }
0x3f5: {  	v6 =	vld [tilespmem:$0x5580];
	_ =	sdelay $0x1  }
0x3f6: {  	s20 =	sadd.s32 $0x1, s29  }
0x3f7: {  	v3 =	vmov s20;
	v4 =	vmul.f32 v4, v5;
	_ =	sdelay $0x1  }
0x3f8: {  	s8 =	simm.s32 $0x2;
	v4 =	vadd.f32 v6, v4  }
.LBB2_30:
0x3f9: {  	p0 =	sne.s32 s8, $0x7C  }
0x3fa: {  	s11 =	smov.u32 s8;
	s8 =	sadd.s32 $0x1, s8;
	[tilespmem:s16+$0x10] =	vst v4;
	s16 =	sadd.s32 $0x40, s16  }
0x3fb: {  	v3 =	vld.idx.msk [tilespmem:v3+s0+$0x0], $0xffff;
	_ =	sdelay $0x5  }
0x3fc: {  	v3 =	vmax.f32 v3, $1.000000000e+00  }
0x3fd: {  	(erf) = vrcp.f32 v3;
	_ =	sdelay $0x4  }
0x3fe: {  	v3 =	vld [tilespmem:s16+$0xFFFFFFE0];
	_ =	sdelay $0x1  }
0x3ff: {  	v4 =	vld [tilespmem:$0x5550];
	_ =	sdelay $0x1  }
0x400: {  	v5 =	vpop (erf)  }
0x401: {  	v3 =	vmul.f32 v5, v3;
	_ =	sdelay $0x1  }
0x402: {  	v3 =	vadd.f32 v3, v4  }
0x403: {  	v4 =	vld [tilespmem:s16+$0xFFFFFFF0]  }
0x404: {  	[tilespmem:s16+$0xFFFFFFE0] =	vst v3  }
0x405: {  	v3 =	vld [tilespmem:$0x5560];
	_ =	sdelay $0x2  }
0x406: {  	v4 =	vmul.f32 v4, v5;
	_ =	sdelay $0x1  }
0x407: {  	v3 =	vadd.f32 v3, v4  }
0x408: {  	v4 =	vld [tilespmem:s16+$0x0]  }
0x409: {  	[tilespmem:s16+$0xFFFFFFF0] =	vst v3  }
0x40a: {  	v3 =	vld [tilespmem:$0x5570];
	_ =	sdelay $0x2  }
0x40b: {  	v4 =	vmul.f32 v4, v5;
	_ =	sdelay $0x1  }
0x40c: {  	v3 =	vadd.f32 v3, v4  }
0x40d: {  	v4 =	vld [tilespmem:s16+$0x10]  }
0x40e: {  	[tilespmem:s16+$0x0] =	vst v3  }
0x40f: {  	v6 =	vld [tilespmem:$0x5580]  }
.Ltmp14:
0x410: {  	(pc) =	sbr.rel @p0 .LBB2_30-.Ltmp14, $3  }
0x411: {  	s11 =	sadd.s32 s29, s11  }
0x412: {  	v3 =	vmov s11;
	v4 =	vmul.f32 v4, v5;
	_ =	sdelay $0x1  }
0x413: {  	v4 =	vadd.f32 v6, v4  }
0x414: {  	_ =	sdelay $0x2  }
0x415: {  	[tilespmem:s16+$0x10] =	vst v4  }
0x416: {  	v3 =	vld.idx.msk [tilespmem:v3+s0+$0x0], $0xffff;
	_ =	sdelay $0x4  }
0x417: {  	v3 =	vmax.f32 v3, $1.000000000e+00  }
0x418: {  	(erf) = vrcp.f32 v3;
	_ =	sdelay $0x3  }
0x419: {  	s8 =	sadd.s32 $0x40, s16  }
0x41a: {  	v3 =	vld [tilespmem:s8+$0xFFFFFFE0];
	_ =	sdelay $0x1  }
0x41b: {  	v4 =	vld [tilespmem:$0x5550];
	_ =	sdelay $0x1  }
0x41c: {  	v5 =	vpop (erf)  }
0x41d: {  	v3 =	vmul.f32 v5, v3;
	_ =	sdelay $0x1  }
0x41e: {  	v3 =	vadd.f32 v3, v4  }
0x41f: {  	v4 =	vld [tilespmem:s8+$0xFFFFFFF0]  }
0x420: {  	[tilespmem:s8+$0xFFFFFFE0] =	vst v3  }
0x421: {  	v3 =	vld [tilespmem:$0x5560];
	_ =	sdelay $0x2  }
0x422: {  	v4 =	vmul.f32 v4, v5;
	_ =	sdelay $0x1  }
0x423: {  	v3 =	vadd.f32 v3, v4  }
0x424: {  	v4 =	vld [tilespmem:s8+$0x0]  }
0x425: {  	[tilespmem:s8+$0xFFFFFFF0] =	vst v3  }
0x426: {  	v3 =	vld [tilespmem:$0x5570];
	_ =	sdelay $0x2  }
0x427: {  	v4 =	vmul.f32 v4, v5;
	_ =	sdelay $0x1  }
0x428: {  	v3 =	vadd.f32 v3, v4  }
0x429: {  	v4 =	vld [tilespmem:s8+$0x10]  }
0x42a: {  	[tilespmem:s8+$0x0] =	vst v3  }
0x42b: {  	v3 =	vld [tilespmem:$0x5580];
	_ =	sdelay $0x2  }
0x42c: {  	v4 =	vmul.f32 v4, v5;
	_ =	sdelay $0x1  }
0x42d: {  	v3 =	vadd.f32 v3, v4;
	_ =	sdelay $0x1  }
0x42e: {  	s17 =	simm.s32 $0x0;
	s11 =	rddreg [dreg:$0x14];
	[tilespmem:s8+$0x10] =	vst v3  }
0x42f: {  	[hbm4b:s11+s17] =	stream.linear.scatter [tilespmem:s14], [sflag:$0x2], $0x1F40, $0x38;
	[tilespmem:$0xF448] =	vst v63  }
0x430: {  	_ =	swait.ge [sflag:s25], $0x1F40  }
0x431: {  	s19 =	sadd.s32 $0x0, s30;
	[sflag:s25] =	ssyncset.done $0x0  }
0x432: {  	v3 =	vmov s19;
	[sflag:s25] =	ssyncadd.s32 $0xFFFFE0C0  }
0x433: {  	[tilespmem:s14], [sflag:$0x2] =	stream.linear.gather [spmem:s22], $0x1F40, $0x38;
	[tilespmem:$0xF448] =	vst v63  }
0x434: {  	_ =	swait.ge [sflag:s25], $0x1F40  }
0x435: {  	[sflag:s25] =	ssyncset.done $0x0  }
0x436: {  	[sflag:s25] =	ssyncadd.s32 $0xFFFFE0C0  }
0x437: {  	v3 =	vld.idx.msk [tilespmem:v3+s0+$0x0], $0xffff;
	_ =	sdelay $0x4  }
0x438: {  	v3 =	vmax.f32 v3, $1.000000000e+00  }
0x439: {  	(erf) = vrcp.f32 v3;
	_ =	sdelay $0x3  }
0x43a: {  	s16 =	simm.s32 $0x3360  }
0x43b: {  	v3 =	vld [tilespmem:s16+$0xFFFFFFE0];
	_ =	sdelay $0x1  }
0x43c: {  	v4 =	vld [tilespmem:$0x5550];
	_ =	sdelay $0x1  }
0x43d: {  	v5 =	vpop (erf)  }
0x43e: {  	v3 =	vmul.f32 v5, v3;
	_ =	sdelay $0x1  }
0x43f: {  	v3 =	vadd.f32 v3, v4  }
0x440: {  	v4 =	vld [tilespmem:s16+$0xFFFFFFF0]  }
0x441: {  	[tilespmem:s16+$0xFFFFFFE0] =	vst v3  }
0x442: {  	v3 =	vld [tilespmem:$0x5560];
	_ =	sdelay $0x2  }
0x443: {  	v4 =	vmul.f32 v4, v5;
	_ =	sdelay $0x1  }
0x444: {  	v3 =	vadd.f32 v3, v4  }
0x445: {  	v4 =	vld [tilespmem:s16+$0x0]  }
0x446: {  	[tilespmem:s16+$0xFFFFFFF0] =	vst v3  }
0x447: {  	v3 =	vld [tilespmem:$0x5570];
	_ =	sdelay $0x2  }
0x448: {  	v4 =	vmul.f32 v4, v5;
	_ =	sdelay $0x1  }
0x449: {  	v3 =	vadd.f32 v3, v4  }
0x44a: {  	v4 =	vld [tilespmem:s16+$0x10]  }
0x44b: {  	[tilespmem:s16+$0x0] =	vst v3  }
0x44c: {  	v6 =	vld [tilespmem:$0x5580];
	_ =	sdelay $0x1  }
0x44d: {  	s20 =	sadd.s32 $0x1, s30  }
0x44e: {  	v3 =	vmov s20;
	v4 =	vmul.f32 v4, v5;
	_ =	sdelay $0x1  }
0x44f: {  	s8 =	simm.s32 $0x2;
	v4 =	vadd.f32 v6, v4  }
.LBB2_32:
0x450: {  	p0 =	sne.s32 s8, $0x7C  }
0x451: {  	s11 =	smov.u32 s8;
	s8 =	sadd.s32 $0x1, s8;
	[tilespmem:s16+$0x10] =	vst v4;
	s16 =	sadd.s32 $0x40, s16  }
0x452: {  	v3 =	vld.idx.msk [tilespmem:v3+s0+$0x0], $0xffff;
	_ =	sdelay $0x5  }
0x453: {  	v3 =	vmax.f32 v3, $1.000000000e+00  }
0x454: {  	(erf) = vrcp.f32 v3;
	_ =	sdelay $0x4  }
0x455: {  	v3 =	vld [tilespmem:s16+$0xFFFFFFE0];
	_ =	sdelay $0x1  }
0x456: {  	v4 =	vld [tilespmem:$0x5550];
	_ =	sdelay $0x1  }
0x457: {  	v5 =	vpop (erf)  }
0x458: {  	v3 =	vmul.f32 v5, v3;
	_ =	sdelay $0x1  }
0x459: {  	v3 =	vadd.f32 v3, v4  }
0x45a: {  	v4 =	vld [tilespmem:s16+$0xFFFFFFF0]  }
0x45b: {  	[tilespmem:s16+$0xFFFFFFE0] =	vst v3  }
0x45c: {  	v3 =	vld [tilespmem:$0x5560];
	_ =	sdelay $0x2  }
0x45d: {  	v4 =	vmul.f32 v4, v5;
	_ =	sdelay $0x1  }
0x45e: {  	v3 =	vadd.f32 v3, v4  }
0x45f: {  	v4 =	vld [tilespmem:s16+$0x0]  }
0x460: {  	[tilespmem:s16+$0xFFFFFFF0] =	vst v3  }
0x461: {  	v3 =	vld [tilespmem:$0x5570];
	_ =	sdelay $0x2  }
0x462: {  	v4 =	vmul.f32 v4, v5;
	_ =	sdelay $0x1  }
0x463: {  	v3 =	vadd.f32 v3, v4  }
0x464: {  	v4 =	vld [tilespmem:s16+$0x10]  }
0x465: {  	[tilespmem:s16+$0x0] =	vst v3  }
0x466: {  	v6 =	vld [tilespmem:$0x5580]  }
.Ltmp15:
0x467: {  	(pc) =	sbr.rel @p0 .LBB2_32-.Ltmp15, $3  }
0x468: {  	s11 =	sadd.s32 s30, s11  }
0x469: {  	v3 =	vmov s11;
	v4 =	vmul.f32 v4, v5;
	_ =	sdelay $0x1  }
0x46a: {  	v4 =	vadd.f32 v6, v4  }
0x46b: {  	_ =	sdelay $0x2  }
0x46c: {  	[tilespmem:s16+$0x10] =	vst v4  }
0x46d: {  	v3 =	vld.idx.msk [tilespmem:v3+s0+$0x0], $0xffff;
	_ =	sdelay $0x4  }
0x46e: {  	v3 =	vmax.f32 v3, $1.000000000e+00  }
0x46f: {  	(erf) = vrcp.f32 v3;
	_ =	sdelay $0x3  }
0x470: {  	s8 =	sadd.s32 $0x40, s16  }
0x471: {  	v3 =	vld [tilespmem:s8+$0xFFFFFFE0];
	_ =	sdelay $0x1  }
0x472: {  	v4 =	vld [tilespmem:$0x5550];
	_ =	sdelay $0x1  }
0x473: {  	v5 =	vpop (erf)  }
0x474: {  	v3 =	vmul.f32 v5, v3;
	_ =	sdelay $0x1  }
0x475: {  	v3 =	vadd.f32 v3, v4  }
0x476: {  	v61 =	vld [tilespmem:s8+$0xFFFFFFF0]  }
0x477: {  	[tilespmem:s8+$0xFFFFFFE0] =	vst v3  }
0x478: {  	v3 =	vld [tilespmem:$0x5560];
	_ =	sdelay $0x2  }
0x479: {  	v4 =	vmul.f32 v61, v5;
	_ =	sdelay $0x1  }
0x47a: {  	v3 =	vadd.f32 v3, v4  }
0x47b: {  	v62 =	vld [tilespmem:s8+$0x0]  }
0x47c: {  	[tilespmem:s8+$0xFFFFFFF0] =	vst v3  }
0x47d: {  	v3 =	vld [tilespmem:$0x5570];
	_ =	sdelay $0x2  }
0x47e: {  	v4 =	vmul.f32 v62, v5;
	_ =	sdelay $0x1  }
0x47f: {  	v3 =	vadd.f32 v3, v4  }
0x480: {  	v63 =	vld [tilespmem:s8+$0x10]  }
0x481: {  	[tilespmem:s8+$0x0] =	vst v3  }
0x482: {  	v3 =	vld [tilespmem:$0x5580];
	_ =	sdelay $0x2  }
0x483: {  	v4 =	vmul.f32 v63, v5;
	_ =	sdelay $0x1  }
0x484: {  	v3 =	vadd.f32 v3, v4;
	_ =	sdelay $0x1  }
0x485: {  	s19 =	simm.s32 $0x0;
	s11 =	rddreg [dreg:$0x15];
	[tilespmem:s8+$0x10] =	vst v3  }
0x486: {  	[hbm4b:s11+s19] =	stream.linear.scatter [tilespmem:s14], [sflag:$0x2], $0x1F40, $0x38;
	[tilespmem:$0xF448] =	vst v63  }
0x487: {  	_ =	swait.ge [sflag:s25], $0x1F40  }
0x488: {  	s15 =	sadd.s32 $0x1, s15;
	s20 =	rddreg [dreg:$0x10]  }
0x489: {  	p0 =	sne.s32 s15, s20  }
.Ltmp16:
0x48a: {  	_ = 	snop;
	(pc) =	sbr.rel @p0 .LBB2_1-.Ltmp16, $3  }
0x48b: {  	[sflag:s25] =	ssyncset.done $0x0  }
0x48c: {  	[sflag:s25] =	ssyncadd.s32 $0xFFFFE0C0  }
0x48d: {  	[bflag:$0x0] =	sbarrier.arrive $0xFFFF;
	_ =	sdelay $0x1  }
0x48e: {  	_ =	sfence.sel $0x180000  }
0x48f: {  	[bflag:$0x0] =	sbarrier.arrive $0xFFFF  }
0x490: {  	_ =	strace $0x90000047  }
0x491: {  	s0 =	stileid.u32;
	[bflag:$0x2] =	sbarrier.arrive $0xFFFF  }
0x492: {  	p0 =	sne.s32 s0, $0x0;
	s0 =	rddreg [dreg:$0x4]  }
0x493: {  	s0 =	sadd.s32 @!p0 $0x100000, s0  }
0x494: {  	[sflag:s0] =	ssyncadd.tile.s32 @!p0 $0x1;
	_ =	shalt  }
.Lfunc_end2:
_tile_overlayer_lowered:
.L_overlay_start_2:
0x495: {  	(tag) =	ssettag $0x2  }
0x496: {  	s0 =	rddreg [dreg:$0x0];
	s2 =	stileid.u32  }
0x497: {  	s1 =	rddreg [dreg:$0x1];
	p0 =	sne.s32 s2, $0x0  }
0x498: {  	s3 =	rddreg [dreg:$0x2];
	[bflag:$0x3] =	sbarrier.arrive $0xFFFF;
	s2 =	simm.s32 @!p0 $0x1C02  }
0x499: {  	[timem:s3], [sflag:s2] =	dma.local @!p0 [hbm:s0], s1  }
0x49a: {  	s0 =	simm.s32 @!p0 $0x2  }
0x49b: {  	_ =	swait.ge @!p0 [sflag:s0], s1  }
0x49c: {  	s1 =	ssub.s32 @!p0 $0x0, s1;
	[sflag:s0] =	ssyncset.done @!p0 $0x0  }
0x49d: {  	[sflag:s0] =	ssyncadd.s32 @!p0 s1  }
0x49e: {  	[bflag:$0x3] =	sbarrier.arrive $0xFFFF  }
0x49f: {  	_ =	shalt  }

</sc_bundles>
